<compile_context>
chip_gen: v7x
topology: tpu7x:2x2x1
jax: 0.10.2.dev20260603
libtpu: 0.0.44.dev20260713+nightly
codegen_flags: <defaults>
</compile_context>

<pallas_src>
import functools

import jax
import jax.numpy as jnp
from jax import lax
from jax.experimental import pallas as pl
from jax.experimental.pallas import tpu as pltpu
from jax.experimental.pallas import tpu_sc as plsc

_LANES = 16
_D = 64
_ZSTRIDE = 65
_GT = 64


def _prep_body(nt_ref, wd_ref, wont_ref, bon_ref, wdut_ref, bdu_ref, bd_ref,
               pa_ref, g4_ref, b4_ref, ftab_ref, par_ref):
    wd = wd_ref[...]
    w0 = wd[0:16, :]
    w1 = wd[16:24, :]
    w2 = wd[24:28, :]
    c = bon_ref[...] @ w1 + bdu_ref[...] @ w2 + bd_ref[...]
    t = jnp.dot(nt_ref[...], w0, preferred_element_type=jnp.float32)
    ftab_ref[...] = t + c
    ut = lax.dot_general(w1, wont_ref[...], (((0,), (0,)), ((), ())))
    vt = lax.dot_general(w2, wdut_ref[...], (((0,), (0,)), ((), ())))
    dims = (_D, _LANES)
    par_ref[...] = jnp.concatenate([
        jnp.broadcast_to(ut, dims),
        jnp.broadcast_to(vt, dims),
        jnp.broadcast_to(g4_ref[...], dims),
        jnp.broadcast_to(b4_ref[...], dims),
        jnp.broadcast_to(pa_ref[...], (8, _LANES)),
    ], axis=0)


def _prep(note_table, W_on, b_on, W_du, b_du, W_dense, b_dense,
          prelu_a, gamma, beta):
    nt = jnp.zeros((96, 16), jnp.float32).at[:91, :].set(note_table)
    return pl.pallas_call(
        _prep_body,
        out_shape=[
            jax.ShapeDtypeStruct((96, _D), jnp.float32),
            jax.ShapeDtypeStruct((264, _LANES), jnp.float32),
        ],
    )(nt, W_dense, W_on.reshape(8, 1), b_on.reshape(1, 8),
      W_du.reshape(4, 1), b_du.reshape(1, 4), b_dense.reshape(1, _D),
      prelu_a.reshape(1, 1), gamma.reshape(_D, 1),
      beta.reshape(_D, 1))


def _sc_body(num_cores, tok_per_tile, chunk, nchunks,
             ftab_hbm, par_hbm, notes_hbm, on_hbm, du_hbm, out_hbm,
             tab_v, par_v,
             notes0_v, on0_v, du0_v, outbuf0_v, sem_in0, sem_out0,
             notes1_v, on1_v, du1_v, outbuf1_v, sem_in1, sem_out1,
             zbuf_v):
    wid = lax.axis_index("s") * num_cores + lax.axis_index("c")
    tile_base = wid * tok_per_tile
    pltpu.sync_copy(ftab_hbm, tab_v)
    pltpu.sync_copy(par_hbm, par_v)
    a_vec = par_v[pl.ds(4 * _D * _LANES, _LANES)]
    lane = lax.iota(jnp.int32, _LANES)
    f32z = jnp.zeros((_LANES,), jnp.float32)

    zbase = [(lane + q * _LANES) * _ZSTRIDE for q in range(4)]
    bufs = ((notes0_v, on0_v, du0_v, outbuf0_v, sem_in0, sem_out0),
            (notes1_v, on1_v, du1_v, outbuf1_v, sem_in1, sem_out1))

    def issue_in(base, p):
        nv, ov, dv_, _, si, _ = bufs[p]
        pltpu.async_copy(notes_hbm.at[pl.ds(base, chunk)], nv, si)
        pltpu.async_copy(on_hbm.at[pl.ds(base, chunk)], ov, si)
        pltpu.async_copy(du_hbm.at[pl.ds(base, chunk)], dv_, si)

    def wait_in(base, p):
        nv, ov, dv_, _, si, _ = bufs[p]
        pltpu.make_async_copy(notes_hbm.at[pl.ds(base, chunk)], nv, si).wait()
        pltpu.make_async_copy(on_hbm.at[pl.ds(base, chunk)], ov, si).wait()
        pltpu.make_async_copy(du_hbm.at[pl.ds(base, chunk)], dv_, si).wait()

    def out_slice(base):
        return out_hbm.at[pl.ds(base * _D, chunk * _D)]

    def do_chunk(ci, p):
        base = tile_base + ci * chunk
        notes_v, on_v, du_v, outbuf_v, _, so = bufs[p]
        wait_in(base, p)
        pltpu.make_async_copy(outbuf_v, out_slice(base), so).wait()

        def group_body(g, carry2):
            off = g * _GT
            gidx = [notes_v[pl.ds(off + q * _LANES, _LANES)] * (_D * _LANES)
                    + lane for q in range(4)]
            onv = [on_v[pl.ds(off + q * _LANES, _LANES)] for q in range(4)]
            duv = [du_v[pl.ds(off + q * _LANES, _LANES)] for q in range(4)]

            @plsc.parallel_loop(0, _D, 1, unroll=4, carry=(f32z,) * 8)
            def acc(d, acc_in):
                s1 = list(acc_in[:4])
                s2 = list(acc_in[4:])
                d16 = jnp.full((_LANES,), 0, jnp.int32) + d * _LANES
                dv = jnp.full((_LANES,), 0, jnp.int32) + d
                ud = par_v[pl.ds(d * _LANES, _LANES)]
                vd = par_v[pl.ds(_D * _LANES + d * _LANES, _LANES)]
                for q in range(4):
                    r = plsc.load_gather(tab_v, [gidx[q] + d16])
                    z = r + onv[q] * ud + duv[q] * vd
                    z = jnp.where(z >= 0.0, z, z * a_vec)
                    s1[q] = s1[q] + z
                    s2[q] = s2[q] + z * z
                    plsc.store_scatter(zbuf_v, [zbase[q] + dv], z)
                return tuple(s1) + tuple(s2)

            ys, b0s = [], []
            for q in range(4):
                mu = acc[q] * (1.0 / _D)
                var = acc[4 + q] * (1.0 / _D) - mu * mu
                x = var + 1e-5
                i = plsc.bitcast(x, jnp.int32)
                i = jnp.int32(0x5F3759DF) - lax.shift_right_logical(i, 1)
                y = plsc.bitcast(i, jnp.float32)
                y = y * (1.5 - 0.5 * x * y * y)
                y = y * (1.5 - 0.5 * x * y * y)
                ys.append(y)
                b0s.append(-(mu * y))

            @plsc.parallel_loop(0, _D, 1, unroll=4)
            def _(d):
                dv = jnp.full((_LANES,), 0, jnp.int32) + d
                gd = par_v[pl.ds(2 * _D * _LANES + d * _LANES, _LANES)]
                bd = par_v[pl.ds(3 * _D * _LANES + d * _LANES, _LANES)]
                for q in range(4):
                    idx = zbase[q] + dv
                    z = plsc.load_gather(zbuf_v, [idx])
                    o = (z * ys[q] + b0s[q]) * gd + bd
                    plsc.store_scatter(zbuf_v, [idx], o)

            off64 = off * _D

            @plsc.parallel_loop(0, _GT, 1, unroll=8)
            def _(j):
                zrow = j * _ZSTRIDE
                orow = off64 + j * _D
                for q2 in range(4):
                    outbuf_v[pl.ds(orow + q2 * _LANES, _LANES)] = (
                        zbuf_v[pl.ds(zrow + q2 * _LANES, _LANES)])
            return carry2

        lax.fori_loop(0, chunk // _GT, group_body, 0)
        pltpu.async_copy(outbuf_v, out_slice(base), so)
        nxt = jnp.minimum(ci + 2, nchunks - 2 + p)
        issue_in(tile_base + nxt * chunk, p)

    issue_in(tile_base, 0)
    issue_in(tile_base + chunk, 1)
    pltpu.async_copy(outbuf0_v, out_slice(tile_base), sem_out0)
    pltpu.async_copy(outbuf1_v, out_slice(tile_base + chunk), sem_out1)

    def pair_body(k, carry):
        do_chunk(k * 2, 0)
        do_chunk(k * 2 + 1, 1)
        return carry

    lax.fori_loop(0, nchunks // 2, pair_body, 0)
    last = tile_base + (nchunks - 2) * chunk
    wait_in(last, 0)
    wait_in(last + chunk, 1)
    pltpu.make_async_copy(outbuf0_v, out_slice(last), sem_out0).wait()
    pltpu.make_async_copy(outbuf1_v, out_slice(last + chunk), sem_out1).wait()


def kernel(notes, onsets, durations, note_table, W_on, b_on, W_du, b_du,
           W_dense, b_dense, prelu_a, gamma, beta):
    bsz, seq, _ = notes.shape
    n_tok = bsz * seq
    notes_f = notes.reshape(n_tok).astype(jnp.int32)
    on_f = onsets.reshape(n_tok).astype(jnp.float32)
    du_f = durations.reshape(n_tok).astype(jnp.float32)

    ftab, par = _prep(note_table, W_on, b_on, W_du, b_du, W_dense, b_dense,
                      prelu_a, gamma, beta)
    ftab_rep = jnp.broadcast_to(ftab.reshape(96 * _D, 1),
                                (96 * _D, _LANES)).reshape(96 * _D * _LANES)

    mesh = plsc.VectorSubcoreMesh(core_axis_name="c", subcore_axis_name="s")
    n_tiles = mesh.num_cores * mesh.num_subcores
    tok_per_tile = n_tok // n_tiles
    chunk = 128
    nchunks = tok_per_tile // chunk

    body = functools.partial(_sc_body, mesh.num_cores, tok_per_tile,
                             chunk, nchunks)
    out = pl.kernel(
        body,
        out_type=jax.ShapeDtypeStruct((n_tok * _D,), jnp.float32),
        mesh=mesh,
        compiler_params=pltpu.CompilerParams(needs_layout_passes=False),
        scratch_types=(
            [pltpu.VMEM((96 * _D * _LANES,), jnp.float32),
             pltpu.VMEM((264 * _LANES,), jnp.float32)]
            + 2 * [pltpu.VMEM((chunk,), jnp.int32),
                   pltpu.VMEM((chunk,), jnp.float32),
                   pltpu.VMEM((chunk,), jnp.float32),
                   pltpu.VMEM((chunk * _D,), jnp.float32),
                   pltpu.SemaphoreType.DMA,
                   pltpu.SemaphoreType.DMA]
            + [pltpu.VMEM((_GT * _ZSTRIDE,), jnp.float32)]
        ),
    )(ftab_rep, par.reshape(264 * _LANES), notes_f, on_f, du_f)
    return out.reshape(bsz, seq, _D)

# --- scband reference (transcript-rebuilt; emitter-appended) ---
"""Pipeline reference for scband-embedding-vicent-77111842832399 (READ-ONLY COPY).

The authoritative reference and input builder live on the scoring server;
editing this copy changes nothing except your own understanding.
"""

import jax, jax.numpy as jnp
import numpy as np

B, L = 4096, 200
VOCAB, NOTE_DIM, ON_DIM, DU_DIM, OUT_DIM = 91, 16, 8, 4, 64

def setup_inputs(seed: int = 0) -> dict:
    key = jax.random.key(seed)
    ks = jax.random.split(key, 8)
    notes = jax.random.randint(ks[0], (B, L, 1), 0, VOCAB, dtype=jnp.int64 if jax.config.jax_enable_x64 else jnp.int32)
    onsets = jax.random.uniform(ks[1], (B, L, 1), dtype=jnp.float32)
    durations = jax.random.uniform(ks[2], (B, L, 1), dtype=jnp.float32)
    note_table = jax.random.normal(ks[3], (VOCAB, NOTE_DIM), dtype=jnp.float32)
    W_on = jax.random.normal(ks[4], (1, ON_DIM), dtype=jnp.float32) * 0.1
    b_on = jnp.zeros((ON_DIM,), dtype=jnp.float32)
    W_du = jax.random.normal(ks[5], (1, DU_DIM), dtype=jnp.float32) * 0.1
    b_du = jnp.zeros((DU_DIM,), dtype=jnp.float32)
    W_dense = jax.random.normal(ks[6], (NOTE_DIM + ON_DIM + DU_DIM, OUT_DIM), dtype=jnp.float32) * 0.1
    b_dense = jnp.zeros((OUT_DIM,), dtype=jnp.float32)
    prelu_a = jnp.full((1,), 0.25, dtype=jnp.float32)
    gamma = jnp.ones((OUT_DIM,), dtype=jnp.float32)
    beta = jnp.zeros((OUT_DIM,), dtype=jnp.float32)
    return {"notes": notes, "onsets": onsets, "durations": durations,
            "note_table": note_table, "W_on": W_on, "b_on": b_on,
            "W_du": W_du, "b_du": b_du, "W_dense": W_dense, "b_dense": b_dense,
            "prelu_a": prelu_a, "gamma": gamma, "beta": beta}

def reference(notes, onsets, durations, note_table, W_on, b_on, W_du, b_du, W_dense, b_dense, prelu_a, gamma, beta):
    # nn.Embedding lookup on [B, L, 1] then squeeze(2) -> [B, L, 16]
    note_emb = jnp.take(note_table, notes[..., 0], axis=0)
    # nn.Linear(1, 8) and nn.Linear(1, 4)
    onset_emb = onsets @ W_on + b_on
    dur_emb = durations @ W_du + b_du
    x = jnp.concatenate([note_emb, onset_emb, dur_emb], axis=2)  # [B, L, 28]
    x = x @ W_dense + b_dense  # [B, L, 64]
    # PReLU with single learned slope
    x = jnp.where(x >= 0, x, prelu_a * x)
    # LayerNorm over last dim (eps=1e-5)
    mu = jnp.mean(x, axis=-1, keepdims=True)
    var = jnp.var(x, axis=-1, keepdims=True)
    x = (x - mu) / jnp.sqrt(var + 1e-5)
    return x * gamma + beta

if __name__ == "__main__":
    import jax
    _d = setup_inputs()
    print(jax.jit(kernel)(*tuple(_d.values())))

</pallas_src>

<mosaic_0001>
#map = affine_map<(d0, d1) -> (0)>
module attributes {stable_mosaic.version = 14 : i64} {
  func.func @_sc_body(%arg0: i32, %arg1: i32, %arg2: memref<98304xf32, #tpu.memory_space<hbm>>, %arg3: memref<4224xf32, #tpu.memory_space<hbm>>, %arg4: memref<819200xi32, #tpu.memory_space<hbm>>, %arg5: memref<819200xf32, #tpu.memory_space<hbm>>, %arg6: memref<819200xf32, #tpu.memory_space<hbm>>, %arg7: memref<52428800xf32, #tpu.memory_space<hbm>>, %arg8: memref<98304xf32, #tpu.memory_space<vmem>>, %arg9: memref<4224xf32, #tpu.memory_space<vmem>>, %arg10: memref<128xi32, #tpu.memory_space<vmem>>, %arg11: memref<128xf32, #tpu.memory_space<vmem>>, %arg12: memref<128xf32, #tpu.memory_space<vmem>>, %arg13: memref<8192xf32, #tpu.memory_space<vmem>>, %arg14: memref<!tpu.dma_semaphore, #tpu.memory_space<semaphore_mem>>, %arg15: memref<!tpu.dma_semaphore, #tpu.memory_space<semaphore_mem>>, %arg16: memref<128xi32, #tpu.memory_space<vmem>>, %arg17: memref<128xf32, #tpu.memory_space<vmem>>, %arg18: memref<128xf32, #tpu.memory_space<vmem>>, %arg19: memref<8192xf32, #tpu.memory_space<vmem>>, %arg20: memref<!tpu.dma_semaphore, #tpu.memory_space<semaphore_mem>>, %arg21: memref<!tpu.dma_semaphore, #tpu.memory_space<semaphore_mem>>, %arg22: memref<4160xf32, #tpu.memory_space<vmem>>) attributes {dimension_semantics = [#tpu.dimension_semantics<core_parallel>, #tpu.dimension_semantics<subcore_parallel>], iteration_bounds = array<i64: 2, 16>, scalar_prefetch = 0 : i64, scratch_operands = 15 : i64, tpu.core_type = #tpu.core_type<sc_vector_subcore>, window_params = [{transform_indices = #map}, {transform_indices = #map}, {transform_indices = #map}, {transform_indices = #map}, {transform_indices = #map}, {transform_indices = #map}]} {
    %mul3A = arith.constant 2 : i32
    %mul3A_0 = arith.muli %arg1, %mul3A : i32
    %add3A = arith.addi %mul3A_0, %arg0 : i32
    %mul3A_1 = arith.constant 25600 : i32
    %mul3A_2 = arith.muli %add3A, %mul3A_1 : i32
    "tpu.region"() ({
      %run_scoped3A = tpu.sem_alloc : memref<!tpu.dma_semaphore, #tpu.memory_space<semaphore_mem>>
      tpu.enqueue_dma source(%arg2 : memref<98304xf32, #tpu.memory_space<hbm>>) target(%arg8 : memref<98304xf32, #tpu.memory_space<vmem>>) target_semaphore(%run_scoped3A : memref<!tpu.dma_semaphore, #tpu.memory_space<semaphore_mem>>)
      tpu.wait_dma2 semaphore(%run_scoped3A : memref<!tpu.dma_semaphore, #tpu.memory_space<semaphore_mem>>) src(%arg2 : memref<98304xf32, #tpu.memory_space<hbm>>) dst(%arg8 : memref<98304xf32, #tpu.memory_space<vmem>>)
      tpu.yield
    }) : () -> ()
    "tpu.region"() ({
      %run_scoped3A = tpu.sem_alloc : memref<!tpu.dma_semaphore, #tpu.memory_space<semaphore_mem>>
      tpu.enqueue_dma source(%arg3 : memref<4224xf32, #tpu.memory_space<hbm>>) target(%arg9 : memref<4224xf32, #tpu.memory_space<vmem>>) target_semaphore(%run_scoped3A : memref<!tpu.dma_semaphore, #tpu.memory_space<semaphore_mem>>)
      tpu.wait_dma2 semaphore(%run_scoped3A : memref<!tpu.dma_semaphore, #tpu.memory_space<semaphore_mem>>) src(%arg3 : memref<4224xf32, #tpu.memory_space<hbm>>) dst(%arg9 : memref<4224xf32, #tpu.memory_space<vmem>>)
      tpu.yield
    }) : () -> ()
    %get3A = arith.constant 4096 : index
    %get3A_3 = tpu.vector_load %arg9[%get3A] {strides = array<i32>} : memref<4224xf32, #tpu.memory_space<vmem>>, vector<16xf32>,
    %iota3A = tpu.iota {dimensions = array<i32: 0>} : vector<16xi32>
    %broadcast_in_dim3A = arith.constant 0.000000e+00 : f32
    %broadcast_in_dim3A_4 = vector.broadcast %broadcast_in_dim3A : f32 to vector<16xf32>
    %add3A_5 = arith.constant 0 : i32
    %add3A_6 = vector.broadcast %add3A_5 : i32 to vector<16xi32>
    %add3A_7 = arith.addi %iota3A, %add3A_6 : vector<16xi32>
    %mul3A_8 = arith.constant 65 : i32
    %mul3A_9 = vector.broadcast %mul3A_8 : i32 to vector<16xi32>
    %mul3A_10 = arith.muli %add3A_7, %mul3A_9 : vector<16xi32>
    %add3A_11 = arith.constant 16 : i32
    %add3A_12 = vector.broadcast %add3A_11 : i32 to vector<16xi32>
    %add3A_13 = arith.addi %iota3A, %add3A_12 : vector<16xi32>
    %mul3A_14 = arith.constant 65 : i32
    %mul3A_15 = vector.broadcast %mul3A_14 : i32 to vector<16xi32>
    %mul3A_16 = arith.muli %add3A_13, %mul3A_15 : vector<16xi32>
    %add3A_17 = arith.constant 32 : i32
    %add3A_18 = vector.broadcast %add3A_17 : i32 to vector<16xi32>
    %add3A_19 = arith.addi %iota3A, %add3A_18 : vector<16xi32>
    %mul3A_20 = arith.constant 65 : i32
    %mul3A_21 = vector.broadcast %mul3A_20 : i32 to vector<16xi32>
    %mul3A_22 = arith.muli %add3A_19, %mul3A_21 : vector<16xi32>
    %add3A_23 = arith.constant 48 : i32
    %add3A_24 = vector.broadcast %add3A_23 : i32 to vector<16xi32>
    %add3A_25 = arith.addi %iota3A, %add3A_24 : vector<16xi32>
    %mul3A_26 = arith.constant 65 : i32
    %mul3A_27 = vector.broadcast %mul3A_26 : i32 to vector<16xi32>
    %mul3A_28 = arith.muli %add3A_25, %mul3A_27 : vector<16xi32>
    %dma_start3A = tpu.memref_slice %arg4[%mul3A_2] : memref<819200xi32, #tpu.memory_space<hbm>> -> memref<128xi32, #tpu.memory_space<hbm>>
    %dma_start3A_29 = tpu.memref_slice %arg4[%mul3A_2] : memref<819200xi32, #tpu.memory_space<hbm>> -> memref<128xi32, #tpu.memory_space<hbm>>
    tpu.enqueue_dma source(%dma_start3A_29 : memref<128xi32, #tpu.memory_space<hbm>>) target(%arg10 : memref<128xi32, #tpu.memory_space<vmem>>) target_semaphore(%arg14 : memref<!tpu.dma_semaphore, #tpu.memory_space<semaphore_mem>>)
    %dma_start3A_30 = tpu.memref_slice %arg5[%mul3A_2] : memref<819200xf32, #tpu.memory_space<hbm>> -> memref<128xf32, #tpu.memory_space<hbm>>
    %dma_start3A_31 = tpu.memref_slice %arg5[%mul3A_2] : memref<819200xf32, #tpu.memory_space<hbm>> -> memref<128xf32, #tpu.memory_space<hbm>>
    tpu.enqueue_dma source(%dma_start3A_31 : memref<128xf32, #tpu.memory_space<hbm>>) target(%arg11 : memref<128xf32, #tpu.memory_space<vmem>>) target_semaphore(%arg14 : memref<!tpu.dma_semaphore, #tpu.memory_space<semaphore_mem>>)
    %dma_start3A_32 = tpu.memref_slice %arg6[%mul3A_2] : memref<819200xf32, #tpu.memory_space<hbm>> -> memref<128xf32, #tpu.memory_space<hbm>>
    %dma_start3A_33 = tpu.memref_slice %arg6[%mul3A_2] : memref<819200xf32, #tpu.memory_space<hbm>> -> memref<128xf32, #tpu.memory_space<hbm>>
    tpu.enqueue_dma source(%dma_start3A_33 : memref<128xf32, #tpu.memory_space<hbm>>) target(%arg12 : memref<128xf32, #tpu.memory_space<vmem>>) target_semaphore(%arg14 : memref<!tpu.dma_semaphore, #tpu.memory_space<semaphore_mem>>)
    %add3A_34 = arith.constant 128 : i32
    %add3A_35 = arith.addi %mul3A_2, %add3A_34 : i32
    %dma_start3A_36 = tpu.memref_slice %arg4[%add3A_35] : memref<819200xi32, #tpu.memory_space<hbm>> -> memref<128xi32, #tpu.memory_space<hbm>>
    %dma_start3A_37 = tpu.memref_slice %arg4[%add3A_35] : memref<819200xi32, #tpu.memory_space<hbm>> -> memref<128xi32, #tpu.memory_space<hbm>>
    tpu.enqueue_dma source(%dma_start3A_37 : memref<128xi32, #tpu.memory_space<hbm>>) target(%arg16 : memref<128xi32, #tpu.memory_space<vmem>>) target_semaphore(%arg20 : memref<!tpu.dma_semaphore, #tpu.memory_space<semaphore_mem>>)
    %dma_start3A_38 = tpu.memref_slice %arg5[%add3A_35] : memref<819200xf32, #tpu.memory_space<hbm>> -> memref<128xf32, #tpu.memory_space<hbm>>
    %dma_start3A_39 = tpu.memref_slice %arg5[%add3A_35] : memref<819200xf32, #tpu.memory_space<hbm>> -> memref<128xf32, #tpu.memory_space<hbm>>
    tpu.enqueue_dma source(%dma_start3A_39 : memref<128xf32, #tpu.memory_space<hbm>>) target(%arg17 : memref<128xf32, #tpu.memory_space<vmem>>) target_semaphore(%arg20 : memref<!tpu.dma_semaphore, #tpu.memory_space<semaphore_mem>>)
    %dma_start3A_40 = tpu.memref_slice %arg6[%add3A_35] : memref<819200xf32, #tpu.memory_space<hbm>> -> memref<128xf32, #tpu.memory_space<hbm>>
    %dma_start3A_41 = tpu.memref_slice %arg6[%add3A_35] : memref<819200xf32, #tpu.memory_space<hbm>> -> memref<128xf32, #tpu.memory_space<hbm>>
    tpu.enqueue_dma source(%dma_start3A_41 : memref<128xf32, #tpu.memory_space<hbm>>) target(%arg18 : memref<128xf32, #tpu.memory_space<vmem>>) target_semaphore(%arg20 : memref<!tpu.dma_semaphore, #tpu.memory_space<semaphore_mem>>)
    %mul3A_42 = arith.constant 64 : i32
    %mul3A_43 = arith.muli %mul3A_2, %mul3A_42 : i32
    %dma_start3A_44 = tpu.memref_slice %arg7[%mul3A_43] : memref<52428800xf32, #tpu.memory_space<hbm>> -> memref<8192xf32, #tpu.memory_space<hbm>>
    %dma_start3A_45 = tpu.memref_slice %arg7[%mul3A_43] : memref<52428800xf32, #tpu.memory_space<hbm>> -> memref<8192xf32, #tpu.memory_space<hbm>>
    tpu.enqueue_dma source(%arg13 : memref<8192xf32, #tpu.memory_space<vmem>>) target(%dma_start3A_45 : memref<8192xf32, #tpu.memory_space<hbm>>) target_semaphore(%arg15 : memref<!tpu.dma_semaphore, #tpu.memory_space<semaphore_mem>>)
    %add3A_46 = arith.constant 128 : i32
    %add3A_47 = arith.addi %mul3A_2, %add3A_46 : i32
    %mul3A_48 = arith.constant 64 : i32
    %mul3A_49 = arith.muli %add3A_47, %mul3A_48 : i32
    %dma_start3A_50 = tpu.memref_slice %arg7[%mul3A_49] : memref<52428800xf32, #tpu.memory_space<hbm>> -> memref<8192xf32, #tpu.memory_space<hbm>>
    %dma_start3A_51 = tpu.memref_slice %arg7[%mul3A_49] : memref<52428800xf32, #tpu.memory_space<hbm>> -> memref<8192xf32, #tpu.memory_space<hbm>>
    tpu.enqueue_dma source(%arg19 : memref<8192xf32, #tpu.memory_space<vmem>>) target(%dma_start3A_51 : memref<8192xf32, #tpu.memory_space<hbm>>) target_semaphore(%arg21 : memref<!tpu.dma_semaphore, #tpu.memory_space<semaphore_mem>>)
    %scan3A = arith.constant 0 : i32
    %scan3A_52 = arith.constant 0 : i32
    %scan3A_53 = arith.constant 100 : i32
    %scan3A_54 = arith.addi %scan3A_52, %scan3A_53 : i32
    %scan3A_55 = arith.constant 1 : i32
    scf.for %scan3A_82 = %scan3A_52 to %scan3A_54 step %scan3A_55  : i32 {
      %mul3A_83 = arith.constant 2 : i32
      %mul3A_84 = arith.muli %scan3A_82, %mul3A_83 : i32
      %mul3A_85 = arith.constant 128 : i32
      %mul3A_86 = arith.muli %mul3A_84, %mul3A_85 : i32
      %add3A_87 = arith.addi %mul3A_2, %mul3A_86 : i32
      %dma_wait3A_88 = tpu.memref_slice %arg4[%add3A_87] : memref<819200xi32, #tpu.memory_space<hbm>> -> memref<128xi32, #tpu.memory_space<hbm>>
      %dma_wait3A_89 = tpu.memref_slice %arg4[%add3A_87] : memref<819200xi32, #tpu.memory_space<hbm>> -> memref<128xi32, #tpu.memory_space<hbm>>
      tpu.wait_dma2 semaphore(%arg14 : memref<!tpu.dma_semaphore, #tpu.memory_space<semaphore_mem>>) src(%dma_wait3A_89 : memref<128xi32, #tpu.memory_space<hbm>>) dst(%arg10 : memref<128xi32, #tpu.memory_space<vmem>>)
      %dma_wait3A_90 = tpu.memref_slice %arg5[%add3A_87] : memref<819200xf32, #tpu.memory_space<hbm>> -> memref<128xf32, #tpu.memory_space<hbm>>
      %dma_wait3A_91 = tpu.memref_slice %arg5[%add3A_87] : memref<819200xf32, #tpu.memory_space<hbm>> -> memref<128xf32, #tpu.memory_space<hbm>>
      tpu.wait_dma2 semaphore(%arg14 : memref<!tpu.dma_semaphore, #tpu.memory_space<semaphore_mem>>) src(%dma_wait3A_91 : memref<128xf32, #tpu.memory_space<hbm>>) dst(%arg11 : memref<128xf32, #tpu.memory_space<vmem>>)
      %dma_wait3A_92 = tpu.memref_slice %arg6[%add3A_87] : memref<819200xf32, #tpu.memory_space<hbm>> -> memref<128xf32, #tpu.memory_space<hbm>>
      %dma_wait3A_93 = tpu.memref_slice %arg6[%add3A_87] : memref<819200xf32, #tpu.memory_space<hbm>> -> memref<128xf32, #tpu.memory_space<hbm>>
      tpu.wait_dma2 semaphore(%arg14 : memref<!tpu.dma_semaphore, #tpu.memory_space<semaphore_mem>>) src(%dma_wait3A_93 : memref<128xf32, #tpu.memory_space<hbm>>) dst(%arg12 : memref<128xf32, #tpu.memory_space<vmem>>)
      %mul3A_94 = arith.constant 64 : i32
      %mul3A_95 = arith.muli %add3A_87, %mul3A_94 : i32
      %dma_wait3A_96 = tpu.memref_slice %arg7[%mul3A_95] : memref<52428800xf32, #tpu.memory_space<hbm>> -> memref<8192xf32, #tpu.memory_space<hbm>>
      %dma_wait3A_97 = tpu.memref_slice %arg7[%mul3A_95] : memref<52428800xf32, #tpu.memory_space<hbm>> -> memref<8192xf32, #tpu.memory_space<hbm>>
      tpu.wait_dma2 semaphore(%arg15 : memref<!tpu.dma_semaphore, #tpu.memory_space<semaphore_mem>>) src(%arg13 : memref<8192xf32, #tpu.memory_space<vmem>>) dst(%dma_wait3A_97 : memref<8192xf32, #tpu.memory_space<hbm>>)
      %scan3A_98 = arith.constant 0 : i32
      %scan3A_99 = arith.constant 0 : i32
      %scan3A_100 = arith.constant 2 : i32
      %scan3A_101 = arith.addi %scan3A_99, %scan3A_100 : i32
      %scan3A_102 = arith.constant 1 : i32
      scf.for %scan3A_160 = %scan3A_99 to %scan3A_101 step %scan3A_102  : i32 {
        %mul3A_161 = arith.constant 64 : i32
        %mul3A_162 = arith.muli %scan3A_160, %mul3A_161 : i32
        %add3A_163 = arith.constant 0 : i32
        %add3A_164 = arith.addi %mul3A_162, %add3A_163 : i32
        %get3A_165 = arith.index_cast %add3A_164 : i32 to index
        %get3A_166 = tpu.vector_load %arg10[%get3A_165] {strides = array<i32>} : memref<128xi32, #tpu.memory_space<vmem>>, vector<16xi32>,
        %mul3A_167 = arith.constant 1024 : i32
        %mul3A_168 = vector.broadcast %mul3A_167 : i32 to vector<16xi32>
        %mul3A_169 = arith.muli %get3A_166, %mul3A_168 : vector<16xi32>
        %add3A_170 = arith.addi %mul3A_169, %iota3A : vector<16xi32>
        %add3A_171 = arith.constant 16 : i32
        %add3A_172 = arith.addi %mul3A_162, %add3A_171 : i32
        %get3A_173 = arith.index_cast %add3A_172 : i32 to index
        %get3A_174 = tpu.vector_load %arg10[%get3A_173] {strides = array<i32>} : memref<128xi32, #tpu.memory_space<vmem>>, vector<16xi32>,
        %mul3A_175 = arith.constant 1024 : i32
        %mul3A_176 = vector.broadcast %mul3A_175 : i32 to vector<16xi32>
        %mul3A_177 = arith.muli %get3A_174, %mul3A_176 : vector<16xi32>
        %add3A_178 = arith.addi %mul3A_177, %iota3A : vector<16xi32>
        %add3A_179 = arith.constant 32 : i32
        %add3A_180 = arith.addi %mul3A_162, %add3A_179 : i32
        %get3A_181 = arith.index_cast %add3A_180 : i32 to index
        %get3A_182 = tpu.vector_load %arg10[%get3A_181] {strides = array<i32>} : memref<128xi32, #tpu.memory_space<vmem>>, vector<16xi32>,
        %mul3A_183 = arith.constant 1024 : i32
        %mul3A_184 = vector.broadcast %mul3A_183 : i32 to vector<16xi32>
        %mul3A_185 = arith.muli %get3A_182, %mul3A_184 : vector<16xi32>
        %add3A_186 = arith.addi %mul3A_185, %iota3A : vector<16xi32>
        %add3A_187 = arith.constant 48 : i32
        %add3A_188 = arith.addi %mul3A_162, %add3A_187 : i32
        %get3A_189 = arith.index_cast %add3A_188 : i32 to index
        %get3A_190 = tpu.vector_load %arg10[%get3A_189] {strides = array<i32>} : memref<128xi32, #tpu.memory_space<vmem>>, vector<16xi32>,
        %mul3A_191 = arith.constant 1024 : i32
        %mul3A_192 = vector.broadcast %mul3A_191 : i32 to vector<16xi32>
        %mul3A_193 = arith.muli %get3A_190, %mul3A_192 : vector<16xi32>
        %add3A_194 = arith.addi %mul3A_193, %iota3A : vector<16xi32>
        %add3A_195 = arith.constant 0 : i32
        %add3A_196 = arith.addi %mul3A_162, %add3A_195 : i32
        %get3A_197 = arith.index_cast %add3A_196 : i32 to index
        %get3A_198 = tpu.vector_load %arg11[%get3A_197] {strides = array<i32>} : memref<128xf32, #tpu.memory_space<vmem>>, vector<16xf32>,
        %add3A_199 = arith.constant 16 : i32
        %add3A_200 = arith.addi %mul3A_162, %add3A_199 : i32
        %get3A_201 = arith.index_cast %add3A_200 : i32 to index
        %get3A_202 = tpu.vector_load %arg11[%get3A_201] {strides = array<i32>} : memref<128xf32, #tpu.memory_space<vmem>>, vector<16xf32>,
        %add3A_203 = arith.constant 32 : i32
        %add3A_204 = arith.addi %mul3A_162, %add3A_203 : i32
        %get3A_205 = arith.index_cast %add3A_204 : i32 to index
        %get3A_206 = tpu.vector_load %arg11[%get3A_205] {strides = array<i32>} : memref<128xf32, #tpu.memory_space<vmem>>, vector<16xf32>,
        %add3A_207 = arith.constant 48 : i32
        %add3A_208 = arith.addi %mul3A_162, %add3A_207 : i32
        %get3A_209 = arith.index_cast %add3A_208 : i32 to index
        %get3A_210 = tpu.vector_load %arg11[%get3A_209] {strides = array<i32>} : memref<128xf32, #tpu.memory_space<vmem>>, vector<16xf32>,
        %add3A_211 = arith.constant 0 : i32
        %add3A_212 = arith.addi %mul3A_162, %add3A_211 : i32
        %get3A_213 = arith.index_cast %add3A_212 : i32 to index
        %get3A_214 = tpu.vector_load %arg12[%get3A_213] {strides = array<i32>} : memref<128xf32, #tpu.memory_space<vmem>>, vector<16xf32>,
        %add3A_215 = arith.constant 16 : i32
        %add3A_216 = arith.addi %mul3A_162, %add3A_215 : i32
        %get3A_217 = arith.index_cast %add3A_216 : i32 to index
        %get3A_218 = tpu.vector_load %arg12[%get3A_217] {strides = array<i32>} : memref<128xf32, #tpu.memory_space<vmem>>, vector<16xf32>,
        %add3A_219 = arith.constant 32 : i32
        %add3A_220 = arith.addi %mul3A_162, %add3A_219 : i32
        %get3A_221 = arith.index_cast %add3A_220 : i32 to index
        %get3A_222 = tpu.vector_load %arg12[%get3A_221] {strides = array<i32>} : memref<128xf32, #tpu.memory_space<vmem>>, vector<16xf32>,
        %add3A_223 = arith.constant 48 : i32
        %add3A_224 = arith.addi %mul3A_162, %add3A_223 : i32
        %get3A_225 = arith.index_cast %add3A_224 : i32 to index
        %get3A_226 = tpu.vector_load %arg12[%get3A_225] {strides = array<i32>} : memref<128xf32, #tpu.memory_space<vmem>>, vector<16xf32>,
        %parallel_loop3A = arith.constant 0 : i32
        %parallel_loop3A_227 = arith.constant 64 : i32
        %parallel_loop3A_228 = arith.constant 1 : i32
        %parallel_loop3A_229:8 = scf.for %parallel_loop3A_398 = %parallel_loop3A to %parallel_loop3A_227 step %parallel_loop3A_228 iter_args(%parallel_loop3A_399 = %broadcast_in_dim3A_4, %parallel_loop3A_400 = %broadcast_in_dim3A_4, %parallel_loop3A_401 = %broadcast_in_dim3A_4, %parallel_loop3A_402 = %broadcast_in_dim3A_4, %parallel_loop3A_403 = %broadcast_in_dim3A_4, %parallel_loop3A_404 = %broadcast_in_dim3A_4, %parallel_loop3A_405 = %broadcast_in_dim3A_4, %parallel_loop3A_406 = %broadcast_in_dim3A_4) -> (vector<16xf32>, vector<16xf32>, vector<16xf32>, vector<16xf32>, vector<16xf32>, vector<16xf32>, vector<16xf32>, vector<16xf32>)  : i32 {
          %parallel_loop3A_407 = arith.constant 0 : i32
          %parallel_loop3A_408 = vector.broadcast %parallel_loop3A_407 : i32 to vector<16xi32>
          %parallel_loop3A_409 = arith.constant 16 : i32
          %parallel_loop3A_410 = arith.muli %parallel_loop3A_398, %parallel_loop3A_409 : i32
          %parallel_loop3A_411 = vector.broadcast %parallel_loop3A_410 : i32 to vector<16xi32>
          %parallel_loop3A_412 = arith.addi %parallel_loop3A_408, %parallel_loop3A_411 : vector<16xi32>
          %parallel_loop3A_413 = arith.constant 0 : i32
          %parallel_loop3A_414 = vector.broadcast %parallel_loop3A_413 : i32 to vector<16xi32>
          %parallel_loop3A_415 = vector.broadcast %parallel_loop3A_398 : i32 to vector<16xi32>
          %parallel_loop3A_416 = arith.addi %parallel_loop3A_414, %parallel_loop3A_415 : vector<16xi32>
          %parallel_loop3A_417 = arith.constant 16 : i32
          %parallel_loop3A_418 = arith.muli %parallel_loop3A_398, %parallel_loop3A_417 : i32
          %parallel_loop3A_419 = arith.index_cast %parallel_loop3A_418 : i32 to index
          %parallel_loop3A_420 = tpu.vector_load %arg9[%parallel_loop3A_419] {strides = array<i32>} : memref<4224xf32, #tpu.memory_space<vmem>>, vector<16xf32>,
          %parallel_loop3A_421 = arith.constant 16 : i32
          %parallel_loop3A_422 = arith.muli %parallel_loop3A_398, %parallel_loop3A_421 : i32
          %parallel_loop3A_423 = arith.constant 1024 : i32
          %parallel_loop3A_424 = arith.addi %parallel_loop3A_423, %parallel_loop3A_422 : i32
          %parallel_loop3A_425 = arith.index_cast %parallel_loop3A_424 : i32 to index
          %parallel_loop3A_426 = tpu.vector_load %arg9[%parallel_loop3A_425] {strides = array<i32>} : memref<4224xf32, #tpu.memory_space<vmem>>, vector<16xf32>,
          %parallel_loop3A_427 = arith.addi %add3A_170, %parallel_loop3A_412 : vector<16xi32>
          %parallel_loop3A_428 = tpu.vector_load_idx %arg8[%parallel_loop3A_427] : memref<98304xf32, #tpu.memory_space<vmem>>[vector<16xi32>], vector<16xf32>,
          %parallel_loop3A_429 = arith.mulf %get3A_198, %parallel_loop3A_420 : vector<16xf32>
          %parallel_loop3A_430 = arith.addf %parallel_loop3A_428, %parallel_loop3A_429 : vector<16xf32>
          %parallel_loop3A_431 = arith.mulf %get3A_214, %parallel_loop3A_426 : vector<16xf32>
          %parallel_loop3A_432 = arith.addf %parallel_loop3A_430, %parallel_loop3A_431 : vector<16xf32>
          %parallel_loop3A_433 = arith.constant 0.000000e+00 : f32
          %parallel_loop3A_434 = vector.broadcast %parallel_loop3A_433 : f32 to vector<16xf32>
          %parallel_loop3A_435 = arith.cmpf oge, %parallel_loop3A_432, %parallel_loop3A_434 : vector<16xf32>
          %parallel_loop3A_436 = arith.mulf %parallel_loop3A_432, %get3A_3 : vector<16xf32>
          %parallel_loop3A_437 = arith.select %parallel_loop3A_435, %parallel_loop3A_432, %parallel_loop3A_436 : vector<16xi1>, vector<16xf32>
          %parallel_loop3A_438 = arith.addf %parallel_loop3A_399, %parallel_loop3A_437 : vector<16xf32>
          %parallel_loop3A_439 = arith.mulf %parallel_loop3A_437, %parallel_loop3A_437 : vector<16xf32>
          %parallel_loop3A_440 = arith.addf %parallel_loop3A_403, %parallel_loop3A_439 : vector<16xf32>
          %parallel_loop3A_441 = arith.addi %mul3A_10, %parallel_loop3A_416 : vector<16xi32>
          tpu.vector_store_idx %arg22[%parallel_loop3A_441], %parallel_loop3A_437 : memref<4160xf32, #tpu.memory_space<vmem>>[vector<16xi32>], vector<16xf32>,
          %parallel_loop3A_442 = arith.addi %add3A_178, %parallel_loop3A_412 : vector<16xi32>
          %parallel_loop3A_443 = tpu.vector_load_idx %arg8[%parallel_loop3A_442] : memref<98304xf32, #tpu.memory_space<vmem>>[vector<16xi32>], vector<16xf32>,
          %parallel_loop3A_444 = arith.mulf %get3A_202, %parallel_loop3A_420 : vector<16xf32>
          %parallel_loop3A_445 = arith.addf %parallel_loop3A_443, %parallel_loop3A_444 : vector<16xf32>
          %parallel_loop3A_446 = arith.mulf %get3A_218, %parallel_loop3A_426 : vector<16xf32>
          %parallel_loop3A_447 = arith.addf %parallel_loop3A_445, %parallel_loop3A_446 : vector<16xf32>
          %parallel_loop3A_448 = arith.constant 0.000000e+00 : f32
          %parallel_loop3A_449 = vector.broadcast %parallel_loop3A_448 : f32 to vector<16xf32>
          %parallel_loop3A_450 = arith.cmpf oge, %parallel_loop3A_447, %parallel_loop3A_449 : vector<16xf32>
          %parallel_loop3A_451 = arith.mulf %parallel_loop3A_447, %get3A_3 : vector<16xf32>
          %parallel_loop3A_452 = arith.select %parallel_loop3A_450, %parallel_loop3A_447, %parallel_loop3A_451 : vector<16xi1>, vector<16xf32>
          %parallel_loop3A_453 = arith.addf %parallel_loop3A_400, %parallel_loop3A_452 : vector<16xf32>
          %parallel_loop3A_454 = arith.mulf %parallel_loop3A_452, %parallel_loop3A_452 : vector<16xf32>
          %parallel_loop3A_455 = arith.addf %parallel_loop3A_404, %parallel_loop3A_454 : vector<16xf32>
          %parallel_loop3A_456 = arith.addi %mul3A_16, %parallel_loop3A_416 : vector<16xi32>
          tpu.vector_store_idx %arg22[%parallel_loop3A_456], %parallel_loop3A_452 : memref<4160xf32, #tpu.memory_space<vmem>>[vector<16xi32>], vector<16xf32>,
          %parallel_loop3A_457 = arith.addi %add3A_186, %parallel_loop3A_412 : vector<16xi32>
          %parallel_loop3A_458 = tpu.vector_load_idx %arg8[%parallel_loop3A_457] : memref<98304xf32, #tpu.memory_space<vmem>>[vector<16xi32>], vector<16xf32>,
          %parallel_loop3A_459 = arith.mulf %get3A_206, %parallel_loop3A_420 : vector<16xf32>
          %parallel_loop3A_460 = arith.addf %parallel_loop3A_458, %parallel_loop3A_459 : vector<16xf32>
          %parallel_loop3A_461 = arith.mulf %get3A_222, %parallel_loop3A_426 : vector<16xf32>
          %parallel_loop3A_462 = arith.addf %parallel_loop3A_460, %parallel_loop3A_461 : vector<16xf32>
          %parallel_loop3A_463 = arith.constant 0.000000e+00 : f32
          %parallel_loop3A_464 = vector.broadcast %parallel_loop3A_463 : f32 to vector<16xf32>
          %parallel_loop3A_465 = arith.cmpf oge, %parallel_loop3A_462, %parallel_loop3A_464 : vector<16xf32>
          %parallel_loop3A_466 = arith.mulf %parallel_loop3A_462, %get3A_3 : vector<16xf32>
          %parallel_loop3A_467 = arith.select %parallel_loop3A_465, %parallel_loop3A_462, %parallel_loop3A_466 : vector<16xi1>, vector<16xf32>
          %parallel_loop3A_468 = arith.addf %parallel_loop3A_401, %parallel_loop3A_467 : vector<16xf32>
          %parallel_loop3A_469 = arith.mulf %parallel_loop3A_467, %parallel_loop3A_467 : vector<16xf32>
          %parallel_loop3A_470 = arith.addf %parallel_loop3A_405, %parallel_loop3A_469 : vector<16xf32>
          %parallel_loop3A_471 = arith.addi %mul3A_22, %parallel_loop3A_416 : vector<16xi32>
          tpu.vector_store_idx %arg22[%parallel_loop3A_471], %parallel_loop3A_467 : memref<4160xf32, #tpu.memory_space<vmem>>[vector<16xi32>], vector<16xf32>,
          %parallel_loop3A_472 = arith.addi %add3A_194, %parallel_loop3A_412 : vector<16xi32>
          %parallel_loop3A_473 = tpu.vector_load_idx %arg8[%parallel_loop3A_472] : memref<98304xf32, #tpu.memory_space<vmem>>[vector<16xi32>], vector<16xf32>,
          %parallel_loop3A_474 = arith.mulf %get3A_210, %parallel_loop3A_420 : vector<16xf32>
          %parallel_loop3A_475 = arith.addf %parallel_loop3A_473, %parallel_loop3A_474 : vector<16xf32>
          %parallel_loop3A_476 = arith.mulf %get3A_226, %parallel_loop3A_426 : vector<16xf32>
          %parallel_loop3A_477 = arith.addf %parallel_loop3A_475, %parallel_loop3A_476 : vector<16xf32>
          %parallel_loop3A_478 = arith.constant 0.000000e+00 : f32
          %parallel_loop3A_479 = vector.broadcast %parallel_loop3A_478 : f32 to vector<16xf32>
          %parallel_loop3A_480 = arith.cmpf oge, %parallel_loop3A_477, %parallel_loop3A_479 : vector<16xf32>
          %parallel_loop3A_481 = arith.mulf %parallel_loop3A_477, %get3A_3 : vector<16xf32>
          %parallel_loop3A_482 = arith.select %parallel_loop3A_480, %parallel_loop3A_477, %parallel_loop3A_481 : vector<16xi1>, vector<16xf32>
          %parallel_loop3A_483 = arith.addf %parallel_loop3A_402, %parallel_loop3A_482 : vector<16xf32>
          %parallel_loop3A_484 = arith.mulf %parallel_loop3A_482, %parallel_loop3A_482 : vector<16xf32>
          %parallel_loop3A_485 = arith.addf %parallel_loop3A_406, %parallel_loop3A_484 : vector<16xf32>
          %parallel_loop3A_486 = arith.addi %mul3A_28, %parallel_loop3A_416 : vector<16xi32>
          tpu.vector_store_idx %arg22[%parallel_loop3A_486], %parallel_loop3A_482 : memref<4160xf32, #tpu.memory_space<vmem>>[vector<16xi32>], vector<16xf32>,
          scf.yield %parallel_loop3A_438, %parallel_loop3A_453, %parallel_loop3A_468, %parallel_loop3A_483, %parallel_loop3A_440, %parallel_loop3A_455, %parallel_loop3A_470, %parallel_loop3A_485 : vector<16xf32>, vector<16xf32>, vector<16xf32>, vector<16xf32>, vector<16xf32>, vector<16xf32>, vector<16xf32>, vector<16xf32>
        } {sc.loop_unroll_factor = 4 : i64, sc.parallel_access}
        %mul3A_230 = arith.constant 1.562500e-02 : f32
        %mul3A_231 = vector.broadcast %mul3A_230 : f32 to vector<16xf32>
        %mul3A_232 = arith.mulf %parallel_loop3A_229#0, %mul3A_231 : vector<16xf32>
        %mul3A_233 = arith.constant 1.562500e-02 : f32
        %mul3A_234 = vector.broadcast %mul3A_233 : f32 to vector<16xf32>
        %mul3A_235 = arith.mulf %parallel_loop3A_229#4, %mul3A_234 : vector<16xf32>
        %mul3A_236 = arith.mulf %mul3A_232, %mul3A_232 : vector<16xf32>
        %sub3A = arith.subf %mul3A_235, %mul3A_236 : vector<16xf32>
        %add3A_237 = arith.constant 9.99999974E-6 : f32
        %add3A_238 = vector.broadcast %add3A_237 : f32 to vector<16xf32>
        %add3A_239 = arith.addf %sub3A, %add3A_238 : vector<16xf32>
        %bitcast3A = vector.bitcast %add3A_239 : vector<16xf32> to vector<16xi32>
        %shift_right_logical3A = arith.constant 1 : i32
        %shift_right_logical3A_240 = vector.broadcast %shift_right_logical3A : i32 to vector<16xi32>
        %shift_right_logical3A_241 = arith.shrui %bitcast3A, %shift_right_logical3A_240 : vector<16xi32>
        %sub3A_242 = arith.constant 1597463007 : i32
        %sub3A_243 = vector.broadcast %sub3A_242 : i32 to vector<16xi32>
        %sub3A_244 = arith.subi %sub3A_243, %shift_right_logical3A_241 : vector<16xi32>
        %bitcast3A_245 = vector.bitcast %sub3A_244 : vector<16xi32> to vector<16xf32>
        %mul3A_246 = arith.constant 5.000000e-01 : f32
        %mul3A_247 = vector.broadcast %mul3A_246 : f32 to vector<16xf32>
        %mul3A_248 = arith.mulf %mul3A_247, %add3A_239 : vector<16xf32>
        %mul3A_249 = arith.mulf %mul3A_248, %bitcast3A_245 : vector<16xf32>
        %mul3A_250 = arith.mulf %mul3A_249, %bitcast3A_245 : vector<16xf32>
        %sub3A_251 = arith.constant 1.500000e+00 : f32
        %sub3A_252 = vector.broadcast %sub3A_251 : f32 to vector<16xf32>
        %sub3A_253 = arith.subf %sub3A_252, %mul3A_250 : vector<16xf32>
        %mul3A_254 = arith.mulf %bitcast3A_245, %sub3A_253 : vector<16xf32>
        %mul3A_255 = arith.constant 5.000000e-01 : f32
        %mul3A_256 = vector.broadcast %mul3A_255 : f32 to vector<16xf32>
        %mul3A_257 = arith.mulf %mul3A_256, %add3A_239 : vector<16xf32>
        %mul3A_258 = arith.mulf %mul3A_257, %mul3A_254 : vector<16xf32>
        %mul3A_259 = arith.mulf %mul3A_258, %mul3A_254 : vector<16xf32>
        %sub3A_260 = arith.constant 1.500000e+00 : f32
        %sub3A_261 = vector.broadcast %sub3A_260 : f32 to vector<16xf32>
        %sub3A_262 = arith.subf %sub3A_261, %mul3A_259 : vector<16xf32>
        %mul3A_263 = arith.mulf %mul3A_254, %sub3A_262 : vector<16xf32>
        %mul3A_264 = arith.mulf %mul3A_232, %mul3A_263 : vector<16xf32>
        %neg3A = arith.constant 0.000000e+00 : f32
        %neg3A_265 = vector.broadcast %neg3A : f32 to vector<16xf32>
        %neg3A_266 = arith.subf %neg3A_265, %mul3A_264 : vector<16xf32>
        %mul3A_267 = arith.constant 1.562500e-02 : f32
        %mul3A_268 = vector.broadcast %mul3A_267 : f32 to vector<16xf32>
        %mul3A_269 = arith.mulf %parallel_loop3A_229#1, %mul3A_268 : vector<16xf32>
        %mul3A_270 = arith.constant 1.562500e-02 : f32
        %mul3A_271 = vector.broadcast %mul3A_270 : f32 to vector<16xf32>
        %mul3A_272 = arith.mulf %parallel_loop3A_229#5, %mul3A_271 : vector<16xf32>
        %mul3A_273 = arith.mulf %mul3A_269, %mul3A_269 : vector<16xf32>
        %sub3A_274 = arith.subf %mul3A_272, %mul3A_273 : vector<16xf32>
        %add3A_275 = arith.constant 9.99999974E-6 : f32
        %add3A_276 = vector.broadcast %add3A_275 : f32 to vector<16xf32>
        %add3A_277 = arith.addf %sub3A_274, %add3A_276 : vector<16xf32>
        %bitcast3A_278 = vector.bitcast %add3A_277 : vector<16xf32> to vector<16xi32>
        %shift_right_logical3A_279 = arith.constant 1 : i32
        %shift_right_logical3A_280 = vector.broadcast %shift_right_logical3A_279 : i32 to vector<16xi32>
        %shift_right_logical3A_281 = arith.shrui %bitcast3A_278, %shift_right_logical3A_280 : vector<16xi32>
        %sub3A_282 = arith.constant 1597463007 : i32
        %sub3A_283 = vector.broadcast %sub3A_282 : i32 to vector<16xi32>
        %sub3A_284 = arith.subi %sub3A_283, %shift_right_logical3A_281 : vector<16xi32>
        %bitcast3A_285 = vector.bitcast %sub3A_284 : vector<16xi32> to vector<16xf32>
        %mul3A_286 = arith.constant 5.000000e-01 : f32
        %mul3A_287 = vector.broadcast %mul3A_286 : f32 to vector<16xf32>
        %mul3A_288 = arith.mulf %mul3A_287, %add3A_277 : vector<16xf32>
        %mul3A_289 = arith.mulf %mul3A_288, %bitcast3A_285 : vector<16xf32>
        %mul3A_290 = arith.mulf %mul3A_289, %bitcast3A_285 : vector<16xf32>
        %sub3A_291 = arith.constant 1.500000e+00 : f32
        %sub3A_292 = vector.broadcast %sub3A_291 : f32 to vector<16xf32>
        %sub3A_293 = arith.subf %sub3A_292, %mul3A_290 : vector<16xf32>
        %mul3A_294 = arith.mulf %bitcast3A_285, %sub3A_293 : vector<16xf32>
        %mul3A_295 = arith.constant 5.000000e-01 : f32
        %mul3A_296 = vector.broadcast %mul3A_295 : f32 to vector<16xf32>
        %mul3A_297 = arith.mulf %mul3A_296, %add3A_277 : vector<16xf32>
        %mul3A_298 = arith.mulf %mul3A_297, %mul3A_294 : vector<16xf32>
        %mul3A_299 = arith.mulf %mul3A_298, %mul3A_294 : vector<16xf32>
        %sub3A_300 = arith.constant 1.500000e+00 : f32
        %sub3A_301 = vector.broadcast %sub3A_300 : f32 to vector<16xf32>
        %sub3A_302 = arith.subf %sub3A_301, %mul3A_299 : vector<16xf32>
        %mul3A_303 = arith.mulf %mul3A_294, %sub3A_302 : vector<16xf32>
        %mul3A_304 = arith.mulf %mul3A_269, %mul3A_303 : vector<16xf32>
        %neg3A_305 = arith.constant 0.000000e+00 : f32
        %neg3A_306 = vector.broadcast %neg3A_305 : f32 to vector<16xf32>
        %neg3A_307 = arith.subf %neg3A_306, %mul3A_304 : vector<16xf32>
        %mul3A_308 = arith.constant 1.562500e-02 : f32
        %mul3A_309 = vector.broadcast %mul3A_308 : f32 to vector<16xf32>
        %mul3A_310 = arith.mulf %parallel_loop3A_229#2, %mul3A_309 : vector<16xf32>
        %mul3A_311 = arith.constant 1.562500e-02 : f32
        %mul3A_312 = vector.broadcast %mul3A_311 : f32 to vector<16xf32>
        %mul3A_313 = arith.mulf %parallel_loop3A_229#6, %mul3A_312 : vector<16xf32>
        %mul3A_314 = arith.mulf %mul3A_310, %mul3A_310 : vector<16xf32>
        %sub3A_315 = arith.subf %mul3A_313, %mul3A_314 : vector<16xf32>
        %add3A_316 = arith.constant 9.99999974E-6 : f32
        %add3A_317 = vector.broadcast %add3A_316 : f32 to vector<16xf32>
        %add3A_318 = arith.addf %sub3A_315, %add3A_317 : vector<16xf32>
        %bitcast3A_319 = vector.bitcast %add3A_318 : vector<16xf32> to vector<16xi32>
        %shift_right_logical3A_320 = arith.constant 1 : i32
        %shift_right_logical3A_321 = vector.broadcast %shift_right_logical3A_320 : i32 to vector<16xi32>
        %shift_right_logical3A_322 = arith.shrui %bitcast3A_319, %shift_right_logical3A_321 : vector<16xi32>
        %sub3A_323 = arith.constant 1597463007 : i32
        %sub3A_324 = vector.broadcast %sub3A_323 : i32 to vector<16xi32>
        %sub3A_325 = arith.subi %sub3A_324, %shift_right_logical3A_322 : vector<16xi32>
        %bitcast3A_326 = vector.bitcast %sub3A_325 : vector<16xi32> to vector<16xf32>
        %mul3A_327 = arith.constant 5.000000e-01 : f32
        %mul3A_328 = vector.broadcast %mul3A_327 : f32 to vector<16xf32>
        %mul3A_329 = arith.mulf %mul3A_328, %add3A_318 : vector<16xf32>
        %mul3A_330 = arith.mulf %mul3A_329, %bitcast3A_326 : vector<16xf32>
        %mul3A_331 = arith.mulf %mul3A_330, %bitcast3A_326 : vector<16xf32>
        %sub3A_332 = arith.constant 1.500000e+00 : f32
        %sub3A_333 = vector.broadcast %sub3A_332 : f32 to vector<16xf32>
        %sub3A_334 = arith.subf %sub3A_333, %mul3A_331 : vector<16xf32>
        %mul3A_335 = arith.mulf %bitcast3A_326, %sub3A_334 : vector<16xf32>
        %mul3A_336 = arith.constant 5.000000e-01 : f32
        %mul3A_337 = vector.broadcast %mul3A_336 : f32 to vector<16xf32>
        %mul3A_338 = arith.mulf %mul3A_337, %add3A_318 : vector<16xf32>
        %mul3A_339 = arith.mulf %mul3A_338, %mul3A_335 : vector<16xf32>
        %mul3A_340 = arith.mulf %mul3A_339, %mul3A_335 : vector<16xf32>
        %sub3A_341 = arith.constant 1.500000e+00 : f32
        %sub3A_342 = vector.broadcast %sub3A_341 : f32 to vector<16xf32>
        %sub3A_343 = arith.subf %sub3A_342, %mul3A_340 : vector<16xf32>
        %mul3A_344 = arith.mulf %mul3A_335, %sub3A_343 : vector<16xf32>
        %mul3A_345 = arith.mulf %mul3A_310, %mul3A_344 : vector<16xf32>
        %neg3A_346 = arith.constant 0.000000e+00 : f32
        %neg3A_347 = vector.broadcast %neg3A_346 : f32 to vector<16xf32>
        %neg3A_348 = arith.subf %neg3A_347, %mul3A_345 : vector<16xf32>
        %mul3A_349 = arith.constant 1.562500e-02 : f32
        %mul3A_350 = vector.broadcast %mul3A_349 : f32 to vector<16xf32>
        %mul3A_351 = arith.mulf %parallel_loop3A_229#3, %mul3A_350 : vector<16xf32>
        %mul3A_352 = arith.constant 1.562500e-02 : f32
        %mul3A_353 = vector.broadcast %mul3A_352 : f32 to vector<16xf32>
        %mul3A_354 = arith.mulf %parallel_loop3A_229#7, %mul3A_353 : vector<16xf32>
        %mul3A_355 = arith.mulf %mul3A_351, %mul3A_351 : vector<16xf32>
        %sub3A_356 = arith.subf %mul3A_354, %mul3A_355 : vector<16xf32>
        %add3A_357 = arith.constant 9.99999974E-6 : f32
        %add3A_358 = vector.broadcast %add3A_357 : f32 to vector<16xf32>
        %add3A_359 = arith.addf %sub3A_356, %add3A_358 : vector<16xf32>
        %bitcast3A_360 = vector.bitcast %add3A_359 : vector<16xf32> to vector<16xi32>
        %shift_right_logical3A_361 = arith.constant 1 : i32
        %shift_right_logical3A_362 = vector.broadcast %shift_right_logical3A_361 : i32 to vector<16xi32>
        %shift_right_logical3A_363 = arith.shrui %bitcast3A_360, %shift_right_logical3A_362 : vector<16xi32>
        %sub3A_364 = arith.constant 1597463007 : i32
        %sub3A_365 = vector.broadcast %sub3A_364 : i32 to vector<16xi32>
        %sub3A_366 = arith.subi %sub3A_365, %shift_right_logical3A_363 : vector<16xi32>
        %bitcast3A_367 = vector.bitcast %sub3A_366 : vector<16xi32> to vector<16xf32>
        %mul3A_368 = arith.constant 5.000000e-01 : f32
        %mul3A_369 = vector.broadcast %mul3A_368 : f32 to vector<16xf32>
        %mul3A_370 = arith.mulf %mul3A_369, %add3A_359 : vector<16xf32>
        %mul3A_371 = arith.mulf %mul3A_370, %bitcast3A_367 : vector<16xf32>
        %mul3A_372 = arith.mulf %mul3A_371, %bitcast3A_367 : vector<16xf32>
        %sub3A_373 = arith.constant 1.500000e+00 : f32
        %sub3A_374 = vector.broadcast %sub3A_373 : f32 to vector<16xf32>
        %sub3A_375 = arith.subf %sub3A_374, %mul3A_372 : vector<16xf32>
        %mul3A_376 = arith.mulf %bitcast3A_367, %sub3A_375 : vector<16xf32>
        %mul3A_377 = arith.constant 5.000000e-01 : f32
        %mul3A_378 = vector.broadcast %mul3A_377 : f32 to vector<16xf32>
        %mul3A_379 = arith.mulf %mul3A_378, %add3A_359 : vector<16xf32>
        %mul3A_380 = arith.mulf %mul3A_379, %mul3A_376 : vector<16xf32>
        %mul3A_381 = arith.mulf %mul3A_380, %mul3A_376 : vector<16xf32>
        %sub3A_382 = arith.constant 1.500000e+00 : f32
        %sub3A_383 = vector.broadcast %sub3A_382 : f32 to vector<16xf32>
        %sub3A_384 = arith.subf %sub3A_383, %mul3A_381 : vector<16xf32>
        %mul3A_385 = arith.mulf %mul3A_376, %sub3A_384 : vector<16xf32>
        %mul3A_386 = arith.mulf %mul3A_351, %mul3A_385 : vector<16xf32>
        %neg3A_387 = arith.constant 0.000000e+00 : f32
        %neg3A_388 = vector.broadcast %neg3A_387 : f32 to vector<16xf32>
        %neg3A_389 = arith.subf %neg3A_388, %mul3A_386 : vector<16xf32>
        %parallel_loop3A_390 = arith.constant 0 : i32
        %parallel_loop3A_391 = arith.constant 64 : i32
        %parallel_loop3A_392 = arith.constant 1 : i32
        scf.for %parallel_loop3A_398 = %parallel_loop3A_390 to %parallel_loop3A_391 step %parallel_loop3A_392  : i32 {
          %parallel_loop3A_399 = arith.constant 0 : i32
          %parallel_loop3A_400 = vector.broadcast %parallel_loop3A_399 : i32 to vector<16xi32>
          %parallel_loop3A_401 = vector.broadcast %parallel_loop3A_398 : i32 to vector<16xi32>
          %parallel_loop3A_402 = arith.addi %parallel_loop3A_400, %parallel_loop3A_401 : vector<16xi32>
          %parallel_loop3A_403 = arith.constant 16 : i32
          %parallel_loop3A_404 = arith.muli %parallel_loop3A_398, %parallel_loop3A_403 : i32
          %parallel_loop3A_405 = arith.constant 2048 : i32
          %parallel_loop3A_406 = arith.addi %parallel_loop3A_405, %parallel_loop3A_404 : i32
          %parallel_loop3A_407 = arith.index_cast %parallel_loop3A_406 : i32 to index
          %parallel_loop3A_408 = tpu.vector_load %arg9[%parallel_loop3A_407] {strides = array<i32>} : memref<4224xf32, #tpu.memory_space<vmem>>, vector<16xf32>,
          %parallel_loop3A_409 = arith.constant 16 : i32
          %parallel_loop3A_410 = arith.muli %parallel_loop3A_398, %parallel_loop3A_409 : i32
          %parallel_loop3A_411 = arith.constant 3072 : i32
          %parallel_loop3A_412 = arith.addi %parallel_loop3A_411, %parallel_loop3A_410 : i32
          %parallel_loop3A_413 = arith.index_cast %parallel_loop3A_412 : i32 to index
          %parallel_loop3A_414 = tpu.vector_load %arg9[%parallel_loop3A_413] {strides = array<i32>} : memref<4224xf32, #tpu.memory_space<vmem>>, vector<16xf32>,
          %parallel_loop3A_415 = arith.addi %mul3A_10, %parallel_loop3A_402 : vector<16xi32>
          %parallel_loop3A_416 = tpu.vector_load_idx %arg22[%parallel_loop3A_415] : memref<4160xf32, #tpu.memory_space<vmem>>[vector<16xi32>], vector<16xf32>,
          %parallel_loop3A_417 = arith.mulf %parallel_loop3A_416, %mul3A_263 : vector<16xf32>
          %parallel_loop3A_418 = arith.addf %parallel_loop3A_417, %neg3A_266 : vector<16xf32>
          %parallel_loop3A_419 = arith.mulf %parallel_loop3A_418, %parallel_loop3A_408 : vector<16xf32>
          %parallel_loop3A_420 = arith.addf %parallel_loop3A_419, %parallel_loop3A_414 : vector<16xf32>
          tpu.vector_store_idx %arg22[%parallel_loop3A_415], %parallel_loop3A_420 : memref<4160xf32, #tpu.memory_space<vmem>>[vector<16xi32>], vector<16xf32>,
          %parallel_loop3A_421 = arith.addi %mul3A_16, %parallel_loop3A_402 : vector<16xi32>
          %parallel_loop3A_422 = tpu.vector_load_idx %arg22[%parallel_loop3A_421] : memref<4160xf32, #tpu.memory_space<vmem>>[vector<16xi32>], vector<16xf32>,
          %parallel_loop3A_423 = arith.mulf %parallel_loop3A_422, %mul3A_303 : vector<16xf32>
          %parallel_loop3A_424 = arith.addf %parallel_loop3A_423, %neg3A_307 : vector<16xf32>
          %parallel_loop3A_425 = arith.mulf %parallel_loop3A_424, %parallel_loop3A_408 : vector<16xf32>
          %parallel_loop3A_426 = arith.addf %parallel_loop3A_425, %parallel_loop3A_414 : vector<16xf32>
          tpu.vector_store_idx %arg22[%parallel_loop3A_421], %parallel_loop3A_426 : memref<4160xf32, #tpu.memory_space<vmem>>[vector<16xi32>], vector<16xf32>,
          %parallel_loop3A_427 = arith.addi %mul3A_22, %parallel_loop3A_402 : vector<16xi32>
          %parallel_loop3A_428 = tpu.vector_load_idx %arg22[%parallel_loop3A_427] : memref<4160xf32, #tpu.memory_space<vmem>>[vector<16xi32>], vector<16xf32>,
          %parallel_loop3A_429 = arith.mulf %parallel_loop3A_428, %mul3A_344 : vector<16xf32>
          %parallel_loop3A_430 = arith.addf %parallel_loop3A_429, %neg3A_348 : vector<16xf32>
          %parallel_loop3A_431 = arith.mulf %parallel_loop3A_430, %parallel_loop3A_408 : vector<16xf32>
          %parallel_loop3A_432 = arith.addf %parallel_loop3A_431, %parallel_loop3A_414 : vector<16xf32>
          tpu.vector_store_idx %arg22[%parallel_loop3A_427], %parallel_loop3A_432 : memref<4160xf32, #tpu.memory_space<vmem>>[vector<16xi32>], vector<16xf32>,
          %parallel_loop3A_433 = arith.addi %mul3A_28, %parallel_loop3A_402 : vector<16xi32>
          %parallel_loop3A_434 = tpu.vector_load_idx %arg22[%parallel_loop3A_433] : memref<4160xf32, #tpu.memory_space<vmem>>[vector<16xi32>], vector<16xf32>,
          %parallel_loop3A_435 = arith.mulf %parallel_loop3A_434, %mul3A_385 : vector<16xf32>
          %parallel_loop3A_436 = arith.addf %parallel_loop3A_435, %neg3A_389 : vector<16xf32>
          %parallel_loop3A_437 = arith.mulf %parallel_loop3A_436, %parallel_loop3A_408 : vector<16xf32>
          %parallel_loop3A_438 = arith.addf %parallel_loop3A_437, %parallel_loop3A_414 : vector<16xf32>
          tpu.vector_store_idx %arg22[%parallel_loop3A_433], %parallel_loop3A_438 : memref<4160xf32, #tpu.memory_space<vmem>>[vector<16xi32>], vector<16xf32>,
        } {sc.loop_unroll_factor = 4 : i64, sc.parallel_access}
        %mul3A_393 = arith.constant 64 : i32
        %mul3A_394 = arith.muli %mul3A_162, %mul3A_393 : i32
        %parallel_loop3A_395 = arith.constant 0 : i32
        %parallel_loop3A_396 = arith.constant 64 : i32
        %parallel_loop3A_397 = arith.constant 1 : i32
        scf.for %parallel_loop3A_398 = %parallel_loop3A_395 to %parallel_loop3A_396 step %parallel_loop3A_397  : i32 {
          %parallel_loop3A_399 = arith.constant 65 : i32
          %parallel_loop3A_400 = arith.muli %parallel_loop3A_398, %parallel_loop3A_399 : i32
          %parallel_loop3A_401 = arith.constant 64 : i32
          %parallel_loop3A_402 = arith.muli %parallel_loop3A_398, %parallel_loop3A_401 : i32
          %parallel_loop3A_403 = arith.addi %mul3A_394, %parallel_loop3A_402 : i32
          %parallel_loop3A_404 = arith.constant 0 : i32
          %parallel_loop3A_405 = arith.addi %parallel_loop3A_400, %parallel_loop3A_404 : i32
          %parallel_loop3A_406 = arith.index_cast %parallel_loop3A_405 : i32 to index
          %parallel_loop3A_407 = tpu.vector_load %arg22[%parallel_loop3A_406] {strides = array<i32>} : memref<4160xf32, #tpu.memory_space<vmem>>, vector<16xf32>,
          %parallel_loop3A_408 = arith.constant 0 : i32
          %parallel_loop3A_409 = arith.addi %parallel_loop3A_403, %parallel_loop3A_408 : i32
          %parallel_loop3A_410 = arith.index_cast %parallel_loop3A_409 : i32 to index
          %parallel_loop3A_411 = tpu.vector_load %arg13[%parallel_loop3A_410] {strides = array<i32>} : memref<8192xf32, #tpu.memory_space<vmem>>, vector<16xf32>,
          tpu.vector_store %arg13[%parallel_loop3A_410], %parallel_loop3A_407 {strides = array<i32>} : memref<8192xf32, #tpu.memory_space<vmem>>, vector<16xf32>,
          %parallel_loop3A_412 = arith.constant 16 : i32
          %parallel_loop3A_413 = arith.addi %parallel_loop3A_400, %parallel_loop3A_412 : i32
          %parallel_loop3A_414 = arith.index_cast %parallel_loop3A_413 : i32 to index
          %parallel_loop3A_415 = tpu.vector_load %arg22[%parallel_loop3A_414] {strides = array<i32>} : memref<4160xf32, #tpu.memory_space<vmem>>, vector<16xf32>,
          %parallel_loop3A_416 = arith.constant 16 : i32
          %parallel_loop3A_417 = arith.addi %parallel_loop3A_403, %parallel_loop3A_416 : i32
          %parallel_loop3A_418 = arith.index_cast %parallel_loop3A_417 : i32 to index
          %parallel_loop3A_419 = tpu.vector_load %arg13[%parallel_loop3A_418] {strides = array<i32>} : memref<8192xf32, #tpu.memory_space<vmem>>, vector<16xf32>,
          tpu.vector_store %arg13[%parallel_loop3A_418], %parallel_loop3A_415 {strides = array<i32>} : memref<8192xf32, #tpu.memory_space<vmem>>, vector<16xf32>,
          %parallel_loop3A_420 = arith.constant 32 : i32
          %parallel_loop3A_421 = arith.addi %parallel_loop3A_400, %parallel_loop3A_420 : i32
          %parallel_loop3A_422 = arith.index_cast %parallel_loop3A_421 : i32 to index
          %parallel_loop3A_423 = tpu.vector_load %arg22[%parallel_loop3A_422] {strides = array<i32>} : memref<4160xf32, #tpu.memory_space<vmem>>, vector<16xf32>,
          %parallel_loop3A_424 = arith.constant 32 : i32
          %parallel_loop3A_425 = arith.addi %parallel_loop3A_403, %parallel_loop3A_424 : i32
          %parallel_loop3A_426 = arith.index_cast %parallel_loop3A_425 : i32 to index
          %parallel_loop3A_427 = tpu.vector_load %arg13[%parallel_loop3A_426] {strides = array<i32>} : memref<8192xf32, #tpu.memory_space<vmem>>, vector<16xf32>,
          tpu.vector_store %arg13[%parallel_loop3A_426], %parallel_loop3A_423 {strides = array<i32>} : memref<8192xf32, #tpu.memory_space<vmem>>, vector<16xf32>,
          %parallel_loop3A_428 = arith.constant 48 : i32
          %parallel_loop3A_429 = arith.addi %parallel_loop3A_400, %parallel_loop3A_428 : i32
          %parallel_loop3A_430 = arith.index_cast %parallel_loop3A_429 : i32 to index
          %parallel_loop3A_431 = tpu.vector_load %arg22[%parallel_loop3A_430] {strides = array<i32>} : memref<4160xf32, #tpu.memory_space<vmem>>, vector<16xf32>,
          %parallel_loop3A_432 = arith.constant 48 : i32
          %parallel_loop3A_433 = arith.addi %parallel_loop3A_403, %parallel_loop3A_432 : i32
          %parallel_loop3A_434 = arith.index_cast %parallel_loop3A_433 : i32 to index
          %parallel_loop3A_435 = tpu.vector_load %arg13[%parallel_loop3A_434] {strides = array<i32>} : memref<8192xf32, #tpu.memory_space<vmem>>, vector<16xf32>,
          tpu.vector_store %arg13[%parallel_loop3A_434], %parallel_loop3A_431 {strides = array<i32>} : memref<8192xf32, #tpu.memory_space<vmem>>, vector<16xf32>,
        } {sc.loop_unroll_factor = 8 : i64, sc.parallel_access}
      }
      %scan3A_103 = arith.constant 2 : i32
      %mul3A_104 = arith.constant 64 : i32
      %mul3A_105 = arith.muli %add3A_87, %mul3A_104 : i32
      %dma_start3A_106 = tpu.memref_slice %arg7[%mul3A_105] : memref<52428800xf32, #tpu.memory_space<hbm>> -> memref<8192xf32, #tpu.memory_space<hbm>>
      %dma_start3A_107 = tpu.memref_slice %arg7[%mul3A_105] : memref<52428800xf32, #tpu.memory_space<hbm>> -> memref<8192xf32, #tpu.memory_space<hbm>>
      tpu.enqueue_dma source(%arg13 : memref<8192xf32, #tpu.memory_space<vmem>>) target(%dma_start3A_107 : memref<8192xf32, #tpu.memory_space<hbm>>) target_semaphore(%arg15 : memref<!tpu.dma_semaphore, #tpu.memory_space<semaphore_mem>>)
      %add3A_108 = arith.constant 2 : i32
      %add3A_109 = arith.addi %mul3A_84, %add3A_108 : i32
      %min3A = arith.constant 198 : i32
      %min3A_110 = arith.minsi %add3A_109, %min3A : i32
      %mul3A_111 = arith.constant 128 : i32
      %mul3A_112 = arith.muli %min3A_110, %mul3A_111 : i32
      %add3A_113 = arith.addi %mul3A_2, %mul3A_112 : i32
      %dma_start3A_114 = tpu.memref_slice %arg4[%add3A_113] : memref<819200xi32, #tpu.memory_space<hbm>> -> memref<128xi32, #tpu.memory_space<hbm>>
      %dma_start3A_115 = tpu.memref_slice %arg4[%add3A_113] : memref<819200xi32, #tpu.memory_space<hbm>> -> memref<128xi32, #tpu.memory_space<hbm>>
      tpu.enqueue_dma source(%dma_start3A_115 : memref<128xi32, #tpu.memory_space<hbm>>) target(%arg10 : memref<128xi32, #tpu.memory_space<vmem>>) target_semaphore(%arg14 : memref<!tpu.dma_semaphore, #tpu.memory_space<semaphore_mem>>)
      %dma_start3A_116 = tpu.memref_slice %arg5[%add3A_113] : memref<819200xf32, #tpu.memory_space<hbm>> -> memref<128xf32, #tpu.memory_space<hbm>>
      %dma_start3A_117 = tpu.memref_slice %arg5[%add3A_113] : memref<819200xf32, #tpu.memory_space<hbm>> -> memref<128xf32, #tpu.memory_space<hbm>>
      tpu.enqueue_dma source(%dma_start3A_117 : memref<128xf32, #tpu.memory_space<hbm>>) target(%arg11 : memref<128xf32, #tpu.memory_space<vmem>>) target_semaphore(%arg14 : memref<!tpu.dma_semaphore, #tpu.memory_space<semaphore_mem>>)
      %dma_start3A_118 = tpu.memref_slice %arg6[%add3A_113] : memref<819200xf32, #tpu.memory_space<hbm>> -> memref<128xf32, #tpu.memory_space<hbm>>
      %dma_start3A_119 = tpu.memref_slice %arg6[%add3A_113] : memref<819200xf32, #tpu.memory_space<hbm>> -> memref<128xf32, #tpu.memory_space<hbm>>
      tpu.enqueue_dma source(%dma_start3A_119 : memref<128xf32, #tpu.memory_space<hbm>>) target(%arg12 : memref<128xf32, #tpu.memory_space<vmem>>) target_semaphore(%arg14 : memref<!tpu.dma_semaphore, #tpu.memory_space<semaphore_mem>>)
      %mul3A_120 = arith.constant 2 : i32
      %mul3A_121 = arith.muli %scan3A_82, %mul3A_120 : i32
      %add3A_122 = arith.constant 1 : i32
      %add3A_123 = arith.addi %mul3A_121, %add3A_122 : i32
      %mul3A_124 = arith.constant 128 : i32
      %mul3A_125 = arith.muli %add3A_123, %mul3A_124 : i32
      %add3A_126 = arith.addi %mul3A_2, %mul3A_125 : i32
      %dma_wait3A_127 = tpu.memref_slice %arg4[%add3A_126] : memref<819200xi32, #tpu.memory_space<hbm>> -> memref<128xi32, #tpu.memory_space<hbm>>
      %dma_wait3A_128 = tpu.memref_slice %arg4[%add3A_126] : memref<819200xi32, #tpu.memory_space<hbm>> -> memref<128xi32, #tpu.memory_space<hbm>>
      tpu.wait_dma2 semaphore(%arg20 : memref<!tpu.dma_semaphore, #tpu.memory_space<semaphore_mem>>) src(%dma_wait3A_128 : memref<128xi32, #tpu.memory_space<hbm>>) dst(%arg16 : memref<128xi32, #tpu.memory_space<vmem>>)
      %dma_wait3A_129 = tpu.memref_slice %arg5[%add3A_126] : memref<819200xf32, #tpu.memory_space<hbm>> -> memref<128xf32, #tpu.memory_space<hbm>>
      %dma_wait3A_130 = tpu.memref_slice %arg5[%add3A_126] : memref<819200xf32, #tpu.memory_space<hbm>> -> memref<128xf32, #tpu.memory_space<hbm>>
      tpu.wait_dma2 semaphore(%arg20 : memref<!tpu.dma_semaphore, #tpu.memory_space<semaphore_mem>>) src(%dma_wait3A_130 : memref<128xf32, #tpu.memory_space<hbm>>) dst(%arg17 : memref<128xf32, #tpu.memory_space<vmem>>)
      %dma_wait3A_131 = tpu.memref_slice %arg6[%add3A_126] : memref<819200xf32, #tpu.memory_space<hbm>> -> memref<128xf32, #tpu.memory_space<hbm>>
      %dma_wait3A_132 = tpu.memref_slice %arg6[%add3A_126] : memref<819200xf32, #tpu.memory_space<hbm>> -> memref<128xf32, #tpu.memory_space<hbm>>
      tpu.wait_dma2 semaphore(%arg20 : memref<!tpu.dma_semaphore, #tpu.memory_space<semaphore_mem>>) src(%dma_wait3A_132 : memref<128xf32, #tpu.memory_space<hbm>>) dst(%arg18 : memref<128xf32, #tpu.memory_space<vmem>>)
      %mul3A_133 = arith.constant 64 : i32
      %mul3A_134 = arith.muli %add3A_126, %mul3A_133 : i32
      %dma_wait3A_135 = tpu.memref_slice %arg7[%mul3A_134] : memref<52428800xf32, #tpu.memory_space<hbm>> -> memref<8192xf32, #tpu.memory_space<hbm>>
      %dma_wait3A_136 = tpu.memref_slice %arg7[%mul3A_134] : memref<52428800xf32, #tpu.memory_space<hbm>> -> memref<8192xf32, #tpu.memory_space<hbm>>
      tpu.wait_dma2 semaphore(%arg21 : memref<!tpu.dma_semaphore, #tpu.memory_space<semaphore_mem>>) src(%arg19 : memref<8192xf32, #tpu.memory_space<vmem>>) dst(%dma_wait3A_136 : memref<8192xf32, #tpu.memory_space<hbm>>)
      %scan3A_137 = arith.constant 0 : i32
      %scan3A_138 = arith.constant 0 : i32
      %scan3A_139 = arith.constant 2 : i32
      %scan3A_140 = arith.addi %scan3A_138, %scan3A_139 : i32
      %scan3A_141 = arith.constant 1 : i32
      scf.for %scan3A_160 = %scan3A_138 to %scan3A_140 step %scan3A_141  : i32 {
        %mul3A_161 = arith.constant 64 : i32
        %mul3A_162 = arith.muli %scan3A_160, %mul3A_161 : i32
        %add3A_163 = arith.constant 0 : i32
        %add3A_164 = arith.addi %mul3A_162, %add3A_163 : i32
        %get3A_165 = arith.index_cast %add3A_164 : i32 to index
        %get3A_166 = tpu.vector_load %arg16[%get3A_165] {strides = array<i32>} : memref<128xi32, #tpu.memory_space<vmem>>, vector<16xi32>,
        %mul3A_167 = arith.constant 1024 : i32
        %mul3A_168 = vector.broadcast %mul3A_167 : i32 to vector<16xi32>
        %mul3A_169 = arith.muli %get3A_166, %mul3A_168 : vector<16xi32>
        %add3A_170 = arith.addi %mul3A_169, %iota3A : vector<16xi32>
        %add3A_171 = arith.constant 16 : i32
        %add3A_172 = arith.addi %mul3A_162, %add3A_171 : i32
        %get3A_173 = arith.index_cast %add3A_172 : i32 to index
        %get3A_174 = tpu.vector_load %arg16[%get3A_173] {strides = array<i32>} : memref<128xi32, #tpu.memory_space<vmem>>, vector<16xi32>,
        %mul3A_175 = arith.constant 1024 : i32
        %mul3A_176 = vector.broadcast %mul3A_175 : i32 to vector<16xi32>
        %mul3A_177 = arith.muli %get3A_174, %mul3A_176 : vector<16xi32>
        %add3A_178 = arith.addi %mul3A_177, %iota3A : vector<16xi32>
        %add3A_179 = arith.constant 32 : i32
        %add3A_180 = arith.addi %mul3A_162, %add3A_179 : i32
        %get3A_181 = arith.index_cast %add3A_180 : i32 to index
        %get3A_182 = tpu.vector_load %arg16[%get3A_181] {strides = array<i32>} : memref<128xi32, #tpu.memory_space<vmem>>, vector<16xi32>,
        %mul3A_183 = arith.constant 1024 : i32
        %mul3A_184 = vector.broadcast %mul3A_183 : i32 to vector<16xi32>
        %mul3A_185 = arith.muli %get3A_182, %mul3A_184 : vector<16xi32>
        %add3A_186 = arith.addi %mul3A_185, %iota3A : vector<16xi32>
        %add3A_187 = arith.constant 48 : i32
        %add3A_188 = arith.addi %mul3A_162, %add3A_187 : i32
        %get3A_189 = arith.index_cast %add3A_188 : i32 to index
        %get3A_190 = tpu.vector_load %arg16[%get3A_189] {strides = array<i32>} : memref<128xi32, #tpu.memory_space<vmem>>, vector<16xi32>,
        %mul3A_191 = arith.constant 1024 : i32
        %mul3A_192 = vector.broadcast %mul3A_191 : i32 to vector<16xi32>
        %mul3A_193 = arith.muli %get3A_190, %mul3A_192 : vector<16xi32>
        %add3A_194 = arith.addi %mul3A_193, %iota3A : vector<16xi32>
        %add3A_195 = arith.constant 0 : i32
        %add3A_196 = arith.addi %mul3A_162, %add3A_195 : i32
        %get3A_197 = arith.index_cast %add3A_196 : i32 to index
        %get3A_198 = tpu.vector_load %arg17[%get3A_197] {strides = array<i32>} : memref<128xf32, #tpu.memory_space<vmem>>, vector<16xf32>,
        %add3A_199 = arith.constant 16 : i32
        %add3A_200 = arith.addi %mul3A_162, %add3A_199 : i32
        %get3A_201 = arith.index_cast %add3A_200 : i32 to index
        %get3A_202 = tpu.vector_load %arg17[%get3A_201] {strides = array<i32>} : memref<128xf32, #tpu.memory_space<vmem>>, vector<16xf32>,
        %add3A_203 = arith.constant 32 : i32
        %add3A_204 = arith.addi %mul3A_162, %add3A_203 : i32
        %get3A_205 = arith.index_cast %add3A_204 : i32 to index
        %get3A_206 = tpu.vector_load %arg17[%get3A_205] {strides = array<i32>} : memref<128xf32, #tpu.memory_space<vmem>>, vector<16xf32>,
        %add3A_207 = arith.constant 48 : i32
        %add3A_208 = arith.addi %mul3A_162, %add3A_207 : i32
        %get3A_209 = arith.index_cast %add3A_208 : i32 to index
        %get3A_210 = tpu.vector_load %arg17[%get3A_209] {strides = array<i32>} : memref<128xf32, #tpu.memory_space<vmem>>, vector<16xf32>,
        %add3A_211 = arith.constant 0 : i32
        %add3A_212 = arith.addi %mul3A_162, %add3A_211 : i32
        %get3A_213 = arith.index_cast %add3A_212 : i32 to index
        %get3A_214 = tpu.vector_load %arg18[%get3A_213] {strides = array<i32>} : memref<128xf32, #tpu.memory_space<vmem>>, vector<16xf32>,
        %add3A_215 = arith.constant 16 : i32
        %add3A_216 = arith.addi %mul3A_162, %add3A_215 : i32
        %get3A_217 = arith.index_cast %add3A_216 : i32 to index
        %get3A_218 = tpu.vector_load %arg18[%get3A_217] {strides = array<i32>} : memref<128xf32, #tpu.memory_space<vmem>>, vector<16xf32>,
        %add3A_219 = arith.constant 32 : i32
        %add3A_220 = arith.addi %mul3A_162, %add3A_219 : i32
        %get3A_221 = arith.index_cast %add3A_220 : i32 to index
        %get3A_222 = tpu.vector_load %arg18[%get3A_221] {strides = array<i32>} : memref<128xf32, #tpu.memory_space<vmem>>, vector<16xf32>,
        %add3A_223 = arith.constant 48 : i32
        %add3A_224 = arith.addi %mul3A_162, %add3A_223 : i32
        %get3A_225 = arith.index_cast %add3A_224 : i32 to index
        %get3A_226 = tpu.vector_load %arg18[%get3A_225] {strides = array<i32>} : memref<128xf32, #tpu.memory_space<vmem>>, vector<16xf32>,
        %parallel_loop3A = arith.constant 0 : i32
        %parallel_loop3A_227 = arith.constant 64 : i32
        %parallel_loop3A_228 = arith.constant 1 : i32
        %parallel_loop3A_229:8 = scf.for %parallel_loop3A_398 = %parallel_loop3A to %parallel_loop3A_227 step %parallel_loop3A_228 iter_args(%parallel_loop3A_399 = %broadcast_in_dim3A_4, %parallel_loop3A_400 = %broadcast_in_dim3A_4, %parallel_loop3A_401 = %broadcast_in_dim3A_4, %parallel_loop3A_402 = %broadcast_in_dim3A_4, %parallel_loop3A_403 = %broadcast_in_dim3A_4, %parallel_loop3A_404 = %broadcast_in_dim3A_4, %parallel_loop3A_405 = %broadcast_in_dim3A_4, %parallel_loop3A_406 = %broadcast_in_dim3A_4) -> (vector<16xf32>, vector<16xf32>, vector<16xf32>, vector<16xf32>, vector<16xf32>, vector<16xf32>, vector<16xf32>, vector<16xf32>)  : i32 {
          %parallel_loop3A_407 = arith.constant 0 : i32
          %parallel_loop3A_408 = vector.broadcast %parallel_loop3A_407 : i32 to vector<16xi32>
          %parallel_loop3A_409 = arith.constant 16 : i32
          %parallel_loop3A_410 = arith.muli %parallel_loop3A_398, %parallel_loop3A_409 : i32
          %parallel_loop3A_411 = vector.broadcast %parallel_loop3A_410 : i32 to vector<16xi32>
          %parallel_loop3A_412 = arith.addi %parallel_loop3A_408, %parallel_loop3A_411 : vector<16xi32>
          %parallel_loop3A_413 = arith.constant 0 : i32
          %parallel_loop3A_414 = vector.broadcast %parallel_loop3A_413 : i32 to vector<16xi32>
          %parallel_loop3A_415 = vector.broadcast %parallel_loop3A_398 : i32 to vector<16xi32>
          %parallel_loop3A_416 = arith.addi %parallel_loop3A_414, %parallel_loop3A_415 : vector<16xi32>
          %parallel_loop3A_417 = arith.constant 16 : i32
          %parallel_loop3A_418 = arith.muli %parallel_loop3A_398, %parallel_loop3A_417 : i32
          %parallel_loop3A_419 = arith.index_cast %parallel_loop3A_418 : i32 to index
          %parallel_loop3A_420 = tpu.vector_load %arg9[%parallel_loop3A_419] {strides = array<i32>} : memref<4224xf32, #tpu.memory_space<vmem>>, vector<16xf32>,
          %parallel_loop3A_421 = arith.constant 16 : i32
          %parallel_loop3A_422 = arith.muli %parallel_loop3A_398, %parallel_loop3A_421 : i32
          %parallel_loop3A_423 = arith.constant 1024 : i32
          %parallel_loop3A_424 = arith.addi %parallel_loop3A_423, %parallel_loop3A_422 : i32
          %parallel_loop3A_425 = arith.index_cast %parallel_loop3A_424 : i32 to index
          %parallel_loop3A_426 = tpu.vector_load %arg9[%parallel_loop3A_425] {strides = array<i32>} : memref<4224xf32, #tpu.memory_space<vmem>>, vector<16xf32>,
          %parallel_loop3A_427 = arith.addi %add3A_170, %parallel_loop3A_412 : vector<16xi32>
          %parallel_loop3A_428 = tpu.vector_load_idx %arg8[%parallel_loop3A_427] : memref<98304xf32, #tpu.memory_space<vmem>>[vector<16xi32>], vector<16xf32>,
          %parallel_loop3A_429 = arith.mulf %get3A_198, %parallel_loop3A_420 : vector<16xf32>
          %parallel_loop3A_430 = arith.addf %parallel_loop3A_428, %parallel_loop3A_429 : vector<16xf32>
          %parallel_loop3A_431 = arith.mulf %get3A_214, %parallel_loop3A_426 : vector<16xf32>
          %parallel_loop3A_432 = arith.addf %parallel_loop3A_430, %parallel_loop3A_431 : vector<16xf32>
          %parallel_loop3A_433 = arith.constant 0.000000e+00 : f32
          %parallel_loop3A_434 = vector.broadcast %parallel_loop3A_433 : f32 to vector<16xf32>
          %parallel_loop3A_435 = arith.cmpf oge, %parallel_loop3A_432, %parallel_loop3A_434 : vector<16xf32>
          %parallel_loop3A_436 = arith.mulf %parallel_loop3A_432, %get3A_3 : vector<16xf32>
          %parallel_loop3A_437 = arith.select %parallel_loop3A_435, %parallel_loop3A_432, %parallel_loop3A_436 : vector<16xi1>, vector<16xf32>
          %parallel_loop3A_438 = arith.addf %parallel_loop3A_399, %parallel_loop3A_437 : vector<16xf32>
          %parallel_loop3A_439 = arith.mulf %parallel_loop3A_437, %parallel_loop3A_437 : vector<16xf32>
          %parallel_loop3A_440 = arith.addf %parallel_loop3A_403, %parallel_loop3A_439 : vector<16xf32>
          %parallel_loop3A_441 = arith.addi %mul3A_10, %parallel_loop3A_416 : vector<16xi32>
          tpu.vector_store_idx %arg22[%parallel_loop3A_441], %parallel_loop3A_437 : memref<4160xf32, #tpu.memory_space<vmem>>[vector<16xi32>], vector<16xf32>,
          %parallel_loop3A_442 = arith.addi %add3A_178, %parallel_loop3A_412 : vector<16xi32>
          %parallel_loop3A_443 = tpu.vector_load_idx %arg8[%parallel_loop3A_442] : memref<98304xf32, #tpu.memory_space<vmem>>[vector<16xi32>], vector<16xf32>,
          %parallel_loop3A_444 = arith.mulf %get3A_202, %parallel_loop3A_420 : vector<16xf32>
          %parallel_loop3A_445 = arith.addf %parallel_loop3A_443, %parallel_loop3A_444 : vector<16xf32>
          %parallel_loop3A_446 = arith.mulf %get3A_218, %parallel_loop3A_426 : vector<16xf32>
          %parallel_loop3A_447 = arith.addf %parallel_loop3A_445, %parallel_loop3A_446 : vector<16xf32>
          %parallel_loop3A_448 = arith.constant 0.000000e+00 : f32
          %parallel_loop3A_449 = vector.broadcast %parallel_loop3A_448 : f32 to vector<16xf32>
          %parallel_loop3A_450 = arith.cmpf oge, %parallel_loop3A_447, %parallel_loop3A_449 : vector<16xf32>
          %parallel_loop3A_451 = arith.mulf %parallel_loop3A_447, %get3A_3 : vector<16xf32>
          %parallel_loop3A_452 = arith.select %parallel_loop3A_450, %parallel_loop3A_447, %parallel_loop3A_451 : vector<16xi1>, vector<16xf32>
          %parallel_loop3A_453 = arith.addf %parallel_loop3A_400, %parallel_loop3A_452 : vector<16xf32>
          %parallel_loop3A_454 = arith.mulf %parallel_loop3A_452, %parallel_loop3A_452 : vector<16xf32>
          %parallel_loop3A_455 = arith.addf %parallel_loop3A_404, %parallel_loop3A_454 : vector<16xf32>
          %parallel_loop3A_456 = arith.addi %mul3A_16, %parallel_loop3A_416 : vector<16xi32>
          tpu.vector_store_idx %arg22[%parallel_loop3A_456], %parallel_loop3A_452 : memref<4160xf32, #tpu.memory_space<vmem>>[vector<16xi32>], vector<16xf32>,
          %parallel_loop3A_457 = arith.addi %add3A_186, %parallel_loop3A_412 : vector<16xi32>
          %parallel_loop3A_458 = tpu.vector_load_idx %arg8[%parallel_loop3A_457] : memref<98304xf32, #tpu.memory_space<vmem>>[vector<16xi32>], vector<16xf32>,
          %parallel_loop3A_459 = arith.mulf %get3A_206, %parallel_loop3A_420 : vector<16xf32>
          %parallel_loop3A_460 = arith.addf %parallel_loop3A_458, %parallel_loop3A_459 : vector<16xf32>
          %parallel_loop3A_461 = arith.mulf %get3A_222, %parallel_loop3A_426 : vector<16xf32>
          %parallel_loop3A_462 = arith.addf %parallel_loop3A_460, %parallel_loop3A_461 : vector<16xf32>
          %parallel_loop3A_463 = arith.constant 0.000000e+00 : f32
          %parallel_loop3A_464 = vector.broadcast %parallel_loop3A_463 : f32 to vector<16xf32>
          %parallel_loop3A_465 = arith.cmpf oge, %parallel_loop3A_462, %parallel_loop3A_464 : vector<16xf32>
          %parallel_loop3A_466 = arith.mulf %parallel_loop3A_462, %get3A_3 : vector<16xf32>
          %parallel_loop3A_467 = arith.select %parallel_loop3A_465, %parallel_loop3A_462, %parallel_loop3A_466 : vector<16xi1>, vector<16xf32>
          %parallel_loop3A_468 = arith.addf %parallel_loop3A_401, %parallel_loop3A_467 : vector<16xf32>
          %parallel_loop3A_469 = arith.mulf %parallel_loop3A_467, %parallel_loop3A_467 : vector<16xf32>
          %parallel_loop3A_470 = arith.addf %parallel_loop3A_405, %parallel_loop3A_469 : vector<16xf32>
          %parallel_loop3A_471 = arith.addi %mul3A_22, %parallel_loop3A_416 : vector<16xi32>
          tpu.vector_store_idx %arg22[%parallel_loop3A_471], %parallel_loop3A_467 : memref<4160xf32, #tpu.memory_space<vmem>>[vector<16xi32>], vector<16xf32>,
          %parallel_loop3A_472 = arith.addi %add3A_194, %parallel_loop3A_412 : vector<16xi32>
          %parallel_loop3A_473 = tpu.vector_load_idx %arg8[%parallel_loop3A_472] : memref<98304xf32, #tpu.memory_space<vmem>>[vector<16xi32>], vector<16xf32>,
          %parallel_loop3A_474 = arith.mulf %get3A_210, %parallel_loop3A_420 : vector<16xf32>
          %parallel_loop3A_475 = arith.addf %parallel_loop3A_473, %parallel_loop3A_474 : vector<16xf32>
          %parallel_loop3A_476 = arith.mulf %get3A_226, %parallel_loop3A_426 : vector<16xf32>
          %parallel_loop3A_477 = arith.addf %parallel_loop3A_475, %parallel_loop3A_476 : vector<16xf32>
          %parallel_loop3A_478 = arith.constant 0.000000e+00 : f32
          %parallel_loop3A_479 = vector.broadcast %parallel_loop3A_478 : f32 to vector<16xf32>
          %parallel_loop3A_480 = arith.cmpf oge, %parallel_loop3A_477, %parallel_loop3A_479 : vector<16xf32>
          %parallel_loop3A_481 = arith.mulf %parallel_loop3A_477, %get3A_3 : vector<16xf32>
          %parallel_loop3A_482 = arith.select %parallel_loop3A_480, %parallel_loop3A_477, %parallel_loop3A_481 : vector<16xi1>, vector<16xf32>
          %parallel_loop3A_483 = arith.addf %parallel_loop3A_402, %parallel_loop3A_482 : vector<16xf32>
          %parallel_loop3A_484 = arith.mulf %parallel_loop3A_482, %parallel_loop3A_482 : vector<16xf32>
          %parallel_loop3A_485 = arith.addf %parallel_loop3A_406, %parallel_loop3A_484 : vector<16xf32>
          %parallel_loop3A_486 = arith.addi %mul3A_28, %parallel_loop3A_416 : vector<16xi32>
          tpu.vector_store_idx %arg22[%parallel_loop3A_486], %parallel_loop3A_482 : memref<4160xf32, #tpu.memory_space<vmem>>[vector<16xi32>], vector<16xf32>,
          scf.yield %parallel_loop3A_438, %parallel_loop3A_453, %parallel_loop3A_468, %parallel_loop3A_483, %parallel_loop3A_440, %parallel_loop3A_455, %parallel_loop3A_470, %parallel_loop3A_485 : vector<16xf32>, vector<16xf32>, vector<16xf32>, vector<16xf32>, vector<16xf32>, vector<16xf32>, vector<16xf32>, vector<16xf32>
        } {sc.loop_unroll_factor = 4 : i64, sc.parallel_access}
        %mul3A_230 = arith.constant 1.562500e-02 : f32
        %mul3A_231 = vector.broadcast %mul3A_230 : f32 to vector<16xf32>
        %mul3A_232 = arith.mulf %parallel_loop3A_229#0, %mul3A_231 : vector<16xf32>
        %mul3A_233 = arith.constant 1.562500e-02 : f32
        %mul3A_234 = vector.broadcast %mul3A_233 : f32 to vector<16xf32>
        %mul3A_235 = arith.mulf %parallel_loop3A_229#4, %mul3A_234 : vector<16xf32>
        %mul3A_236 = arith.mulf %mul3A_232, %mul3A_232 : vector<16xf32>
        %sub3A = arith.subf %mul3A_235, %mul3A_236 : vector<16xf32>
        %add3A_237 = arith.constant 9.99999974E-6 : f32
        %add3A_238 = vector.broadcast %add3A_237 : f32 to vector<16xf32>
        %add3A_239 = arith.addf %sub3A, %add3A_238 : vector<16xf32>
        %bitcast3A = vector.bitcast %add3A_239 : vector<16xf32> to vector<16xi32>
        %shift_right_logical3A = arith.constant 1 : i32
        %shift_right_logical3A_240 = vector.broadcast %shift_right_logical3A : i32 to vector<16xi32>
        %shift_right_logical3A_241 = arith.shrui %bitcast3A, %shift_right_logical3A_240 : vector<16xi32>
        %sub3A_242 = arith.constant 1597463007 : i32
        %sub3A_243 = vector.broadcast %sub3A_242 : i32 to vector<16xi32>
        %sub3A_244 = arith.subi %sub3A_243, %shift_right_logical3A_241 : vector<16xi32>
        %bitcast3A_245 = vector.bitcast %sub3A_244 : vector<16xi32> to vector<16xf32>
        %mul3A_246 = arith.constant 5.000000e-01 : f32
        %mul3A_247 = vector.broadcast %mul3A_246 : f32 to vector<16xf32>
        %mul3A_248 = arith.mulf %mul3A_247, %add3A_239 : vector<16xf32>
        %mul3A_249 = arith.mulf %mul3A_248, %bitcast3A_245 : vector<16xf32>
        %mul3A_250 = arith.mulf %mul3A_249, %bitcast3A_245 : vector<16xf32>
        %sub3A_251 = arith.constant 1.500000e+00 : f32
        %sub3A_252 = vector.broadcast %sub3A_251 : f32 to vector<16xf32>
        %sub3A_253 = arith.subf %sub3A_252, %mul3A_250 : vector<16xf32>
        %mul3A_254 = arith.mulf %bitcast3A_245, %sub3A_253 : vector<16xf32>
        %mul3A_255 = arith.constant 5.000000e-01 : f32
        %mul3A_256 = vector.broadcast %mul3A_255 : f32 to vector<16xf32>
        %mul3A_257 = arith.mulf %mul3A_256, %add3A_239 : vector<16xf32>
        %mul3A_258 = arith.mulf %mul3A_257, %mul3A_254 : vector<16xf32>
        %mul3A_259 = arith.mulf %mul3A_258, %mul3A_254 : vector<16xf32>
        %sub3A_260 = arith.constant 1.500000e+00 : f32
        %sub3A_261 = vector.broadcast %sub3A_260 : f32 to vector<16xf32>
        %sub3A_262 = arith.subf %sub3A_261, %mul3A_259 : vector<16xf32>
        %mul3A_263 = arith.mulf %mul3A_254, %sub3A_262 : vector<16xf32>
        %mul3A_264 = arith.mulf %mul3A_232, %mul3A_263 : vector<16xf32>
        %neg3A = arith.constant 0.000000e+00 : f32
        %neg3A_265 = vector.broadcast %neg3A : f32 to vector<16xf32>
        %neg3A_266 = arith.subf %neg3A_265, %mul3A_264 : vector<16xf32>
        %mul3A_267 = arith.constant 1.562500e-02 : f32
        %mul3A_268 = vector.broadcast %mul3A_267 : f32 to vector<16xf32>
        %mul3A_269 = arith.mulf %parallel_loop3A_229#1, %mul3A_268 : vector<16xf32>
        %mul3A_270 = arith.constant 1.562500e-02 : f32
        %mul3A_271 = vector.broadcast %mul3A_270 : f32 to vector<16xf32>
        %mul3A_272 = arith.mulf %parallel_loop3A_229#5, %mul3A_271 : vector<16xf32>
        %mul3A_273 = arith.mulf %mul3A_269, %mul3A_269 : vector<16xf32>
        %sub3A_274 = arith.subf %mul3A_272, %mul3A_273 : vector<16xf32>
        %add3A_275 = arith.constant 9.99999974E-6 : f32
        %add3A_276 = vector.broadcast %add3A_275 : f32 to vector<16xf32>
        %add3A_277 = arith.addf %sub3A_274, %add3A_276 : vector<16xf32>
        %bitcast3A_278 = vector.bitcast %add3A_277 : vector<16xf32> to vector<16xi32>
        %shift_right_logical3A_279 = arith.constant 1 : i32
        %shift_right_logical3A_280 = vector.broadcast %shift_right_logical3A_279 : i32 to vector<16xi32>
        %shift_right_logical3A_281 = arith.shrui %bitcast3A_278, %shift_right_logical3A_280 : vector<16xi32>
        %sub3A_282 = arith.constant 1597463007 : i32
        %sub3A_283 = vector.broadcast %sub3A_282 : i32 to vector<16xi32>
        %sub3A_284 = arith.subi %sub3A_283, %shift_right_logical3A_281 : vector<16xi32>
        %bitcast3A_285 = vector.bitcast %sub3A_284 : vector<16xi32> to vector<16xf32>
        %mul3A_286 = arith.constant 5.000000e-01 : f32
        %mul3A_287 = vector.broadcast %mul3A_286 : f32 to vector<16xf32>
        %mul3A_288 = arith.mulf %mul3A_287, %add3A_277 : vector<16xf32>
        %mul3A_289 = arith.mulf %mul3A_288, %bitcast3A_285 : vector<16xf32>
        %mul3A_290 = arith.mulf %mul3A_289, %bitcast3A_285 : vector<16xf32>
        %sub3A_291 = arith.constant 1.500000e+00 : f32
        %sub3A_292 = vector.broadcast %sub3A_291 : f32 to vector<16xf32>
        %sub3A_293 = arith.subf %sub3A_292, %mul3A_290 : vector<16xf32>
        %mul3A_294 = arith.mulf %bitcast3A_285, %sub3A_293 : vector<16xf32>
        %mul3A_295 = arith.constant 5.000000e-01 : f32
        %mul3A_296 = vector.broadcast %mul3A_295 : f32 to vector<16xf32>
        %mul3A_297 = arith.mulf %mul3A_296, %add3A_277 : vector<16xf32>
        %mul3A_298 = arith.mulf %mul3A_297, %mul3A_294 : vector<16xf32>
        %mul3A_299 = arith.mulf %mul3A_298, %mul3A_294 : vector<16xf32>
        %sub3A_300 = arith.constant 1.500000e+00 : f32
        %sub3A_301 = vector.broadcast %sub3A_300 : f32 to vector<16xf32>
        %sub3A_302 = arith.subf %sub3A_301, %mul3A_299 : vector<16xf32>
        %mul3A_303 = arith.mulf %mul3A_294, %sub3A_302 : vector<16xf32>
        %mul3A_304 = arith.mulf %mul3A_269, %mul3A_303 : vector<16xf32>
        %neg3A_305 = arith.constant 0.000000e+00 : f32
        %neg3A_306 = vector.broadcast %neg3A_305 : f32 to vector<16xf32>
        %neg3A_307 = arith.subf %neg3A_306, %mul3A_304 : vector<16xf32>
        %mul3A_308 = arith.constant 1.562500e-02 : f32
        %mul3A_309 = vector.broadcast %mul3A_308 : f32 to vector<16xf32>
        %mul3A_310 = arith.mulf %parallel_loop3A_229#2, %mul3A_309 : vector<16xf32>
        %mul3A_311 = arith.constant 1.562500e-02 : f32
        %mul3A_312 = vector.broadcast %mul3A_311 : f32 to vector<16xf32>
        %mul3A_313 = arith.mulf %parallel_loop3A_229#6, %mul3A_312 : vector<16xf32>
        %mul3A_314 = arith.mulf %mul3A_310, %mul3A_310 : vector<16xf32>
        %sub3A_315 = arith.subf %mul3A_313, %mul3A_314 : vector<16xf32>
        %add3A_316 = arith.constant 9.99999974E-6 : f32
        %add3A_317 = vector.broadcast %add3A_316 : f32 to vector<16xf32>
        %add3A_318 = arith.addf %sub3A_315, %add3A_317 : vector<16xf32>
        %bitcast3A_319 = vector.bitcast %add3A_318 : vector<16xf32> to vector<16xi32>
        %shift_right_logical3A_320 = arith.constant 1 : i32
        %shift_right_logical3A_321 = vector.broadcast %shift_right_logical3A_320 : i32 to vector<16xi32>
        %shift_right_logical3A_322 = arith.shrui %bitcast3A_319, %shift_right_logical3A_321 : vector<16xi32>
        %sub3A_323 = arith.constant 1597463007 : i32
        %sub3A_324 = vector.broadcast %sub3A_323 : i32 to vector<16xi32>
        %sub3A_325 = arith.subi %sub3A_324, %shift_right_logical3A_322 : vector<16xi32>
        %bitcast3A_326 = vector.bitcast %sub3A_325 : vector<16xi32> to vector<16xf32>
        %mul3A_327 = arith.constant 5.000000e-01 : f32
        %mul3A_328 = vector.broadcast %mul3A_327 : f32 to vector<16xf32>
        %mul3A_329 = arith.mulf %mul3A_328, %add3A_318 : vector<16xf32>
        %mul3A_330 = arith.mulf %mul3A_329, %bitcast3A_326 : vector<16xf32>
        %mul3A_331 = arith.mulf %mul3A_330, %bitcast3A_326 : vector<16xf32>
        %sub3A_332 = arith.constant 1.500000e+00 : f32
        %sub3A_333 = vector.broadcast %sub3A_332 : f32 to vector<16xf32>
        %sub3A_334 = arith.subf %sub3A_333, %mul3A_331 : vector<16xf32>
        %mul3A_335 = arith.mulf %bitcast3A_326, %sub3A_334 : vector<16xf32>
        %mul3A_336 = arith.constant 5.000000e-01 : f32
        %mul3A_337 = vector.broadcast %mul3A_336 : f32 to vector<16xf32>
        %mul3A_338 = arith.mulf %mul3A_337, %add3A_318 : vector<16xf32>
        %mul3A_339 = arith.mulf %mul3A_338, %mul3A_335 : vector<16xf32>
        %mul3A_340 = arith.mulf %mul3A_339, %mul3A_335 : vector<16xf32>
        %sub3A_341 = arith.constant 1.500000e+00 : f32
        %sub3A_342 = vector.broadcast %sub3A_341 : f32 to vector<16xf32>
        %sub3A_343 = arith.subf %sub3A_342, %mul3A_340 : vector<16xf32>
        %mul3A_344 = arith.mulf %mul3A_335, %sub3A_343 : vector<16xf32>
        %mul3A_345 = arith.mulf %mul3A_310, %mul3A_344 : vector<16xf32>
        %neg3A_346 = arith.constant 0.000000e+00 : f32
        %neg3A_347 = vector.broadcast %neg3A_346 : f32 to vector<16xf32>
        %neg3A_348 = arith.subf %neg3A_347, %mul3A_345 : vector<16xf32>
        %mul3A_349 = arith.constant 1.562500e-02 : f32
        %mul3A_350 = vector.broadcast %mul3A_349 : f32 to vector<16xf32>
        %mul3A_351 = arith.mulf %parallel_loop3A_229#3, %mul3A_350 : vector<16xf32>
        %mul3A_352 = arith.constant 1.562500e-02 : f32
        %mul3A_353 = vector.broadcast %mul3A_352 : f32 to vector<16xf32>
        %mul3A_354 = arith.mulf %parallel_loop3A_229#7, %mul3A_353 : vector<16xf32>
        %mul3A_355 = arith.mulf %mul3A_351, %mul3A_351 : vector<16xf32>
        %sub3A_356 = arith.subf %mul3A_354, %mul3A_355 : vector<16xf32>
        %add3A_357 = arith.constant 9.99999974E-6 : f32
        %add3A_358 = vector.broadcast %add3A_357 : f32 to vector<16xf32>
        %add3A_359 = arith.addf %sub3A_356, %add3A_358 : vector<16xf32>
        %bitcast3A_360 = vector.bitcast %add3A_359 : vector<16xf32> to vector<16xi32>
        %shift_right_logical3A_361 = arith.constant 1 : i32
        %shift_right_logical3A_362 = vector.broadcast %shift_right_logical3A_361 : i32 to vector<16xi32>
        %shift_right_logical3A_363 = arith.shrui %bitcast3A_360, %shift_right_logical3A_362 : vector<16xi32>
        %sub3A_364 = arith.constant 1597463007 : i32
        %sub3A_365 = vector.broadcast %sub3A_364 : i32 to vector<16xi32>
        %sub3A_366 = arith.subi %sub3A_365, %shift_right_logical3A_363 : vector<16xi32>
        %bitcast3A_367 = vector.bitcast %sub3A_366 : vector<16xi32> to vector<16xf32>
        %mul3A_368 = arith.constant 5.000000e-01 : f32
        %mul3A_369 = vector.broadcast %mul3A_368 : f32 to vector<16xf32>
        %mul3A_370 = arith.mulf %mul3A_369, %add3A_359 : vector<16xf32>
        %mul3A_371 = arith.mulf %mul3A_370, %bitcast3A_367 : vector<16xf32>
        %mul3A_372 = arith.mulf %mul3A_371, %bitcast3A_367 : vector<16xf32>
        %sub3A_373 = arith.constant 1.500000e+00 : f32
        %sub3A_374 = vector.broadcast %sub3A_373 : f32 to vector<16xf32>
        %sub3A_375 = arith.subf %sub3A_374, %mul3A_372 : vector<16xf32>
        %mul3A_376 = arith.mulf %bitcast3A_367, %sub3A_375 : vector<16xf32>
        %mul3A_377 = arith.constant 5.000000e-01 : f32
        %mul3A_378 = vector.broadcast %mul3A_377 : f32 to vector<16xf32>
        %mul3A_379 = arith.mulf %mul3A_378, %add3A_359 : vector<16xf32>
        %mul3A_380 = arith.mulf %mul3A_379, %mul3A_376 : vector<16xf32>
        %mul3A_381 = arith.mulf %mul3A_380, %mul3A_376 : vector<16xf32>
        %sub3A_382 = arith.constant 1.500000e+00 : f32
        %sub3A_383 = vector.broadcast %sub3A_382 : f32 to vector<16xf32>
        %sub3A_384 = arith.subf %sub3A_383, %mul3A_381 : vector<16xf32>
        %mul3A_385 = arith.mulf %mul3A_376, %sub3A_384 : vector<16xf32>
        %mul3A_386 = arith.mulf %mul3A_351, %mul3A_385 : vector<16xf32>
        %neg3A_387 = arith.constant 0.000000e+00 : f32
        %neg3A_388 = vector.broadcast %neg3A_387 : f32 to vector<16xf32>
        %neg3A_389 = arith.subf %neg3A_388, %mul3A_386 : vector<16xf32>
        %parallel_loop3A_390 = arith.constant 0 : i32
        %parallel_loop3A_391 = arith.constant 64 : i32
        %parallel_loop3A_392 = arith.constant 1 : i32
        scf.for %parallel_loop3A_398 = %parallel_loop3A_390 to %parallel_loop3A_391 step %parallel_loop3A_392  : i32 {
          %parallel_loop3A_399 = arith.constant 0 : i32
          %parallel_loop3A_400 = vector.broadcast %parallel_loop3A_399 : i32 to vector<16xi32>
          %parallel_loop3A_401 = vector.broadcast %parallel_loop3A_398 : i32 to vector<16xi32>
          %parallel_loop3A_402 = arith.addi %parallel_loop3A_400, %parallel_loop3A_401 : vector<16xi32>
          %parallel_loop3A_403 = arith.constant 16 : i32
          %parallel_loop3A_404 = arith.muli %parallel_loop3A_398, %parallel_loop3A_403 : i32
          %parallel_loop3A_405 = arith.constant 2048 : i32
          %parallel_loop3A_406 = arith.addi %parallel_loop3A_405, %parallel_loop3A_404 : i32
          %parallel_loop3A_407 = arith.index_cast %parallel_loop3A_406 : i32 to index
          %parallel_loop3A_408 = tpu.vector_load %arg9[%parallel_loop3A_407] {strides = array<i32>} : memref<4224xf32, #tpu.memory_space<vmem>>, vector<16xf32>,
          %parallel_loop3A_409 = arith.constant 16 : i32
          %parallel_loop3A_410 = arith.muli %parallel_loop3A_398, %parallel_loop3A_409 : i32
          %parallel_loop3A_411 = arith.constant 3072 : i32
          %parallel_loop3A_412 = arith.addi %parallel_loop3A_411, %parallel_loop3A_410 : i32
          %parallel_loop3A_413 = arith.index_cast %parallel_loop3A_412 : i32 to index
          %parallel_loop3A_414 = tpu.vector_load %arg9[%parallel_loop3A_413] {strides = array<i32>} : memref<4224xf32, #tpu.memory_space<vmem>>, vector<16xf32>,
          %parallel_loop3A_415 = arith.addi %mul3A_10, %parallel_loop3A_402 : vector<16xi32>
          %parallel_loop3A_416 = tpu.vector_load_idx %arg22[%parallel_loop3A_415] : memref<4160xf32, #tpu.memory_space<vmem>>[vector<16xi32>], vector<16xf32>,
          %parallel_loop3A_417 = arith.mulf %parallel_loop3A_416, %mul3A_263 : vector<16xf32>
          %parallel_loop3A_418 = arith.addf %parallel_loop3A_417, %neg3A_266 : vector<16xf32>
          %parallel_loop3A_419 = arith.mulf %parallel_loop3A_418, %parallel_loop3A_408 : vector<16xf32>
          %parallel_loop3A_420 = arith.addf %parallel_loop3A_419, %parallel_loop3A_414 : vector<16xf32>
          tpu.vector_store_idx %arg22[%parallel_loop3A_415], %parallel_loop3A_420 : memref<4160xf32, #tpu.memory_space<vmem>>[vector<16xi32>], vector<16xf32>,
          %parallel_loop3A_421 = arith.addi %mul3A_16, %parallel_loop3A_402 : vector<16xi32>
          %parallel_loop3A_422 = tpu.vector_load_idx %arg22[%parallel_loop3A_421] : memref<4160xf32, #tpu.memory_space<vmem>>[vector<16xi32>], vector<16xf32>,
          %parallel_loop3A_423 = arith.mulf %parallel_loop3A_422, %mul3A_303 : vector<16xf32>
          %parallel_loop3A_424 = arith.addf %parallel_loop3A_423, %neg3A_307 : vector<16xf32>
          %parallel_loop3A_425 = arith.mulf %parallel_loop3A_424, %parallel_loop3A_408 : vector<16xf32>
          %parallel_loop3A_426 = arith.addf %parallel_loop3A_425, %parallel_loop3A_414 : vector<16xf32>
          tpu.vector_store_idx %arg22[%parallel_loop3A_421], %parallel_loop3A_426 : memref<4160xf32, #tpu.memory_space<vmem>>[vector<16xi32>], vector<16xf32>,
          %parallel_loop3A_427 = arith.addi %mul3A_22, %parallel_loop3A_402 : vector<16xi32>
          %parallel_loop3A_428 = tpu.vector_load_idx %arg22[%parallel_loop3A_427] : memref<4160xf32, #tpu.memory_space<vmem>>[vector<16xi32>], vector<16xf32>,
          %parallel_loop3A_429 = arith.mulf %parallel_loop3A_428, %mul3A_344 : vector<16xf32>
          %parallel_loop3A_430 = arith.addf %parallel_loop3A_429, %neg3A_348 : vector<16xf32>
          %parallel_loop3A_431 = arith.mulf %parallel_loop3A_430, %parallel_loop3A_408 : vector<16xf32>
          %parallel_loop3A_432 = arith.addf %parallel_loop3A_431, %parallel_loop3A_414 : vector<16xf32>
          tpu.vector_store_idx %arg22[%parallel_loop3A_427], %parallel_loop3A_432 : memref<4160xf32, #tpu.memory_space<vmem>>[vector<16xi32>], vector<16xf32>,
          %parallel_loop3A_433 = arith.addi %mul3A_28, %parallel_loop3A_402 : vector<16xi32>
          %parallel_loop3A_434 = tpu.vector_load_idx %arg22[%parallel_loop3A_433] : memref<4160xf32, #tpu.memory_space<vmem>>[vector<16xi32>], vector<16xf32>,
          %parallel_loop3A_435 = arith.mulf %parallel_loop3A_434, %mul3A_385 : vector<16xf32>
          %parallel_loop3A_436 = arith.addf %parallel_loop3A_435, %neg3A_389 : vector<16xf32>
          %parallel_loop3A_437 = arith.mulf %parallel_loop3A_436, %parallel_loop3A_408 : vector<16xf32>
          %parallel_loop3A_438 = arith.addf %parallel_loop3A_437, %parallel_loop3A_414 : vector<16xf32>
          tpu.vector_store_idx %arg22[%parallel_loop3A_433], %parallel_loop3A_438 : memref<4160xf32, #tpu.memory_space<vmem>>[vector<16xi32>], vector<16xf32>,
        } {sc.loop_unroll_factor = 4 : i64, sc.parallel_access}
        %mul3A_393 = arith.constant 64 : i32
        %mul3A_394 = arith.muli %mul3A_162, %mul3A_393 : i32
        %parallel_loop3A_395 = arith.constant 0 : i32
        %parallel_loop3A_396 = arith.constant 64 : i32
        %parallel_loop3A_397 = arith.constant 1 : i32
        scf.for %parallel_loop3A_398 = %parallel_loop3A_395 to %parallel_loop3A_396 step %parallel_loop3A_397  : i32 {
          %parallel_loop3A_399 = arith.constant 65 : i32
          %parallel_loop3A_400 = arith.muli %parallel_loop3A_398, %parallel_loop3A_399 : i32
          %parallel_loop3A_401 = arith.constant 64 : i32
          %parallel_loop3A_402 = arith.muli %parallel_loop3A_398, %parallel_loop3A_401 : i32
          %parallel_loop3A_403 = arith.addi %mul3A_394, %parallel_loop3A_402 : i32
          %parallel_loop3A_404 = arith.constant 0 : i32
          %parallel_loop3A_405 = arith.addi %parallel_loop3A_400, %parallel_loop3A_404 : i32
          %parallel_loop3A_406 = arith.index_cast %parallel_loop3A_405 : i32 to index
          %parallel_loop3A_407 = tpu.vector_load %arg22[%parallel_loop3A_406] {strides = array<i32>} : memref<4160xf32, #tpu.memory_space<vmem>>, vector<16xf32>,
          %parallel_loop3A_408 = arith.constant 0 : i32
          %parallel_loop3A_409 = arith.addi %parallel_loop3A_403, %parallel_loop3A_408 : i32
          %parallel_loop3A_410 = arith.index_cast %parallel_loop3A_409 : i32 to index
          %parallel_loop3A_411 = tpu.vector_load %arg19[%parallel_loop3A_410] {strides = array<i32>} : memref<8192xf32, #tpu.memory_space<vmem>>, vector<16xf32>,
          tpu.vector_store %arg19[%parallel_loop3A_410], %parallel_loop3A_407 {strides = array<i32>} : memref<8192xf32, #tpu.memory_space<vmem>>, vector<16xf32>,
          %parallel_loop3A_412 = arith.constant 16 : i32
          %parallel_loop3A_413 = arith.addi %parallel_loop3A_400, %parallel_loop3A_412 : i32
          %parallel_loop3A_414 = arith.index_cast %parallel_loop3A_413 : i32 to index
          %parallel_loop3A_415 = tpu.vector_load %arg22[%parallel_loop3A_414] {strides = array<i32>} : memref<4160xf32, #tpu.memory_space<vmem>>, vector<16xf32>,
          %parallel_loop3A_416 = arith.constant 16 : i32
          %parallel_loop3A_417 = arith.addi %parallel_loop3A_403, %parallel_loop3A_416 : i32
          %parallel_loop3A_418 = arith.index_cast %parallel_loop3A_417 : i32 to index
          %parallel_loop3A_419 = tpu.vector_load %arg19[%parallel_loop3A_418] {strides = array<i32>} : memref<8192xf32, #tpu.memory_space<vmem>>, vector<16xf32>,
          tpu.vector_store %arg19[%parallel_loop3A_418], %parallel_loop3A_415 {strides = array<i32>} : memref<8192xf32, #tpu.memory_space<vmem>>, vector<16xf32>,
          %parallel_loop3A_420 = arith.constant 32 : i32
          %parallel_loop3A_421 = arith.addi %parallel_loop3A_400, %parallel_loop3A_420 : i32
          %parallel_loop3A_422 = arith.index_cast %parallel_loop3A_421 : i32 to index
          %parallel_loop3A_423 = tpu.vector_load %arg22[%parallel_loop3A_422] {strides = array<i32>} : memref<4160xf32, #tpu.memory_space<vmem>>, vector<16xf32>,
          %parallel_loop3A_424 = arith.constant 32 : i32
          %parallel_loop3A_425 = arith.addi %parallel_loop3A_403, %parallel_loop3A_424 : i32
          %parallel_loop3A_426 = arith.index_cast %parallel_loop3A_425 : i32 to index
          %parallel_loop3A_427 = tpu.vector_load %arg19[%parallel_loop3A_426] {strides = array<i32>} : memref<8192xf32, #tpu.memory_space<vmem>>, vector<16xf32>,
          tpu.vector_store %arg19[%parallel_loop3A_426], %parallel_loop3A_423 {strides = array<i32>} : memref<8192xf32, #tpu.memory_space<vmem>>, vector<16xf32>,
          %parallel_loop3A_428 = arith.constant 48 : i32
          %parallel_loop3A_429 = arith.addi %parallel_loop3A_400, %parallel_loop3A_428 : i32
          %parallel_loop3A_430 = arith.index_cast %parallel_loop3A_429 : i32 to index
          %parallel_loop3A_431 = tpu.vector_load %arg22[%parallel_loop3A_430] {strides = array<i32>} : memref<4160xf32, #tpu.memory_space<vmem>>, vector<16xf32>,
          %parallel_loop3A_432 = arith.constant 48 : i32
          %parallel_loop3A_433 = arith.addi %parallel_loop3A_403, %parallel_loop3A_432 : i32
          %parallel_loop3A_434 = arith.index_cast %parallel_loop3A_433 : i32 to index
          %parallel_loop3A_435 = tpu.vector_load %arg19[%parallel_loop3A_434] {strides = array<i32>} : memref<8192xf32, #tpu.memory_space<vmem>>, vector<16xf32>,
          tpu.vector_store %arg19[%parallel_loop3A_434], %parallel_loop3A_431 {strides = array<i32>} : memref<8192xf32, #tpu.memory_space<vmem>>, vector<16xf32>,
        } {sc.loop_unroll_factor = 8 : i64, sc.parallel_access}
      }
      %scan3A_142 = arith.constant 2 : i32
      %mul3A_143 = arith.constant 64 : i32
      %mul3A_144 = arith.muli %add3A_126, %mul3A_143 : i32
      %dma_start3A_145 = tpu.memref_slice %arg7[%mul3A_144] : memref<52428800xf32, #tpu.memory_space<hbm>> -> memref<8192xf32, #tpu.memory_space<hbm>>
      %dma_start3A_146 = tpu.memref_slice %arg7[%mul3A_144] : memref<52428800xf32, #tpu.memory_space<hbm>> -> memref<8192xf32, #tpu.memory_space<hbm>>
      tpu.enqueue_dma source(%arg19 : memref<8192xf32, #tpu.memory_space<vmem>>) target(%dma_start3A_146 : memref<8192xf32, #tpu.memory_space<hbm>>) target_semaphore(%arg21 : memref<!tpu.dma_semaphore, #tpu.memory_space<semaphore_mem>>)
      %add3A_147 = arith.constant 2 : i32
      %add3A_148 = arith.addi %add3A_123, %add3A_147 : i32
      %min3A_149 = arith.constant 199 : i32
      %min3A_150 = arith.minsi %add3A_148, %min3A_149 : i32
      %mul3A_151 = arith.constant 128 : i32
      %mul3A_152 = arith.muli %min3A_150, %mul3A_151 : i32
      %add3A_153 = arith.addi %mul3A_2, %mul3A_152 : i32
      %dma_start3A_154 = tpu.memref_slice %arg4[%add3A_153] : memref<819200xi32, #tpu.memory_space<hbm>> -> memref<128xi32, #tpu.memory_space<hbm>>
      %dma_start3A_155 = tpu.memref_slice %arg4[%add3A_153] : memref<819200xi32, #tpu.memory_space<hbm>> -> memref<128xi32, #tpu.memory_space<hbm>>
      tpu.enqueue_dma source(%dma_start3A_155 : memref<128xi32, #tpu.memory_space<hbm>>) target(%arg16 : memref<128xi32, #tpu.memory_space<vmem>>) target_semaphore(%arg20 : memref<!tpu.dma_semaphore, #tpu.memory_space<semaphore_mem>>)
      %dma_start3A_156 = tpu.memref_slice %arg5[%add3A_153] : memref<819200xf32, #tpu.memory_space<hbm>> -> memref<128xf32, #tpu.memory_space<hbm>>
      %dma_start3A_157 = tpu.memref_slice %arg5[%add3A_153] : memref<819200xf32, #tpu.memory_space<hbm>> -> memref<128xf32, #tpu.memory_space<hbm>>
      tpu.enqueue_dma source(%dma_start3A_157 : memref<128xf32, #tpu.memory_space<hbm>>) target(%arg17 : memref<128xf32, #tpu.memory_space<vmem>>) target_semaphore(%arg20 : memref<!tpu.dma_semaphore, #tpu.memory_space<semaphore_mem>>)
      %dma_start3A_158 = tpu.memref_slice %arg6[%add3A_153] : memref<819200xf32, #tpu.memory_space<hbm>> -> memref<128xf32, #tpu.memory_space<hbm>>
      %dma_start3A_159 = tpu.memref_slice %arg6[%add3A_153] : memref<819200xf32, #tpu.memory_space<hbm>> -> memref<128xf32, #tpu.memory_space<hbm>>
      tpu.enqueue_dma source(%dma_start3A_159 : memref<128xf32, #tpu.memory_space<hbm>>) target(%arg18 : memref<128xf32, #tpu.memory_space<vmem>>) target_semaphore(%arg20 : memref<!tpu.dma_semaphore, #tpu.memory_space<semaphore_mem>>)
    }
    %scan3A_56 = arith.constant 100 : i32
    %add3A_57 = arith.constant 25344 : i32
    %add3A_58 = arith.addi %mul3A_2, %add3A_57 : i32
    %dma_wait3A = tpu.memref_slice %arg4[%add3A_58] : memref<819200xi32, #tpu.memory_space<hbm>> -> memref<128xi32, #tpu.memory_space<hbm>>
    %dma_wait3A_59 = tpu.memref_slice %arg4[%add3A_58] : memref<819200xi32, #tpu.memory_space<hbm>> -> memref<128xi32, #tpu.memory_space<hbm>>
    tpu.wait_dma2 semaphore(%arg14 : memref<!tpu.dma_semaphore, #tpu.memory_space<semaphore_mem>>) src(%dma_wait3A_59 : memref<128xi32, #tpu.memory_space<hbm>>) dst(%arg10 : memref<128xi32, #tpu.memory_space<vmem>>)
    %dma_wait3A_60 = tpu.memref_slice %arg5[%add3A_58] : memref<819200xf32, #tpu.memory_space<hbm>> -> memref<128xf32, #tpu.memory_space<hbm>>
    %dma_wait3A_61 = tpu.memref_slice %arg5[%add3A_58] : memref<819200xf32, #tpu.memory_space<hbm>> -> memref<128xf32, #tpu.memory_space<hbm>>
    tpu.wait_dma2 semaphore(%arg14 : memref<!tpu.dma_semaphore, #tpu.memory_space<semaphore_mem>>) src(%dma_wait3A_61 : memref<128xf32, #tpu.memory_space<hbm>>) dst(%arg11 : memref<128xf32, #tpu.memory_space<vmem>>)
    %dma_wait3A_62 = tpu.memref_slice %arg6[%add3A_58] : memref<819200xf32, #tpu.memory_space<hbm>> -> memref<128xf32, #tpu.memory_space<hbm>>
    %dma_wait3A_63 = tpu.memref_slice %arg6[%add3A_58] : memref<819200xf32, #tpu.memory_space<hbm>> -> memref<128xf32, #tpu.memory_space<hbm>>
    tpu.wait_dma2 semaphore(%arg14 : memref<!tpu.dma_semaphore, #tpu.memory_space<semaphore_mem>>) src(%dma_wait3A_63 : memref<128xf32, #tpu.memory_space<hbm>>) dst(%arg12 : memref<128xf32, #tpu.memory_space<vmem>>)
    %add3A_64 = arith.constant 128 : i32
    %add3A_65 = arith.addi %add3A_58, %add3A_64 : i32
    %dma_wait3A_66 = tpu.memref_slice %arg4[%add3A_65] : memref<819200xi32, #tpu.memory_space<hbm>> -> memref<128xi32, #tpu.memory_space<hbm>>
    %dma_wait3A_67 = tpu.memref_slice %arg4[%add3A_65] : memref<819200xi32, #tpu.memory_space<hbm>> -> memref<128xi32, #tpu.memory_space<hbm>>
    tpu.wait_dma2 semaphore(%arg20 : memref<!tpu.dma_semaphore, #tpu.memory_space<semaphore_mem>>) src(%dma_wait3A_67 : memref<128xi32, #tpu.memory_space<hbm>>) dst(%arg16 : memref<128xi32, #tpu.memory_space<vmem>>)
    %dma_wait3A_68 = tpu.memref_slice %arg5[%add3A_65] : memref<819200xf32, #tpu.memory_space<hbm>> -> memref<128xf32, #tpu.memory_space<hbm>>
    %dma_wait3A_69 = tpu.memref_slice %arg5[%add3A_65] : memref<819200xf32, #tpu.memory_space<hbm>> -> memref<128xf32, #tpu.memory_space<hbm>>
    tpu.wait_dma2 semaphore(%arg20 : memref<!tpu.dma_semaphore, #tpu.memory_space<semaphore_mem>>) src(%dma_wait3A_69 : memref<128xf32, #tpu.memory_space<hbm>>) dst(%arg17 : memref<128xf32, #tpu.memory_space<vmem>>)
    %dma_wait3A_70 = tpu.memref_slice %arg6[%add3A_65] : memref<819200xf32, #tpu.memory_space<hbm>> -> memref<128xf32, #tpu.memory_space<hbm>>
    %dma_wait3A_71 = tpu.memref_slice %arg6[%add3A_65] : memref<819200xf32, #tpu.memory_space<hbm>> -> memref<128xf32, #tpu.memory_space<hbm>>
    tpu.wait_dma2 semaphore(%arg20 : memref<!tpu.dma_semaphore, #tpu.memory_space<semaphore_mem>>) src(%dma_wait3A_71 : memref<128xf32, #tpu.memory_space<hbm>>) dst(%arg18 : memref<128xf32, #tpu.memory_space<vmem>>)
    %mul3A_72 = arith.constant 64 : i32
    %mul3A_73 = arith.muli %add3A_58, %mul3A_72 : i32
    %dma_wait3A_74 = tpu.memref_slice %arg7[%mul3A_73] : memref<52428800xf32, #tpu.memory_space<hbm>> -> memref<8192xf32, #tpu.memory_space<hbm>>
    %dma_wait3A_75 = tpu.memref_slice %arg7[%mul3A_73] : memref<52428800xf32, #tpu.memory_space<hbm>> -> memref<8192xf32, #tpu.memory_space<hbm>>
    tpu.wait_dma2 semaphore(%arg15 : memref<!tpu.dma_semaphore, #tpu.memory_space<semaphore_mem>>) src(%arg13 : memref<8192xf32, #tpu.memory_space<vmem>>) dst(%dma_wait3A_75 : memref<8192xf32, #tpu.memory_space<hbm>>)
    %add3A_76 = arith.constant 128 : i32
    %add3A_77 = arith.addi %add3A_58, %add3A_76 : i32
    %mul3A_78 = arith.constant 64 : i32
    %mul3A_79 = arith.muli %add3A_77, %mul3A_78 : i32
    %dma_wait3A_80 = tpu.memref_slice %arg7[%mul3A_79] : memref<52428800xf32, #tpu.memory_space<hbm>> -> memref<8192xf32, #tpu.memory_space<hbm>>
    %dma_wait3A_81 = tpu.memref_slice %arg7[%mul3A_79] : memref<52428800xf32, #tpu.memory_space<hbm>> -> memref<8192xf32, #tpu.memory_space<hbm>>
    tpu.wait_dma2 semaphore(%arg21 : memref<!tpu.dma_semaphore, #tpu.memory_space<semaphore_mem>>) src(%arg19 : memref<8192xf32, #tpu.memory_space<vmem>>) dst(%dma_wait3A_81 : memref<8192xf32, #tpu.memory_space<hbm>>)
    return
  }
}

module attributes {stable_mosaic.version = 14 : i64} {
  func.func @_prep_body(%arg0: memref<96x16xf32, #tpu.memory_space<vmem>>, %arg1: memref<28x64xf32, #tpu.memory_space<vmem>>, %arg2: memref<8x1xf32, #tpu.memory_space<vmem>>, %arg3: memref<1x8xf32, #tpu.memory_space<vmem>>, %arg4: memref<4x1xf32, #tpu.memory_space<vmem>>, %arg5: memref<1x4xf32, #tpu.memory_space<vmem>>, %arg6: memref<1x64xf32, #tpu.memory_space<vmem>>, %arg7: memref<1x1xf32, #tpu.memory_space<vmem>>, %arg8: memref<64x1xf32, #tpu.memory_space<vmem>>, %arg9: memref<64x1xf32, #tpu.memory_space<vmem>>, %arg10: memref<96x64xf32, #tpu.memory_space<vmem>>, %arg11: memref<264x16xf32, #tpu.memory_space<vmem>>) attributes {dimension_semantics = [], scalar_prefetch = 0 : i64, scratch_operands = 0 : i64, tpu.core_type = #tpu.core_type<tc>} {
    %get3A = arith.constant 0 : index
    %get3A_0 = arith.constant 0 : index
    %get3A_1 = vector.load %arg1[%get3A, %get3A_0] : memref<28x64xf32, #tpu.memory_space<vmem>>, vector<28x64xf32>
    %slice3A = vector.extract_strided_slice %get3A_1 {offsets = [0, 0], sizes = [16, 64], strides = [1, 1]} : vector<28x64xf32> to vector<16x64xf32>
    %slice3A_2 = vector.extract_strided_slice %get3A_1 {offsets = [16, 0], sizes = [8, 64], strides = [1, 1]} : vector<28x64xf32> to vector<8x64xf32>
    %slice3A_3 = vector.extract_strided_slice %get3A_1 {offsets = [24, 0], sizes = [4, 64], strides = [1, 1]} : vector<28x64xf32> to vector<4x64xf32>
    %get3A_4 = arith.constant 0 : index
    %get3A_5 = arith.constant 0 : index
    %get3A_6 = vector.load %arg3[%get3A_4, %get3A_5] : memref<1x8xf32, #tpu.memory_space<vmem>>, vector<1x8xf32>
    %dot_general3A = arith.constant dense<0.000000e+00> : vector<1x64xf32>
    %dot_general3A_7 = tpu.matmul %get3A_6, %slice3A_2, %dot_general3A {dimension_numbers = #tpu.dot_dimension_numbers<[1], [0], [0], [1], [0, 0, 1, 1], [], []>, transpose_lhs_hint = false} : vector<1x8xf32>, vector<8x64xf32>, vector<1x64xf32> -> vector<1x64xf32>
    %get3A_8 = arith.constant 0 : index
    %get3A_9 = arith.constant 0 : index
    %get3A_10 = vector.load %arg5[%get3A_8, %get3A_9] : memref<1x4xf32, #tpu.memory_space<vmem>>, vector<1x4xf32>
    %dot_general3A_11 = arith.constant dense<0.000000e+00> : vector<1x64xf32>
    %dot_general3A_12 = tpu.matmul %get3A_10, %slice3A_3, %dot_general3A_11 {dimension_numbers = #tpu.dot_dimension_numbers<[1], [0], [0], [1], [0, 0, 1, 1], [], []>, transpose_lhs_hint = false} : vector<1x4xf32>, vector<4x64xf32>, vector<1x64xf32> -> vector<1x64xf32>
    %add3A = arith.addf %dot_general3A_7, %dot_general3A_12 : vector<1x64xf32>
    %get3A_13 = arith.constant 0 : index
    %get3A_14 = arith.constant 0 : index
    %get3A_15 = vector.load %arg6[%get3A_13, %get3A_14] : memref<1x64xf32, #tpu.memory_space<vmem>>, vector<1x64xf32>
    %add3A_16 = arith.addf %add3A, %get3A_15 : vector<1x64xf32>
    %get3A_17 = arith.constant 0 : index
    %get3A_18 = arith.constant 0 : index
    %get3A_19 = vector.load %arg0[%get3A_17, %get3A_18] : memref<96x16xf32, #tpu.memory_space<vmem>>, vector<96x16xf32>
    %dot_general3A_20 = arith.constant dense<0.000000e+00> : vector<96x64xf32>
    %dot_general3A_21 = tpu.matmul %get3A_19, %slice3A, %dot_general3A_20 {dimension_numbers = #tpu.dot_dimension_numbers<[1], [0], [0], [1], [0, 0, 1, 1], [], []>, transpose_lhs_hint = false} : vector<96x16xf32>, vector<16x64xf32>, vector<96x64xf32> -> vector<96x64xf32>
    %add3A_22 = vector.broadcast %add3A_16 : vector<1x64xf32> to vector<96x64xf32>
    %add3A_23 = arith.addf %dot_general3A_21, %add3A_22 : vector<96x64xf32>
    %swap3A = arith.constant 0 : index
    %swap3A_24 = arith.constant 0 : index
    %swap3A_25 = vector.load %arg10[%swap3A, %swap3A_24] : memref<96x64xf32, #tpu.memory_space<vmem>>, vector<96x64xf32>
    tpu.vector_store %arg10[%swap3A, %swap3A_24], %add3A_23 {strides = array<i32>} : memref<96x64xf32, #tpu.memory_space<vmem>>, vector<96x64xf32>,
    %get3A_26 = arith.constant 0 : index
    %get3A_27 = arith.constant 0 : index
    %get3A_28 = vector.load %arg2[%get3A_26, %get3A_27] : memref<8x1xf32, #tpu.memory_space<vmem>>, vector<8x1xf32>
    %dot_general3A_29 = arith.constant dense<0.000000e+00> : vector<64x1xf32>
    %dot_general3A_30 = tpu.matmul %slice3A_2, %get3A_28, %dot_general3A_29 {dimension_numbers = #tpu.dot_dimension_numbers<[0], [0], [1], [1], [0, 1, 1, 1], [], []>, transpose_lhs_hint = false} : vector<8x64xf32>, vector<8x1xf32>, vector<64x1xf32> -> vector<64x1xf32>
    %get3A_31 = arith.constant 0 : index
    %get3A_32 = arith.constant 0 : index
    %get3A_33 = vector.load %arg4[%get3A_31, %get3A_32] : memref<4x1xf32, #tpu.memory_space<vmem>>, vector<4x1xf32>
    %dot_general3A_34 = arith.constant dense<0.000000e+00> : vector<64x1xf32>
    %dot_general3A_35 = tpu.matmul %slice3A_3, %get3A_33, %dot_general3A_34 {dimension_numbers = #tpu.dot_dimension_numbers<[0], [0], [1], [1], [0, 1, 1, 1], [], []>, transpose_lhs_hint = false} : vector<4x64xf32>, vector<4x1xf32>, vector<64x1xf32> -> vector<64x1xf32>
    %broadcast_in_dim3A = vector.shape_cast %dot_general3A_30 : vector<64x1xf32> to vector<64x1xf32>
    %broadcast_in_dim3A_36 = vector.broadcast %broadcast_in_dim3A : vector<64x1xf32> to vector<64x16xf32>
    %broadcast_in_dim3A_37 = vector.shape_cast %dot_general3A_35 : vector<64x1xf32> to vector<64x1xf32>
    %broadcast_in_dim3A_38 = vector.broadcast %broadcast_in_dim3A_37 : vector<64x1xf32> to vector<64x16xf32>
    %get3A_39 = arith.constant 0 : index
    %get3A_40 = arith.constant 0 : index
    %get3A_41 = vector.load %arg8[%get3A_39, %get3A_40] : memref<64x1xf32, #tpu.memory_space<vmem>>, vector<64x1xf32>
    %broadcast_in_dim3A_42 = vector.shape_cast %get3A_41 : vector<64x1xf32> to vector<64x1xf32>
    %broadcast_in_dim3A_43 = vector.broadcast %broadcast_in_dim3A_42 : vector<64x1xf32> to vector<64x16xf32>
    %get3A_44 = arith.constant 0 : index
    %get3A_45 = arith.constant 0 : index
    %get3A_46 = vector.load %arg9[%get3A_44, %get3A_45] : memref<64x1xf32, #tpu.memory_space<vmem>>, vector<64x1xf32>
    %broadcast_in_dim3A_47 = vector.shape_cast %get3A_46 : vector<64x1xf32> to vector<64x1xf32>
    %broadcast_in_dim3A_48 = vector.broadcast %broadcast_in_dim3A_47 : vector<64x1xf32> to vector<64x16xf32>
    %get3A_49 = arith.constant 0 : index
    %get3A_50 = arith.constant 0 : index
    %get3A_51 = vector.load %arg7[%get3A_49, %get3A_50] : memref<1x1xf32, #tpu.memory_space<vmem>>, vector<1x1xf32>
    %broadcast_in_dim3A_52 = vector.shape_cast %get3A_51 : vector<1x1xf32> to vector<1x1xf32>
    %broadcast_in_dim3A_53 = vector.broadcast %broadcast_in_dim3A_52 : vector<1x1xf32> to vector<8x16xf32>
    %concatenate3A = tpu.concatenate %broadcast_in_dim3A_36, %broadcast_in_dim3A_38, %broadcast_in_dim3A_43, %broadcast_in_dim3A_48, %broadcast_in_dim3A_53 in 0 : vector<64x16xf32>, vector<64x16xf32>, vector<64x16xf32>, vector<64x16xf32>, vector<8x16xf32> -> vector<264x16xf32>
    %swap3A_54 = arith.constant 0 : index
    %swap3A_55 = arith.constant 0 : index
    %swap3A_56 = vector.load %arg11[%swap3A_54, %swap3A_55] : memref<264x16xf32, #tpu.memory_space<vmem>>, vector<264x16xf32>
    tpu.vector_store %arg11[%swap3A_54, %swap3A_55], %concatenate3A {strides = array<i32>} : memref<264x16xf32, #tpu.memory_space<vmem>>, vector<264x16xf32>,
    return
  }
}

</mosaic_0001>

<sc_bundles>
// kernel: kernel.4.cloned.1.call-start
scs
__scs_entry_jumppad:
0x0: {  	(pc) =	sbr.rel $0x88, $3  }
0x1: {  	(tag) =	ssettag $0x0;
	lr =	simm.s32 $0x1  }
0x2: {  	[smem:$0x3F94] =	sst lr;
	_ =	strace $0xD0000000  }
0x3: {  	_ = 	snop  }
0x4: {  	_ = 	snop  }
0x5: {  	_ = 	snop  }
0x6: {  	_ = 	snop  }
0x7: {  	_ = 	snop  }
__scs_overlays_trampoline_lowered:
0x8: {  	[smem:$0x3FA3] =	sst s0  }
0x9: {  	[smem:$0x3FA4] =	sst s1  }
0xa: {  	[smem:$0x3FA5] =	sst s2  }
0xb: {  	[smem:$0x3FA6] =	sst s3  }
0xc: {  	[smem:$0x3FA7] =	sst s4  }
0xd: {  	[smem:$0x3FA8] =	sst s5  }
0xe: {  	[smem:$0x3FA9] =	sst s6  }
0xf: {  	[smem:$0x3FAA] =	sst s7  }
0x10: {  	[smem:$0x3FAB] =	sst s8  }
0x11: {  	[smem:$0x3FAC] =	sst s9;
	s0 =	simm.s32 @!p0 $0x0  }
0x12: {  	s1 =	sld [smem:$0x3F92];
	s0 =	simm.s32 @p0 $0x1  }
0x13: {  	[smem:$0x3FAD] =	sst s0;
	s0 =	simm.s32 @!p1 $0x0  }
0x14: {  	s2 =	sld [smem:$0x3F91];
	s0 =	simm.s32 @p1 $0x1  }
0x15: {  	[smem:$0x3FAE] =	sst s0;
	s0 =	simm.s32 @!p2 $0x0  }
0x16: {  	s3 =	sld [smem:$0x3FDB];
	s0 =	simm.s32 @p2 $0x1  }
0x17: {  	s4 =	simm.s32 $0x1BF5;
	[smem:$0x3FB0] =	sst s0  }
0x18: {  	s0 =	sld [smem:$0x3F93];
	_ =	swait.ge [sflag:s4], $0x0  }
0x19: {  	s7 =	sld [smem:$0x3F94]  }
0x1a: {  	s8 =	sadd.s32 $0xFFFFE003, lr  }
0x1b: {  	s9 =	sadd.s32 $0xFFFFFEF7, lr;
	s5 =	simm.s32 $0xFFFFFFFF;
	p2 =	slt.u32 s8, $0xFFFFF086  }
0x1c: {  	p1 =	slt.u32 s9, $0xF7A;
	s5 =	simm.s32 @!p2 $0x0  }
0x1d: {  	s5 =	simm.s32 @p1 $0x1;
	p0 =	seq.s32 s7, s2  }
0x1e: {  	s7 =	smul.u32 @!p0 $0xF7A, s2;
	p2 =	seq.s32 @!p0 s5, $0x0  }
0x1f: {  	s9 =	smul.u32 $0xF7A, s1;
	s8 =	simm.s32 @!p0 $0x1BF5;
	p2 =	por !p2, p0  }
0x20: {  	[sflag:s8] =	ssyncset.s32 @!p0 $0xFFFFF086;
	s6 =	sadd.s32 @!p0 s3, s7;
	s7 =	simm.s32 @!p0 $0x108  }
0x21: {  	s3 =	sadd.s32 s3, s9;
	s6 =	sadd.s32 @!p0 $0x88, s6;
	s7 =	simm.s32 @p2 $0x1082  }
0x22: {  	[simem:s7], [sflag:s8] =	dma.local @!p0 [hbm:s6], $0xF7A  }
0x23: {  	s9 =	sor.u32 $0xD0000000, s2;
	s6 =	simm.s32 $0x108;
	_ =	swait.ge @!p0 [sflag:s8], $0x0  }
0x24: {  	s3 =	sadd.s32 $0x88, s3;
	s6 =	simm.s32 @!p1 $0x1082;
	[sflag:s4] =	ssyncset.s32 $0xFFFFF086  }
0x25: {  	[simem:s6], [sflag:s4] =	dma.local [hbm:s3], $0xF7A  }
0x26: {  	[smem:$0x3F94] =	sst s1;
	(tag) =	ssettag s2;
	_ =	strace s9  }
0x27: {  	s1 =	sld [smem:$0x3FA4]  }
0x28: {  	s2 =	sld [smem:$0x3FA5]  }
0x29: {  	s4 =	sld [smem:$0x3FA7]  }
0x2a: {  	p0 =	seq.s32 s5, $0x0;
	s5 =	sld [smem:$0x3FA8]  }
0x2b: {  	s6 =	sld [smem:$0x3FA9]  }
0x2c: {  	s7 =	sld [smem:$0x3FAA]  }
0x2d: {  	s3 =	simm.s32 $0x108;
	s8 =	sld [smem:$0x3FAB]  }
0x2e: {  	s3 =	simm.s32 @!p0 $0x1082;
	s9 =	sld [smem:$0x3FAC]  }
0x2f: {  	lr =	sadd.s32 s0, s3;
	s0 =	sld [smem:$0x3FA3]  }
0x30: {  	s3 =	sld [smem:$0x3FA6]  }
0x31: {  	[smem:$0x3FAF] =	sst s10  }
0x32: {  	s10 =	sld [smem:$0x3FAD];
	_ =	sdelay $0x3  }
0x33: {  	p0 =	seq.s32 s10, $0x1;
	s10 =	sld [smem:$0x3FAF];
	_ =	sdelay $0x3  }
0x34: {  	[smem:$0x3FAF] =	sst s10  }
0x35: {  	s10 =	sld [smem:$0x3FAE];
	_ =	sdelay $0x3  }
0x36: {  	p1 =	seq.s32 s10, $0x1;
	s10 =	sld [smem:$0x3FAF];
	_ =	sdelay $0x3  }
0x37: {  	[smem:$0x3FAF] =	sst s10  }
0x38: {  	s10 =	sld [smem:$0x3FB0]  }
0x39: {  	_ = 	snop;
	(pc) =	sbr.ind lr, $3  }
0x3a: {  	_ = 	snop  }
0x3b: {  	_ = 	snop  }
0x3c: {  	p2 =	seq.s32 s10, $0x1;
	s10 =	sld [smem:$0x3FAF]  }
0x3d: {  	_ =	shalt  }
0x3e: {  	_ =	shalt  }
0x3f: {  	_ =	shalt  }
0x40: {  	_ =	shalt  }
0x41: {  	_ =	shalt  }
0x42: {  	_ =	shalt  }
0x43: {  	_ =	shalt  }
0x44: {  	_ =	shalt  }
0x45: {  	_ =	shalt  }
0x46: {  	_ =	shalt  }
0x47: {  	_ =	shalt  }
0x48: {  	_ =	shalt  }
0x49: {  	_ =	shalt  }
0x4a: {  	_ =	shalt  }
0x4b: {  	_ =	shalt  }
0x4c: {  	_ =	shalt  }
0x4d: {  	_ =	shalt  }
0x4e: {  	_ =	shalt  }
0x4f: {  	_ =	shalt  }
0x50: {  	_ =	shalt  }
0x51: {  	_ =	shalt  }
0x52: {  	_ =	shalt  }
0x53: {  	_ =	shalt  }
0x54: {  	_ =	shalt  }
0x55: {  	_ =	shalt  }
0x56: {  	_ =	shalt  }
0x57: {  	_ =	shalt  }
0x58: {  	_ =	shalt  }
0x59: {  	_ =	shalt  }
0x5a: {  	_ =	shalt  }
0x5b: {  	_ =	shalt  }
0x5c: {  	_ =	shalt  }
0x5d: {  	_ =	shalt  }
0x5e: {  	_ =	shalt  }
0x5f: {  	_ =	shalt  }
0x60: {  	_ =	shalt  }
0x61: {  	_ =	shalt  }
0x62: {  	_ =	shalt  }
0x63: {  	_ =	shalt  }
0x64: {  	_ =	shalt  }
0x65: {  	_ =	shalt  }
0x66: {  	_ =	shalt  }
0x67: {  	_ =	shalt  }
0x68: {  	_ =	shalt  }
0x69: {  	_ =	shalt  }
0x6a: {  	_ =	shalt  }
0x6b: {  	_ =	shalt  }
0x6c: {  	_ =	shalt  }
0x6d: {  	_ =	shalt  }
0x6e: {  	_ =	shalt  }
0x6f: {  	_ =	shalt  }
0x70: {  	_ =	shalt  }
0x71: {  	_ =	shalt  }
0x72: {  	_ =	shalt  }
0x73: {  	_ =	shalt  }
0x74: {  	_ =	shalt  }
0x75: {  	_ =	shalt  }
0x76: {  	_ =	shalt  }
0x77: {  	_ =	shalt  }
0x78: {  	_ =	shalt  }
0x79: {  	_ =	shalt  }
0x7a: {  	_ =	shalt  }
0x7b: {  	_ =	shalt  }
0x7c: {  	_ =	shalt  }
0x7d: {  	_ =	shalt  }
0x7e: {  	_ =	shalt  }
0x7f: {  	_ =	shalt  }
0x80: {  	_ =	shalt  }
0x81: {  	_ =	shalt  }
0x82: {  	_ =	shalt  }
0x83: {  	_ =	shalt  }
0x84: {  	_ =	shalt  }
0x85: {  	_ =	shalt  }
0x86: {  	_ =	shalt  }
0x87: {  	_ =	shalt  }
.Lfunc_end0:
.L_simem_size_0:
called_computation.1_lowered:
.L_overlay_start_0:
0x88: {  	s2 =	sld [smem:$0x3FD9]  }
0x89: {  	s3 =	sld [smem:$0x3FFE];
	_ =	sdelay $0x1  }
0x8a: {  	s1 =	srdreg.scid  }
0x8b: {  	s0 =	sand.u32 $0x1, s1  }
0x8c: {  	s17 =	sshll.u32 s0, $0xA;
	s2 =	sadd.s32 s3, s2  }
0x8d: {  	s2 =	sadd.s32 s2, s17  }
0x8e: {  	[smem:$0x3FBB] =	sst s2  }
0x8f: {  	_ = 	snop  }
0x90: {  	s2 =	sld [smem:$0x3FD0];
	(tm) =	ssettm $0x1  }
0x91: {  	s18 =	sld [smem:$0x3FFB];
	_ =	sdelay $0x3  }
0x92: {  	_ =	strace s18  }
0x93: {  	s3 =	sld [smem:$0x3FFC];
	_ =	sdelay $0x3  }
0x94: {  	_ =	strace s3  }
0x95: {  	s3 =	sld [smem:$0x3FFD];
	_ =	sdelay $0x3  }
0x96: {  	_ =	strace s3  }
0x97: {  	_ =	strace $0x8FFFFFFF  }
0x98: {  	s19 =	sld [smem:$0x3FDB];
	_ =	sdelay $0x1  }
0x99: {  	s4 =	simm.s32 $_scs_section_size  }
0x9a: {  	s5 =	simm.s32 $_size__tile_overlayer_lowered;
	s6 =	simm.s32 $_tile_overlayer_lowered  }
0x9b: {  	s22 =	simm.s32 $0x1BFF;
	s21 =	sshll.u32 s6, $0x1;
	s3 =	sadd.s32 s4, s19  }
0x9c: {  	s7 =	simm.s32 $0x0;
	s20 =	sshll.u32 s5, $0x1;
	s5 =	sadd.s32 s21, s3  }
0x9d: {  	[timem:s7], [sflag:s22] =	dma.local [hbm:s5], s20  }
0x9e: {  	_ =	swait.ge [sflag:s22], s20  }
0x9f: {  	s4 =	ssub.s32 $0x0, s20;
	[sflag:s22] =	ssyncset.done $0x0  }
0xa0: {  	[sflag:s22] =	ssyncadd.s32 s4;
	_ =	sdelay $0x1  }
0xa1: {  	s23 =	simm.s32 $0x1B8B  }
0xa2: {  	_ =	swait.ge [sflag:s23], $0x1  }
0xa3: {  	[sflag:s23] =	ssyncset.done $0x0  }
0xa4: {  	s25 =	simm.s32 $0x1B8E;
	s24 =	sld [smem:$0x3FFE];
	[sflag:s23] =	ssyncadd.s32 $0xFFFFFFFF  }
0xa5: {  	s26 =	simm.s32 $execute0_lowered;
	[smem:$0x3FD2] =	sst s25  }
0xa6: {  	s5 =	sshll.u32 s26, $0x1;
	_ =	strace $0x80000046;
	[dreg:$0x1] =	wrdreg $0xFFFFFFFF  }
0xa7: {  	s28 =	simm.s32 $_size_execute0_lowered;
	s3 =	sadd.s32 s3, s5;
	[dreg:$0x0] =	wrdreg $0x0  }
0xa8: {  	s5 =	sshll.u32 s28, $0x1;
	[dreg:$0x2] =	wrdreg s3  }
0xa9: {  	[dreg:$0x3] =	wrdreg s5  }
0xaa: {  	[dreg:$0x4] =	wrdreg $0xC0  }
0xab: {  	_ =	task [dreg:s7], $0x5FFFF  }
0xac: {  	[dreg:$0x1] =	wrdreg $0xFFFFFFFF  }
0xad: {  	[dreg:$0x0] =	wrdreg $0x60  }
0xae: {  	[dreg:$0x2] =	wrdreg s24  }
0xaf: {  	[dreg:$0x3] =	wrdreg s2  }
0xb0: {  	[dreg:$0x4] =	wrdreg $0x9  }
0xb1: {  	_ =	task.clear_ibuf [dreg:s7], $0x5FFFF;
	_ =	strace $0x90000046  }
0xb2: {  	s29 =	simm.s32 $0x9;
	_ =	strace $0x80000048  }
0xb3: {  	_ =	swait.ge [sflag:s29], $0x1  }
0xb4: {  	[sflag:s29] =	ssyncadd.s32 $0xFFFFFFFF  }
0xb5: {  	_ =	strace $0x90000048  }
0xb6: {  	_ =	sfence  }
0xb7: {  	s30 =	sld [smem:$0x0];
	_ =	sdelay $0x2  }
0xb8: {  	s31 =	sshll.u32 s1, $0xD;
	s1 =	sshrl.u32 s1, $0x2  }
0xb9: {  	s3 =	sand.u32 $0x4000, s31;
	s1 =	sadd.s32 s1, s30  }
0xba: {  	s0 =	sor.u32 s3, s0;
	s1 =	sshll.u32 s1, $0x11  }
0xbb: {  	s0 =	sor.u32 s1, s0  }
0xbc: {  	s0 =	sadd.s32 $0x8F2B, s0  }
0xbd: {  	[sflag:s0] =	ssyncadd.remote.s32 $0x1  }
0xbe: {  	_ =	sfence.sel $0xFFFF  }
0xbf: {  	[dreg:$0x0] =	wrdreg $0xFFFFFFFF;
	(pc) =	sbr.abs _section_cstart, $3  }
0xc0: {  	[dreg:$0x1] =	wrdreg $0xFFFFFFFF  }
0xc1: {  	_ =	task.clear_ibuf [dreg:s7], $0x2FFFF;
	_ =	strace $0x9FFFFFFF  }
0xc2: {  	(tm) =	ssettm $0x7FFFFFFF  }
0xc3: {  	_ =	shalt  }
tec
execute0_lowered:
.L_overlay_start_1:
0x0: {  	(tag) =	ssettag $0x1  }
0x1: {  	s0 =	rddreg [dreg:$0x0]  }
0x2: {  	s10 =	rddreg [dreg:$0x1];
	s3 =	simm.s32 $0x0;
	s1 =	srdreg.scid  }
0x3: {  	s2 =	stileid.u32;
	[smem:$0x7FF] =	sst s3;
	s1 =	sand.u32 $0x1, s1  }
0x4: {  	s2 =	sshll.u32 s2, $0x1;
	s4 =	sadd.s32 $0x1C00, s0;
	s21 =	sadd.s32 $0x1800, s0  }
0x5: {  	s6 =	sadd.s32 $0x4C00, s0;
	s7 =	sadd.s32 $0x1DC00, s0;
	s2 =	sor.u32 s1, s2  }
0x6: {  	s8 =	sadd.s32 $0x36C00, s0;
	_ =	strace $0x80000047;
	s22 =	smul.u32 $0x6400, s2  }
0x7: {  	[dreg:$0x3] =	wrdreg s4;
	s1 =	ssub.s32 $0x2, s1;
	s9 =	smul.u32 $0x32000, s2  }
0x8: {  	[dreg:$0x4] =	wrdreg s21;
	s5 =	sshrl.u32 s1, $0x1;
	s2 =	smul.u32 $0x190000, s2  }
0x9: {  	s4 =	simm.s32 $0x1D380;
	s23 =	ssub.s32 s1, s5;
	s24 =	sshrl.u32 s22, $0x3  }
0xa: {  	s28 =	sor.u32 $0x80, s22;
	[dreg:$0xd] =	wrdreg s2;
	s0 =	smax.u32 s23, $0x1  }
0xb: {  	s31 =	sadd.s32 s10, s9;
	s18 =	sor.u32 $0x100, s22;
	[dreg:$0xe] =	wrdreg s0  }
0xc: {  	s19 =	sor.u32 $0x180, s22;
	s25 =	sadd.s32 s6, s24;
	[dreg:$0xb] =	wrdreg s31  }
0xd: {  	v0 =	vlaneseq.u32;
	s23 =	simm.s32 $0x2;
	s26 =	sadd.s32 s7, s24;
	[dreg:$0x5] =	wrdreg s25  }
0xe: {  	v62 =	vmul.u32 $0x41, v0;
	s1 =	sadd.s32 s8, s24;
	s29 =	sshrl.u32 s28, $0x3;
	[dreg:$0x6] =	wrdreg s26  }
0xf: {  	s9 =	simm.s32 $0x4;
	[dreg:$0x7] =	wrdreg s1;
	s11 =	sadd.s32 s6, s29  }
0x10: {  	v59 =	vadd.s32 $0x820, v62;
	[tilespmem:$0x1FFE0] =	vst v62;
	s2 =	simm.s32 $0x0;
	s30 =	sadd.s32 s7, s29;
	[dreg:$0x8] =	wrdreg s11  }
0x11: {  	v60 =	vadd.s32 $0xC30, v62;
	[tilespmem:$0x1FFC0] =	vst v59;
	s5 =	sshll.u32 s28, $0x3;
	s1 =	sadd.s32 s8, s29;
	[dreg:$0x9] =	wrdreg s30  }
0x12: {  	v63 =	vadd.s32 $0x410, v62;
	[tilespmem:$0x1FFD0] =	vst v60;
	s21 =	sadd.s32 $0x400, s31;
	s5 =	sadd.s32 s10, s5;
	[dreg:$0xa] =	wrdreg s1  }
0x13: {  	[tilespmem:$0x1FFF0] =	vst v63;
	[dreg:$0xc] =	wrdreg s5;
	s1 =	simm.s32 $0x1;
	s5 =	simm.s32 $0x3  }
.LBB2_1:
0x14: {  	[dreg:$0xf] =	wrdreg s2  }
0x15: {  	s0 =	rddreg [dreg:$0x3];
	s30 =	simm.s32 $0x5  }
0x16: {  	[tilespmem:s3], [sflag:$0x5] =	stream.linear.gather [hbm4b:s0+s3], $0x18000, $0x38;
	[tilespmem:$0x1E400] =	vst v63  }
0x17: {  	_ =	swait.ge [sflag:s30], $0x18000  }
0x18: {  	[sflag:s30] =	ssyncset.done $0x0  }
0x19: {  	s10 =	simm.s32 $0x18000;
	s31 =	rddreg [dreg:$0x4];
	[sflag:s30] =	ssyncadd.s32 $0xFFFE8000  }
0x1a: {  	[tilespmem:s10], [sflag:$0x5] =	stream.linear.gather [hbm4b:s31+s3], $0x1080, $0x38;
	[tilespmem:$0x1E400] =	vst v63  }
0x1b: {  	_ =	swait.ge [sflag:s30], $0x1080  }
0x1c: {  	[sflag:s30] =	ssyncset.done $0x0  }
0x1d: {  	s12 =	simm.s32 $0x19080;
	s11 =	rddreg [dreg:$0x5];
	[sflag:s30] =	ssyncadd.s32 $0xFFFFEF80  }
0x1e: {  	v5 =	vld [tilespmem:$0x19000];
	[tilespmem:s12], [sflag:$0x1] =	stream.linear.gather [hbm4b:s11+s3], $0x80, $0x38  }
0x1f: {  	s14 =	simm.s32 $0x19100;
	s13 =	rddreg [dreg:$0x6]  }
0x20: {  	[tilespmem:s14], [sflag:$0x1] =	stream.linear.gather [hbm4b:s13+s3], $0x80, $0x38;
	[tilespmem:$0x1E400] =	vst v63  }
0x21: {  	s16 =	simm.s32 $0x19180;
	s15 =	rddreg [dreg:$0x7]  }
0x22: {  	[tilespmem:s16], [sflag:$0x1] =	stream.linear.gather [hbm4b:s15+s3], $0x80, $0x38;
	[tilespmem:$0x1E400] =	vst v63  }
0x23: {  	s20 =	simm.s32 $0x1B200;
	s17 =	rddreg [dreg:$0x8]  }
0x24: {  	[tilespmem:s20], [sflag:$0x3] =	stream.linear.gather [hbm4b:s17+s3], $0x80, $0x38;
	[tilespmem:$0x1E400] =	vst v63  }
0x25: {  	s24 =	simm.s32 $0x1B280;
	s22 =	rddreg [dreg:$0x9]  }
0x26: {  	[tilespmem:s24], [sflag:$0x3] =	stream.linear.gather [hbm4b:s22+s3], $0x80, $0x38;
	[tilespmem:$0x1E400] =	vst v63  }
0x27: {  	s26 =	simm.s32 $0x1B300;
	s25 =	rddreg [dreg:$0xa]  }
0x28: {  	[tilespmem:s26], [sflag:$0x3] =	stream.linear.gather [hbm4b:s25+s3], $0x80, $0x38;
	[tilespmem:$0x1E400] =	vst v63  }
0x29: {  	s29 =	simm.s32 $0x19200;
	s28 =	rddreg [dreg:$0xb]  }
0x2a: {  	[hbm4b:s28+s3] =	stream.linear.scatter [tilespmem:s29], [sflag:$0x2], $0x2000, $0x38;
	[tilespmem:$0x1E400] =	vst v63  }
0x2b: {  	s31 =	simm.s32 $0x1B380;
	s30 =	rddreg [dreg:$0xc];
	s11 =	simm.s32 $0x0  }
0x2c: {  	[hbm4b:s30+s3] =	stream.linear.scatter [tilespmem:s31], [sflag:$0x4], $0x2000, $0x38;
	[tilespmem:$0x1E400] =	vst v63  }
.LBB2_2:
0x2d: {  	_ =	swait.ge [sflag:s1], $0x80  }
0x2e: {  	[sflag:s1] =	ssyncset.done $0x0  }
0x2f: {  	[sflag:s1] =	ssyncadd.s32 $0xFFFFFF80  }
0x30: {  	_ =	swait.ge [sflag:s1], $0x80  }
0x31: {  	[sflag:s1] =	ssyncset.done $0x0  }
0x32: {  	[sflag:s1] =	ssyncadd.s32 $0xFFFFFF80  }
0x33: {  	_ =	swait.ge [sflag:s1], $0x80  }
0x34: {  	[sflag:s1] =	ssyncset.done $0x0  }
0x35: {  	[sflag:s1] =	ssyncadd.s32 $0xFFFFFF80  }
0x36: {  	s2 =	sshll.u32 s11, $0xE;
	s0 =	rddreg [dreg:$0xd];
	_ =	swait.ge [sflag:s23], $0x2000  }
0x37: {  	s12 =	simm.s32 $0x0;
	s2 =	sadd.s32 s0, s2;
	[sflag:s23] =	ssyncset.done $0x0  }
0x38: {  	p1 =	por $0x1, $0x1;
	s2 =	sshrl.u32 s2, $0x3;
	s31 =	rddreg [dreg:$0x1]  }
0x39: {  	s14 =	simm.s32 $0x0;
	[sflag:s23] =	ssyncadd.s32 $0xFFFFE000;
	s13 =	sadd.s32 s31, s2  }
.LBB2_3:
0x3a: {  	s16 =	sshll.u32 s14, $0x6  }
0x3b: {  	v6 =	vld [tilespmem:s16+$0x19080]  }
0x3c: {  	v7 =	vld [tilespmem:s16+$0x19090]  }
0x3d: {  	v8 =	vld [tilespmem:s16+$0x190A0]  }
0x3e: {  	v9 =	vld [tilespmem:s16+$0x190B0]  }
0x3f: {  	v18 =	vld [tilespmem:s16+$0x19100]  }
0x40: {  	s15 =	simm.s32 $0x18020;
	v16 =	vld [tilespmem:s16+$0x19180]  }
0x41: {  	v33 =	vld [tilespmem:s15+$0x10]  }
0x42: {  	v0 =	vlaneseq.u32;
	v34 =	vld [tilespmem:s15+$0x0];
	v6 =	vshll.u32 v6, $0xA  }
0x43: {  	s24 =	simm.s32 $0x30;
	v35 =	vld [tilespmem:s15+$0xFFFFFFF0];
	v21 =	vor.u32 v0, v6  }
0x44: {  	s2 =	simm.s32 $0x20;
	v31 =	vld [tilespmem:s15+$0xFFFFFFE0];
	v6 =	vor.u32 s24, v21  }
0x45: {  	s31 =	sand.u32 $0x3F0, s24;
	v17 =	vld [tilespmem:s16+$0x19110];
	v10 =	vor.u32 s2, v21  }
0x46: {  	s10 =	simm.s32 $0x10;
	s20 =	sand.u32 $0x3E0, s2;
	v24 =	vld [tilespmem:s31+$0x18400]  }
0x47: {  	s22 =	simm.s32 $0x0;
	s0 =	sand.u32 $0x3D0, s10;
	v23 =	vld [tilespmem:s20+$0x18400];
	v11 =	vor.u32 s10, v21  }
0x48: {  	s17 =	simm.s32 $0x3;
	s29 =	simm.s32 $0x2;
	v25 =	vld [tilespmem:s0+$0x18400];
	v12 =	vor.u32 s22, v21  }
0x49: {  	v26 =	vadd.s32 s12, v62;
	s25 =	simm.s32 $0x1;
	v30 =	vadd.s32 s17, v62;
	v36 =	vadd.s32 s29, v62;
	v6 =	vld.idx.msk [tilespmem:v6+s3+$0x0], $0xffff  }
0x4a: {  	s26 =	sand.u32 $0x3C0, s22;
	v38 =	vadd.s32 s25, v62;
	v55 =	vadd.s32 s25, v60;
	v56 =	vadd.s32 s29, v60;
	v10 =	vld.idx.msk [tilespmem:v10+s3+$0x0], $0xffff  }
0x4b: {  	v58 =	vadd.s32 s17, v60;
	v29 =	vld [tilespmem:s26+$0x18400];
	v7 =	vshll.u32 v7, $0xA;
	v8 =	vshll.u32 v8, $0xA  }
0x4c: {  	v14 =	vmul.f32 v35, v18;
	v15 =	vor.u32 v0, v8;
	v8 =	vld.idx.msk [tilespmem:v11+s3+$0x0], $0xffff;
	v11 =	vmul.f32 v33, v18  }
0x4d: {  	v20 =	vor.u32 v0, v7;
	v7 =	vshll.u32 v9, $0xA;
	v9 =	vld.idx.msk [tilespmem:v12+s3+$0x0], $0xffff;
	v12 =	vmul.f32 v34, v18  }
0x4e: {  	v19 =	vmul.f32 v31, v18;
	v6 =	vadd.f32 v6, v11;
	v11 =	vmul.f32 v24, v16  }
0x4f: {  	v44 =	vmul.f32 v33, v17;
	v10 =	vadd.f32 v10, v12;
	v12 =	vmul.f32 v23, v16  }
0x50: {  	v46 =	vmul.f32 v34, v17;
	v22 =	vmul.f32 v29, v16;
	v6 =	vadd.f32 v6, v11  }
0x51: {  	v13 =	vld [tilespmem:s16+$0x19120];
	v8 =	vadd.f32 v8, v14;
	v14 =	vmul.f32 v25, v16;
	v10 =	vadd.f32 v10, v12  }
0x52: {  	v27 =	vor.u32 s24, v20;
	v9 =	vadd.f32 v9, v19;
	v19 =	vld [tilespmem:s16+$0x19190];
	v12 =	vmul.f32 v6, v5  }
0x53: {  	v11 =	vld [tilespmem:s16+$0x19130];
	v8 =	vadd.f32 v8, v14;
	v28 =	vmul.f32 v10, v5;
	vm0 =	vge.f32 v6, $0.0e+00  }
0x54: {  	v14 =	vld [tilespmem:s16+$0x191A0];
	v37 =	vadd.f32 v9, v22;
	vm1 =	vge.f32 v10, $0.0e+00;
	v1 =	vsel vm0, v6, v12  }
0x55: {  	v40 =	vor.u32 s2, v20;
	v9 =	vld [tilespmem:s16+$0x191B0];
	v32 =	vmul.f32 v8, v5;
	v2 =	vsel vm1, v10, v28;
	[tilespmem:v30+s4+$0x0] =	vst.idx.msk $0xffff, v1  }
0x56: {  	v48 =	vmul.f32 v35, v17;
	v39 =	vor.u32 s10, v20;
	vm0 =	vge.f32 v8, $0.0e+00;
	[tilespmem:v36+s4+$0x0] =	vst.idx.msk $0xffff, v2  }
0x57: {  	v49 =	vmul.f32 v31, v17;
	v41 =	vor.u32 s22, v20;
	v57 =	vsel vm0, v8, v32;
	[tilespmem:$0x1FF90] =	vst v55  }
0x58: {  	v43 =	vadd.s32 s29, v63;
	v52 =	vmul.f32 v31, v13;
	v6 =	vmul.f32 v37, v5;
	[tilespmem:v38+s4+$0x0] =	vst.idx.msk $0xffff, v57  }
0x59: {  	v42 =	vor.u32 s24, v15;
	v45 =	vor.u32 s10, v15;
	vm1 =	vge.f32 v37, $0.0e+00;
	v27 =	vld.idx.msk [tilespmem:v27+s3+$0x0], $0xffff;
	[tilespmem:$0x1FFA0] =	vst v56  }
0x5a: {  	v47 =	vor.u32 s2, v15;
	v12 =	vor.u32 v0, v7;
	v32 =	vsel vm1, v37, v6;
	v30 =	vld.idx.msk [tilespmem:v40+s3+$0x0], $0xffff;
	[tilespmem:$0x1FFB0] =	vst v58  }
0x5b: {  	v10 =	vadd.s32 s12, v60;
	v0 =	vadd.s32 s25, v63;
	v60 =	vmul.f32 v29, v19;
	[tilespmem:v26+s4+$0x0] =	vst.idx.msk $0xffff, v32;
	v26 =	vld.idx.msk [tilespmem:v39+s3+$0x0], $0xffff  }
0x5c: {  	v36 =	vadd.s32 s12, v63;
	v54 =	vmul.f32 v33, v11;
	v33 =	vmul.f32 v33, v13;
	v61 =	vld.idx.msk [tilespmem:v41+s3+$0x0], $0xffff  }
0x5d: {  	v51 =	vor.u32 s22, v12;
	v31 =	vmul.f32 v31, v11;
	v55 =	vmul.f32 v24, v19  }
0x5e: {  	v38 =	vadd.s32 s12, v59;
	v56 =	vmul.f32 v23, v19;
	v27 =	vadd.f32 v27, v44  }
0x5f: {  	v40 =	vadd.s32 s17, v63;
	v58 =	vmul.f32 v25, v19;
	v41 =	vadd.s32 s29, v59  }
0x60: {  	v30 =	vadd.f32 v30, v46;
	v27 =	vadd.f32 v27, v55;
	v55 =	vmul.f32 v34, v11  }
0x61: {  	v34 =	vmul.f32 v34, v13;
	v26 =	vadd.f32 v26, v48;
	v39 =	vadd.f32 v61, v49  }
0x62: {  	v30 =	vadd.f32 v30, v56;
	v61 =	vor.u32 s22, v15;
	vm0 =	vge.f32 v27, $0.0e+00  }
0x63: {  	v56 =	vmul.f32 v35, v11;
	v48 =	vadd.f32 v26, v58;
	v26 =	vmul.f32 v27, v5  }
0x64: {  	v35 =	vmul.f32 v35, v13;
	v44 =	vadd.f32 v39, v60;
	v63 =	vmul.f32 v30, v5  }
0x65: {  	vm1 =	vge.f32 v30, $0.0e+00;
	v50 =	vmul.f32 v48, v5;
	v37 =	vsel vm0, v27, v26  }
0x66: {  	vm0 =	vge.f32 v48, $0.0e+00;
	v27 =	vmul.f32 v44, v5;
	v53 =	vsel vm1, v30, v63;
	[tilespmem:v40+s4+$0x0] =	vst.idx.msk $0xffff, v37  }
0x67: {  	v49 =	vor.u32 s24, v12;
	vm1 =	vge.f32 v44, $0.0e+00;
	v48 =	vsel vm0, v48, v50;
	[tilespmem:v43+s4+$0x0] =	vst.idx.msk $0xffff, v53;
	v40 =	vld.idx.msk [tilespmem:v42+s3+$0x0], $0xffff  }
0x68: {  	s20 =	simm.s32 $0x7;
	s16 =	simm.s32 $0x4;
	v58 =	vmul.f32 v29, v14;
	v42 =	vsel vm1, v44, v27;
	[tilespmem:v0+s4+$0x0] =	vst.idx.msk $0xffff, v48;
	v0 =	vld.idx.msk [tilespmem:v47+s3+$0x0], $0xffff  }
0x69: {  	v29 =	vmul.f32 v29, v9;
	v26 =	vadd.s32 s16, v62;
	v30 =	vadd.s32 s20, v62;
	[tilespmem:v36+s4+$0x0] =	vst.idx.msk $0xffff, v42;
	v60 =	vld.idx.msk [tilespmem:v45+s3+$0x0], $0xffff  }
0x6a: {  	v63 =	vmul.f32 v23, v14;
	v23 =	vmul.f32 v23, v9;
	v43 =	vadd.s32 s17, v59;
	v46 =	vld.idx.msk [tilespmem:v61+s3+$0x0], $0xffff  }
0x6b: {  	v50 =	vor.u32 s10, v12;
	v28 =	vmul.f32 v53, v53;
	v47 =	vadd.s32 s25, v59  }
0x6c: {  	s22 =	simm.s32 $0x6;
	v44 =	vimm.f32 $0.0e+00;
	v61 =	vmul.f32 v24, v14;
	v33 =	vadd.f32 v40, v33  }
0x6d: {  	v45 =	vor.u32 s2, v12;
	v36 =	vadd.s32 s22, v62;
	v34 =	vadd.f32 v0, v34  }
0x6e: {  	v0 =	vmul.f32 v25, v14;
	v35 =	vadd.f32 v60, v35;
	v33 =	vadd.f32 v33, v61  }
0x6f: {  	v62 =	vmul.f32 v37, v37;
	v52 =	vadd.f32 v46, v52;
	v34 =	vadd.f32 v34, v63  }
0x70: {  	v22 =	vmul.f32 v42, v42;
	v35 =	vadd.f32 v35, v0;
	v59 =	vmul.f32 v33, v5  }
0x71: {  	vm0 =	vge.f32 v33, $0.0e+00;
	v60 =	vadd.f32 v52, v58;
	v61 =	vmul.f32 v34, v5  }
0x72: {  	vm1 =	vge.f32 v34, $0.0e+00;
	v63 =	vmul.f32 v35, v5;
	v40 =	vsel vm0, v33, v59  }
0x73: {  	v22 =	vadd.f32 v22, v44;
	vm0 =	vge.f32 v35, $0.0e+00;
	v46 =	vsel vm1, v34, v61;
	[tilespmem:v43+s4+$0x0] =	vst.idx.msk $0xffff, v40  }
0x74: {  	s15 =	simm.s32 $0x70;
	v0 =	vmul.f32 v60, v5;
	v43 =	vsel vm0, v35, v63;
	[tilespmem:v41+s4+$0x0] =	vst.idx.msk $0xffff, v46;
	v34 =	vld.idx.msk [tilespmem:v49+s3+$0x0], $0xffff  }
0x75: {  	v3 =	vor.u32 s15, v21;
	vm1 =	vge.f32 v60, $0.0e+00;
	v63 =	vmul.f32 v48, v48;
	[tilespmem:v47+s4+$0x0] =	vst.idx.msk $0xffff, v43;
	v33 =	vld.idx.msk [tilespmem:v45+s3+$0x0], $0xffff  }
0x76: {  	v24 =	vmul.f32 v24, v9;
	v25 =	vmul.f32 v25, v9;
	v41 =	vsel vm1, v60, v0;
	v35 =	vld.idx.msk [tilespmem:v50+s3+$0x0], $0xffff  }
0x77: {  	v27 =	vor.u32 s15, v20;
	s2 =	simm.s32 $0x50;
	v58 =	vmul.f32 v1, v1;
	[tilespmem:v38+s4+$0x0] =	vst.idx.msk $0xffff, v41;
	v22 =	vadd.f32 v63, v22  }
0x78: {  	v52 =	vor.u32 s2, v21;
	v59 =	vmul.f32 v57, v57;
	v61 =	vmul.f32 v32, v32;
	v38 =	vld.idx.msk [tilespmem:v51+s3+$0x0], $0xffff  }
0x79: {  	v60 =	vmul.f32 v2, v2;
	v45 =	vmul.f32 v40, v40;
	v22 =	vadd.f32 v28, v22  }
0x7a: {  	s10 =	simm.s32 $0x40;
	v47 =	vmul.f32 v46, v46;
	v34 =	vadd.f32 v34, v54;
	v33 =	vadd.f32 v33, v55  }
0x7b: {  	s24 =	simm.s32 $0x60;
	v50 =	vor.u32 s10, v21;
	v22 =	vadd.f32 v62, v22;
	v35 =	vadd.f32 v35, v56  }
0x7c: {  	v51 =	vor.u32 s24, v21;
	v49 =	vadd.f32 v34, v24;
	v24 =	vadd.f32 v32, v44  }
0x7d: {  	v56 =	vmul.f32 v41, v41;
	v41 =	vadd.f32 v41, v44;
	v31 =	vadd.f32 v38, v31  }
0x7e: {  	v55 =	vmul.f32 v43, v43;
	v39 =	vadd.f32 v33, v23;
	v0 =	vadd.f32 v35, v25  }
0x7f: {  	vm0 =	vge.f32 v49, $0.0e+00;
	v25 =	vadd.f32 v61, v44;
	v24 =	vadd.f32 v57, v24  }
0x80: {  	v54 =	vmul.f32 v49, v5;
	v23 =	vadd.f32 v31, v29;
	v29 =	vadd.f32 v42, v44  }
0x81: {  	s30 =	sand.u32 $0x3F0, s15;
	v41 =	vadd.f32 v43, v41;
	vm1 =	vge.f32 v39, $0.0e+00;
	v42 =	vmul.f32 v39, v5  }
0x82: {  	s26 =	simm.s32 $0x18060;
	v28 =	vld [tilespmem:s30+$0x18400];
	v25 =	vadd.f32 v59, v25;
	v29 =	vadd.f32 v48, v29;
	v38 =	vmul.f32 v23, v5  }
0x83: {  	v34 =	vld [tilespmem:s26+$0x0];
	vm2 =	vge.f32 v0, $0.0e+00;
	v24 =	vadd.f32 v2, v24;
	vm3 =	vge.f32 v23, $0.0e+00  }
0x84: {  	v32 =	vld [tilespmem:s26+$0xFFFFFFE0];
	v31 =	vmul.f32 v0, v5;
	v29 =	vadd.f32 v53, v29;
	v38 =	vsel vm3, v23, v38  }
0x85: {  	v33 =	vld [tilespmem:s26+$0x10];
	v57 =	vadd.f32 v60, v25;
	v25 =	vadd.f32 v1, v24;
	v59 =	vmul.f32 v38, v38  }
0x86: {  	s28 =	sand.u32 $0x3E0, s24;
	v35 =	vld [tilespmem:s26+$0xFFFFFFF0];
	v60 =	vadd.f32 v56, v44;
	v23 =	vadd.f32 v37, v29;
	v37 =	vsel vm2, v0, v31  }
0x87: {  	s31 =	sand.u32 $0x3D0, s2;
	v61 =	vadd.f32 v38, v44;
	v29 =	vld [tilespmem:s28+$0x18400];
	v62 =	vadd.f32 v59, v44;
	v63 =	vmul.f32 v37, v37  }
0x88: {  	v39 =	vsel vm1, v39, v42;
	v24 =	vadd.f32 v58, v57;
	v31 =	vld [tilespmem:s31+$0x18400];
	v44 =	vadd.f32 v55, v60  }
0x89: {  	p0 =	por p1, p1;
	s25 =	simm.s32 $0x70;
	v53 =	vmul.f32 v39, v39;
	s28 =	simm.s32 $0x8;
	v55 =	vld.idx.msk [tilespmem:v3+s3+$0x0], $0xffff;
	v48 =	vadd.f32 v37, v61;
	v43 =	vadd.f32 v63, v62  }
.LBB2_4:
0x8a: {  	v0 =	vld.idx.msk [tilespmem:v51+s3+$0x0], $0xffff  }
0x8b: {  	v61 =	vld.idx.msk [tilespmem:v52+s3+$0x0], $0xffff  }
0x8c: {  	v50 =	vld.idx.msk [tilespmem:v50+s3+$0x0], $0xffff;
	v42 =	vadd.f32 v47, v44  }
0x8d: {  	s30 =	sand.u32 $0x3C0, s10;
	v3 =	vld [tilespmem:$0x1FFE0];
	v51 =	vor.u32 s24, v20;
	v41 =	vadd.f32 v46, v41;
	v2 =	vmul.f32 v34, v18  }
0x8e: {  	v46 =	vsel vm0, v49, v54;
	v44 =	vadd.f32 v45, v42;
	v45 =	vld [tilespmem:s30+$0x18400];
	v1 =	vmul.f32 v33, v18  }
0x8f: {  	v62 =	vadd.f32 v53, v43;
	v63 =	vmul.f32 v46, v46;
	v0 =	vadd.f32 v0, v2;
	v2 =	vld [tilespmem:$0x1FFD0]  }
0x90: {  	v48 =	vadd.f32 v39, v48;
	v57 =	vmul.f32 v28, v16;
	v56 =	vadd.f32 v55, v1;
	v1 =	vld [tilespmem:$0x1FF90]  }
0x91: {  	v49 =	vor.u32 s2, v20;
	v43 =	vadd.f32 v40, v41;
	[tilespmem:v10+s4+$0x0] =	vst.idx.msk $0xffff, v38;
	v42 =	vadd.f32 v63, v62;
	v55 =	vld [tilespmem:$0x1FFA0]  }
0x92: {  	v10 =	vmul.f32 v35, v18;
	v58 =	vmul.f32 v32, v18;
	v38 =	vadd.f32 v56, v57;
	v56 =	vld [tilespmem:$0x1FFB0]  }
0x93: {  	s29 =	sadd.s32 $0x1, s16;
	v59 =	vmul.f32 v29, v16;
	v60 =	vmul.f32 v31, v16;
	v63 =	vor.u32 s10, v20  }
0x94: {  	v10 =	vadd.f32 v61, v10;
	v61 =	vadd.f32 v50, v58;
	v57 =	vadd.s32 s29, v2  }
0x95: {  	v62 =	vmul.f32 v45, v16;
	v0 =	vadd.f32 v0, v59;
	v59 =	vadd.s32 s22, v2;
	[tilespmem:$0x1FF90] =	vst v57  }
0x96: {  	v52 =	vadd.s32 s29, v3;
	v10 =	vadd.f32 v10, v60;
	v60 =	vadd.s32 s20, v2;
	[tilespmem:$0x1FFA0] =	vst v59  }
0x97: {  	v54 =	vmul.f32 v38, v5;
	v40 =	vadd.f32 v61, v62;
	v7 =	vmul.f32 v0, v5;
	[tilespmem:$0x1FFB0] =	vst v60  }
0x98: {  	vm0 =	vge.f32 v38, $0.0e+00;
	v8 =	vmul.f32 v10, v5;
	vm1 =	vge.f32 v0, $0.0e+00;
	[tilespmem:v1+s4+$0x0] =	vst.idx.msk $0xffff, v37  }
0x99: {  	v6 =	vmul.f32 v40, v5;
	[tilespmem:v55+s4+$0x0] =	vst.idx.msk $0xffff, v39;
	v37 =	vsel vm0, v38, v54;
	vm0 =	vge.f32 v10, $0.0e+00  }
0x9a: {  	v61 =	vld [tilespmem:$0x1FFF0];
	v38 =	vsel vm1, v0, v7;
	vm1 =	vge.f32 v40, $0.0e+00;
	v39 =	vsel vm0, v10, v8;
	[tilespmem:v56+s4+$0x0] =	vst.idx.msk $0xffff, v46  }
0x9b: {  	v41 =	vadd.f32 v46, v48;
	v1 =	vld [tilespmem:$0x1FFC0];
	v48 =	vsel vm1, v40, v6;
	[tilespmem:v52+s4+$0x0] =	vst.idx.msk $0xffff, v39  }
0x9c: {  	[tilespmem:v26+s4+$0x0] =	vst.idx.msk $0xffff, v48;
	v26 =	vld.idx.msk [tilespmem:v49+s3+$0x0], $0xffff  }
0x9d: {  	v62 =	vmul.f32 v33, v17;
	v57 =	vor.u32 s10, v15;
	v59 =	vor.u32 s2, v12;
	[tilespmem:v30+s4+$0x0] =	vst.idx.msk $0xffff, v37;
	v30 =	vld.idx.msk [tilespmem:v63+s3+$0x0], $0xffff  }
0x9e: {  	v60 =	vmul.f32 v35, v17;
	v54 =	vor.u32 s24, v15;
	[tilespmem:v36+s4+$0x0] =	vst.idx.msk $0xffff, v38;
	v10 =	vadd.s32 s16, v2;
	v58 =	vld.idx.msk [tilespmem:v27+s3+$0x0], $0xffff  }
0x9f: {  	v36 =	vadd.s32 s16, v61;
	v40 =	vadd.s32 s20, v61;
	v50 =	vadd.s32 s22, v61;
	v27 =	vld.idx.msk [tilespmem:v51+s3+$0x0], $0xffff  }
0xa0: {  	v2 =	vmul.f32 v35, v13;
	v46 =	vor.u32 s15, v15;
	v52 =	vor.u32 s2, v15  }
0xa1: {  	v56 =	vmul.f32 v32, v17;
	v25 =	vadd.f32 v48, v25;
	v49 =	vadd.s32 s29, v61  }
0xa2: {  	v63 =	vmul.f32 v34, v17;
	v61 =	vmul.f32 v28, v19;
	v26 =	vadd.f32 v26, v60  }
0xa3: {  	v47 =	vadd.s32 s16, v1;
	v30 =	vadd.f32 v30, v56;
	v0 =	vadd.f32 v58, v62  }
0xa4: {  	v60 =	vmul.f32 v45, v19;
	v27 =	vadd.f32 v27, v63;
	v62 =	vmul.f32 v29, v19  }
0xa5: {  	v51 =	vadd.s32 s29, v1;
	v63 =	vmul.f32 v31, v19;
	v0 =	vadd.f32 v0, v61  }
0xa6: {  	v30 =	vadd.f32 v30, v60;
	v60 =	vmul.f32 v34, v11;
	v27 =	vadd.f32 v27, v62  }
0xa7: {  	v34 =	vmul.f32 v34, v13;
	v61 =	vadd.f32 v26, v63;
	v26 =	vmul.f32 v0, v5  }
0xa8: {  	v63 =	vmul.f32 v30, v5;
	v62 =	vmul.f32 v27, v5;
	vm0 =	vge.f32 v0, $0.0e+00  }
0xa9: {  	v58 =	vmul.f32 v61, v5;
	vm1 =	vge.f32 v27, $0.0e+00;
	v53 =	vsel vm0, v0, v26  }
0xaa: {  	s15 =	sadd.s32 $0x40, s15;
	vm0 =	vge.f32 v61, $0.0e+00;
	v55 =	vsel vm1, v27, v62;
	v26 =	vadd.s32 s28, v3  }
0xab: {  	vm1 =	vge.f32 v30, $0.0e+00;
	v27 =	vor.u32 s15, v20;
	v62 =	vmul.f32 v35, v11;
	[tilespmem:v40+s4+$0x0] =	vst.idx.msk $0xffff, v53  }
0xac: {  	v56 =	vsel vm0, v61, v58;
	v0 =	vsel vm1, v30, v63;
	v58 =	vmul.f32 v33, v11  }
0xad: {  	[tilespmem:v50+s4+$0x0] =	vst.idx.msk $0xffff, v55;
	v50 =	vadd.s32 s20, v1;
	v63 =	vmul.f32 v32, v13;
	v32 =	vmul.f32 v32, v11  }
0xae: {  	v4 =	vmul.f32 v53, v53;
	v7 =	vmul.f32 v55, v55;
	v40 =	vld.idx.msk [tilespmem:v46+s3+$0x0], $0xffff;
	[tilespmem:v49+s4+$0x0] =	vst.idx.msk $0xffff, v56  }
0xaf: {  	s20 =	sadd.s32 $0x3, s28;
	v61 =	vor.u32 s10, v12;
	v46 =	vld.idx.msk [tilespmem:v54+s3+$0x0], $0xffff;
	v49 =	vadd.s32 s22, v1;
	[tilespmem:v36+s4+$0x0] =	vst.idx.msk $0xffff, v0;
	v8 =	vmul.f32 v0, v0  }
0xb0: {  	v30 =	vadd.s32 s20, v3;
	v1 =	vmul.f32 v33, v13;
	v0 =	vadd.f32 v0, v23;
	v36 =	vld.idx.msk [tilespmem:v52+s3+$0x0], $0xffff  }
0xb1: {  	v6 =	vmul.f32 v56, v56;
	v52 =	vor.u32 s25, v12;
	v54 =	vld.idx.msk [tilespmem:v57+s3+$0x0], $0xffff;
	v8 =	vadd.f32 v8, v22  }
0xb2: {  	v57 =	vor.u32 s24, v12;
	v22 =	vadd.f32 v39, v25;
	v0 =	vadd.f32 v56, v0  }
0xb3: {  	v6 =	vadd.f32 v6, v8;
	v33 =	vadd.f32 v40, v1;
	v1 =	vmul.f32 v28, v14  }
0xb4: {  	v22 =	vadd.f32 v38, v22;
	v34 =	vadd.f32 v46, v34;
	v46 =	vmul.f32 v29, v14  }
0xb5: {  	v35 =	vadd.f32 v36, v2;
	v2 =	vmul.f32 v31, v14;
	v33 =	vadd.f32 v33, v1  }
0xb6: {  	v63 =	vadd.f32 v54, v63;
	v1 =	vmul.f32 v45, v14;
	v34 =	vadd.f32 v34, v46  }
0xb7: {  	v0 =	vadd.f32 v55, v0;
	v35 =	vadd.f32 v35, v2;
	v2 =	vmul.f32 v33, v5  }
0xb8: {  	v54 =	vadd.f32 v63, v1;
	v46 =	vmul.f32 v34, v5;
	vm0 =	vge.f32 v33, $0.0e+00  }
0xb9: {  	vm1 =	vge.f32 v34, $0.0e+00;
	v1 =	vmul.f32 v35, v5;
	v40 =	vsel vm0, v33, v2  }
0xba: {  	s22 =	sadd.s32 $0x2, s28;
	v2 =	vmul.f32 v54, v5;
	vm0 =	vge.f32 v35, $0.0e+00;
	v46 =	vsel vm1, v34, v46;
	[tilespmem:v50+s4+$0x0] =	vst.idx.msk $0xffff, v40  }
0xbb: {  	v36 =	vadd.s32 s22, v3;
	vm1 =	vge.f32 v54, $0.0e+00;
	v63 =	vsel vm0, v35, v1;
	[tilespmem:v49+s4+$0x0] =	vst.idx.msk $0xffff, v46;
	v34 =	vld.idx.msk [tilespmem:v52+s3+$0x0], $0xffff  }
0xbc: {  	v3 =	vmul.f32 v48, v48;
	v1 =	vsel vm1, v54, v2;
	[tilespmem:v51+s4+$0x0] =	vst.idx.msk $0xffff, v63;
	v33 =	vld.idx.msk [tilespmem:v57+s3+$0x0], $0xffff  }
0xbd: {  	v28 =	vmul.f32 v28, v9;
	v29 =	vmul.f32 v29, v9;
	[tilespmem:v47+s4+$0x0] =	vst.idx.msk $0xffff, v1;
	v35 =	vld.idx.msk [tilespmem:v59+s3+$0x0], $0xffff  }
0xbe: {  	s10 =	sadd.s32 $0xFFFFFFD0, s15;
	v31 =	vmul.f32 v31, v9;
	v25 =	vadd.f32 v37, v22;
	v3 =	vadd.f32 v3, v24;
	v49 =	vld.idx.msk [tilespmem:v61+s3+$0x0], $0xffff  }
0xbf: {  	s24 =	sadd.s32 $0xFFFFFFF0, s15;
	v50 =	vor.u32 s10, v21;
	v57 =	vor.u32 s15, v21;
	v61 =	vmul.f32 v39, v39  }
0xc0: {  	s2 =	sadd.s32 $0xFFFFFFE0, s15;
	v54 =	vmul.f32 v45, v9;
	v51 =	vor.u32 s24, v21;
	v2 =	vmul.f32 v38, v38  }
0xc1: {  	v52 =	vor.u32 s2, v21;
	v3 =	vadd.f32 v61, v3;
	v34 =	vadd.f32 v34, v58  }
0xc2: {  	v45 =	vmul.f32 v40, v40;
	v33 =	vadd.f32 v33, v60;
	v35 =	vadd.f32 v35, v62  }
0xc3: {  	v59 =	vmul.f32 v37, v37;
	v2 =	vadd.f32 v2, v3;
	v32 =	vadd.f32 v49, v32  }
0xc4: {  	v60 =	vmul.f32 v1, v1;
	v3 =	vadd.f32 v7, v6;
	v49 =	vadd.f32 v34, v28  }
0xc5: {  	v47 =	vmul.f32 v46, v46;
	v62 =	vadd.f32 v33, v29;
	v28 =	vadd.f32 v32, v54  }
0xc6: {  	v58 =	vmul.f32 v63, v63;
	v61 =	vadd.f32 v60, v44;
	v31 =	vadd.f32 v35, v31  }
0xc7: {  	s26 =	sadd.s32 $0x40, s26;
	v55 =	vld.idx.msk [tilespmem:v57+s3+$0x0], $0xffff;
	v24 =	vadd.f32 v59, v2;
	v22 =	vadd.f32 v4, v3;
	v23 =	vmul.f32 v28, v5  }
0xc8: {  	v33 =	vld [tilespmem:s26+$0x10];
	v59 =	vadd.f32 v1, v43;
	vm0 =	vge.f32 v49, $0.0e+00;
	vm3 =	vge.f32 v28, $0.0e+00  }
0xc9: {  	p1 =	slt.u32 s28, $0x3C;
	s17 =	sand.u32 $0x3E0, s24;
	v34 =	vld [tilespmem:s26+$0x0];
	v54 =	vmul.f32 v49, v5;
	v8 =	vmul.f32 v31, v5;
	v38 =	vsel vm3, v28, v23  }
.Ltmp0:
0xca: {  	v29 =	vld [tilespmem:s17+$0x18400];
	vm1 =	vge.f32 v62, $0.0e+00;
	vm2 =	vge.f32 v31, $0.0e+00;
	v56 =	vmul.f32 v38, v38;
	(pc) =	sbr.rel @p1 .LBB2_4-.Ltmp0, $4  }
0xcb: {  	v35 =	vld [tilespmem:s26+$0xFFFFFFF0];
	v48 =	vmul.f32 v62, v5;
	v44 =	vadd.f32 v58, v61;
	v37 =	vsel vm2, v31, v8  }
0xcc: {  	s31 =	sand.u32 $0x3D0, s2;
	v32 =	vld [tilespmem:s26+$0xFFFFFFE0];
	v4 =	vmul.f32 v37, v37;
	v3 =	vadd.f32 v38, v41;
	v2 =	vadd.f32 v56, v42  }
0xcd: {  	s0 =	sand.u32 $0x3F0, s15;
	v39 =	vsel vm1, v62, v48;
	v31 =	vld [tilespmem:s31+$0x18400];
	v23 =	vadd.f32 v53, v0;
	v41 =	vadd.f32 v63, v59  }
0xce: {  	s16 =	smov.u32 s28;
	s28 =	sadd.s32 $0x4, s28;
	s25 =	smov.u32 s15;
	v28 =	vld [tilespmem:s0+$0x18400];
	v53 =	vmul.f32 v39, v39;
	v48 =	vadd.f32 v37, v3;
	v43 =	vadd.f32 v4, v2  }
0xcf: {  	_ =	sdelay $0x3  }
0xd0: {  	v0 =	vld.idx.msk [tilespmem:v51+s3+$0x0], $0xffff  }
0xd1: {  	v1 =	vld.idx.msk [tilespmem:v52+s3+$0x0], $0xffff  }
0xd2: {  	v62 =	vld [tilespmem:$0x1FFE0]  }
0xd3: {  	s28 =	sand.u32 $0x3C0, s10;
	v4 =	vld.idx.msk [tilespmem:v50+s3+$0x0], $0xffff  }
0xd4: {  	v2 =	vmul.f32 v33, v18;
	v3 =	vadd.f32 v46, v41;
	v7 =	vmul.f32 v34, v18;
	v41 =	vld [tilespmem:s28+$0x18400]  }
0xd5: {  	v52 =	vor.u32 s2, v20;
	v56 =	vor.u32 s10, v20;
	v8 =	vmul.f32 v35, v18  }
0xd6: {  	s26 =	sadd.s32 $0x1, s16;
	v2 =	vadd.f32 v55, v2;
	v18 =	vmul.f32 v32, v18;
	v21 =	vmul.f32 v28, v16  }
0xd7: {  	v6 =	vadd.s32 s26, v62;
	v0 =	vadd.f32 v0, v7;
	v7 =	vmul.f32 v29, v16  }
0xd8: {  	v1 =	vadd.f32 v1, v8;
	v8 =	vmul.f32 v31, v16;
	v2 =	vadd.f32 v2, v21  }
0xd9: {  	v4 =	vadd.f32 v4, v18;
	v16 =	vmul.f32 v41, v16;
	v0 =	vadd.f32 v0, v7  }
0xda: {  	v7 =	vor.u32 s24, v20;
	v1 =	vadd.f32 v1, v8;
	v8 =	vmul.f32 v2, v5  }
0xdb: {  	vm1 =	vge.f32 v2, $0.0e+00;
	v4 =	vadd.f32 v4, v16;
	v18 =	vmul.f32 v0, v5  }
0xdc: {  	v55 =	vmul.f32 v1, v5;
	vm14 =	vge.f32 v0, $0.0e+00;
	v21 =	vsel vm1, v2, v8  }
0xdd: {  	vm15 =	vge.f32 v1, $0.0e+00;
	v20 =	vmul.f32 v4, v5;
	v42 =	vsel vm14, v0, v18;
	[tilespmem:v30+s4+$0x0] =	vst.idx.msk $0xffff, v21  }
0xde: {  	vm4 =	vge.f32 v4, $0.0e+00;
	v0 =	vsel vm15, v1, v55;
	[tilespmem:v36+s4+$0x0] =	vst.idx.msk $0xffff, v42;
	v57 =	vld.idx.msk [tilespmem:v27+s3+$0x0], $0xffff  }
0xdf: {  	v18 =	vadd.f32 v40, v3;
	[tilespmem:v6+s4+$0x0] =	vst.idx.msk $0xffff, v0;
	v3 =	vsel vm4, v4, v20;
	v6 =	vld.idx.msk [tilespmem:v7+s3+$0x0], $0xffff  }
0xe0: {  	v27 =	vld.idx.msk [tilespmem:v52+s3+$0x0], $0xffff;
	[tilespmem:v26+s4+$0x0] =	vst.idx.msk $0xffff, v3  }
0xe1: {  	v58 =	vor.u32 s15, v15;
	v59 =	vmul.f32 v34, v17;
	v60 =	vmul.f32 v35, v17;
	v63 =	vld [tilespmem:$0x1FFF0]  }
0xe2: {  	v16 =	vsel vm0, v49, v54;
	v49 =	vmul.f32 v31, v19;
	v26 =	vmul.f32 v33, v17  }
0xe3: {  	v8 =	vadd.f32 v47, v44;
	v47 =	vmul.f32 v29, v19;
	v7 =	vadd.f32 v39, v48;
	v1 =	vld.idx.msk [tilespmem:v56+s3+$0x0], $0xffff  }
0xe4: {  	v17 =	vmul.f32 v32, v17;
	v52 =	vor.u32 s10, v15;
	v2 =	vadd.f32 v57, v26  }
0xe5: {  	v26 =	vmul.f32 v28, v19;
	v6 =	vadd.f32 v6, v59;
	v27 =	vadd.f32 v27, v60  }
0xe6: {  	v4 =	vadd.s32 s16, v63;
	v20 =	vadd.s32 s20, v63;
	v61 =	vadd.s32 s26, v63  }
0xe7: {  	v48 =	vadd.s32 s22, v63;
	v2 =	vadd.f32 v2, v26;
	v26 =	vor.u32 s24, v15  }
0xe8: {  	v1 =	vadd.f32 v1, v17;
	v17 =	vmul.f32 v41, v19;
	v6 =	vadd.f32 v6, v47  }
0xe9: {  	v27 =	vadd.f32 v27, v49;
	v19 =	vmul.f32 v2, v5;
	vm5 =	vge.f32 v2, $0.0e+00  }
0xea: {  	v1 =	vadd.f32 v1, v17;
	v50 =	vmul.f32 v6, v5;
	vm6 =	vge.f32 v6, $0.0e+00  }
0xeb: {  	v17 =	vmul.f32 v27, v5;
	vm7 =	vge.f32 v27, $0.0e+00;
	v2 =	vsel vm5, v2, v19  }
0xec: {  	v19 =	vor.u32 s2, v15;
	v15 =	vmul.f32 v1, v5;
	v6 =	vsel vm6, v6, v50;
	[tilespmem:v20+s4+$0x0] =	vst.idx.msk $0xffff, v2  }
0xed: {  	vm8 =	vge.f32 v1, $0.0e+00;
	v20 =	vsel vm7, v27, v17;
	[tilespmem:v48+s4+$0x0] =	vst.idx.msk $0xffff, v6;
	v27 =	vld.idx.msk [tilespmem:v58+s3+$0x0], $0xffff  }
0xee: {  	[tilespmem:v61+s4+$0x0] =	vst.idx.msk $0xffff, v20;
	v1 =	vsel vm8, v1, v15;
	v26 =	vld.idx.msk [tilespmem:v26+s3+$0x0], $0xffff  }
0xef: {  	v60 =	vld [tilespmem:$0x1FFD0];
	[tilespmem:v4+s4+$0x0] =	vst.idx.msk $0xffff, v1  }
0xf0: {  	v54 =	vld.idx.msk [tilespmem:v52+s3+$0x0], $0xffff  }
0xf1: {  	v55 =	vmul.f32 v34, v13;
	v59 =	vld [tilespmem:$0x1FFC0]  }
0xf2: {  	v56 =	vmul.f32 v35, v13;
	v4 =	vmul.f32 v33, v13  }
0xf3: {  	v58 =	vmul.f32 v29, v14;
	v13 =	vmul.f32 v32, v13;
	v26 =	vadd.f32 v26, v55  }
0xf4: {  	v61 =	vmul.f32 v31, v14;
	v4 =	vadd.f32 v27, v4;
	v27 =	vmul.f32 v28, v14  }
0xf5: {  	v14 =	vmul.f32 v41, v14;
	v13 =	vadd.f32 v54, v13;
	v26 =	vadd.f32 v26, v58  }
0xf6: {  	v30 =	vadd.f32 v53, v43;
	v53 =	vadd.s32 s20, v59;
	v4 =	vadd.f32 v4, v27  }
0xf7: {  	v27 =	vor.u32 s25, v12;
	v13 =	vadd.f32 v13, v14;
	v14 =	vmul.f32 v26, v5  }
0xf8: {  	v51 =	vmul.f32 v16, v16;
	v19 =	vld.idx.msk [tilespmem:v19+s3+$0x0], $0xffff;
	v50 =	vmul.f32 v4, v5;
	vm10 =	vge.f32 v26, $0.0e+00  }
0xf9: {  	vm9 =	vge.f32 v4, $0.0e+00;
	v14 =	vsel vm10, v26, v14;
	v26 =	vadd.s32 s16, v59  }
0xfa: {  	v34 =	vmul.f32 v34, v11;
	v4 =	vsel vm9, v4, v50  }
0xfb: {  	v30 =	vadd.f32 v51, v30;
	v52 =	vmul.f32 v13, v5;
	[tilespmem:v53+s4+$0x0] =	vst.idx.msk $0xffff, v4  }
0xfc: {  	v55 =	vmul.f32 v3, v3;
	v3 =	vadd.f32 v3, v25;
	vm12 =	vge.f32 v13, $0.0e+00;
	v27 =	vld.idx.msk [tilespmem:v27+s3+$0x0], $0xffff  }
0xfd: {  	v51 =	vor.u32 s2, v12;
	v19 =	vadd.f32 v19, v56;
	v13 =	vsel vm12, v13, v52  }
0xfe: {  	v48 =	vor.u32 s24, v12;
	[tilespmem:v26+s4+$0x0] =	vst.idx.msk $0xffff, v13;
	v26 =	vmul.f32 v0, v0;
	v0 =	vadd.f32 v0, v3  }
0xff: {  	v33 =	vmul.f32 v33, v11;
	v28 =	vmul.f32 v28, v9;
	v36 =	vadd.s32 s22, v59  }
0x100: {  	v57 =	vadd.s32 s26, v59;
	v19 =	vadd.f32 v19, v61;
	v0 =	vadd.f32 v42, v0  }
0x101: {  	v12 =	vor.u32 s10, v12;
	v54 =	vmul.f32 v21, v21;
	v27 =	vadd.f32 v27, v33  }
0x102: {  	v43 =	vmul.f32 v19, v5;
	vm11 =	vge.f32 v19, $0.0e+00;
	v0 =	vadd.f32 v21, v0  }
0x103: {  	v21 =	vadd.f32 v27, v28;
	v28 =	vmul.f32 v13, v13;
	v13 =	vadd.f32 v13, v18  }
0x104: {  	v8 =	vadd.f32 v45, v8;
	[tilespmem:v10+s4+$0x0] =	vst.idx.msk $0xffff, v38;
	v19 =	vsel vm11, v19, v43  }
0x105: {  	v24 =	vadd.f32 v55, v24;
	[tilespmem:v36+s4+$0x0] =	vst.idx.msk $0xffff, v14;
	v13 =	vadd.f32 v19, v13  }
0x106: {  	v7 =	vadd.f32 v16, v7;
	v56 =	vmul.f32 v42, v42;
	[tilespmem:v57+s4+$0x0] =	vst.idx.msk $0xffff, v19;
	v12 =	vld.idx.msk [tilespmem:v12+s3+$0x0], $0xffff  }
0x107: {  	v24 =	vadd.f32 v26, v24;
	v42 =	vmul.f32 v14, v14;
	v13 =	vadd.f32 v14, v13;
	v14 =	vld [tilespmem:$0x1FF90]  }
0x108: {  	v49 =	vmul.f32 v35, v11;
	v61 =	vmul.f32 v1, v1;
	v1 =	vadd.f32 v1, v23  }
0x109: {  	v31 =	vmul.f32 v31, v9;
	v11 =	vmul.f32 v32, v11;
	v24 =	vadd.f32 v56, v24  }
0x10a: {  	v29 =	vmul.f32 v29, v9;
	v9 =	vmul.f32 v41, v9;
	v1 =	vadd.f32 v20, v1;
	v36 =	vld.idx.msk [tilespmem:v48+s3+$0x0], $0xffff  }
0x10b: {  	v32 =	vld.idx.msk [tilespmem:v51+s3+$0x0], $0xffff;
	v11 =	vadd.f32 v12, v11;
	v24 =	vadd.f32 v54, v24;
	v0 =	vmul.f32 $1.562500000e-02, v0  }
0x10c: {  	v17 =	vadd.s32 s26, v60;
	v58 =	vmul.f32 v6, v6;
	v1 =	vadd.f32 v6, v1  }
0x10d: {  	v9 =	vadd.f32 v11, v9;
	v11 =	vmul.f32 $1.562500000e-02, v24;
	v23 =	vmul.f32 v0, v0  }
0x10e: {  	v22 =	vadd.f32 v61, v22;
	v57 =	vmul.f32 v2, v2;
	v1 =	vadd.f32 v2, v1  }
0x10f: {  	v15 =	vadd.s32 s22, v60;
	v3 =	vmul.f32 v20, v20;
	v11 =	vsub.f32 v11, v23;
	[tilespmem:v14+s4+$0x0] =	vst.idx.msk $0xffff, v37  }
0x110: {  	v1 =	vmul.f32 $1.562500000e-02, v1;
	v34 =	vadd.f32 v36, v34;
	v32 =	vadd.f32 v32, v49;
	v14 =	vld [tilespmem:$0x1FFA0]  }
0x111: {  	v3 =	vadd.f32 v3, v22;
	v22 =	vmul.f32 v9, v5;
	v11 =	vadd.f32 $9.999999740e-06, v11  }
0x112: {  	v29 =	vadd.f32 v34, v29;
	v27 =	vadd.f32 v32, v31;
	vm2 =	vge.f32 v9, $0.0e+00  }
0x113: {  	v44 =	vsel vm2, v9, v22;
	v9 =	vshrl.u32 v11, $0x1;
	v11 =	vmul.f32 $5.000000000e-01, v11  }
0x114: {  	v3 =	vadd.f32 v58, v3;
	v6 =	vmul.f32 v27, v5;
	v9 =	vsub.s32 $0x5F3759DF, v9  }
0x115: {  	vm14 =	vge.f32 v27, $0.0e+00;
	v22 =	vmul.f32 v44, v44;
	v18 =	vmul.f32 v9, v11  }
0x116: {  	v12 =	vmul.f32 v19, v19;
	v3 =	vadd.f32 v57, v3;
	v6 =	vsel vm14, v27, v6  }
0x117: {  	v19 =	vmul.f32 v6, v6;
	v22 =	vadd.f32 v22, v30;
	v18 =	vmul.f32 v9, v18  }
0x118: {  	v8 =	vadd.f32 v28, v8;
	v3 =	vmul.f32 $1.562500000e-02, v3;
	v23 =	vmul.f32 v1, v1;
	[tilespmem:v14+s4+$0x0] =	vst.idx.msk $0xffff, v39  }
0x119: {  	v25 =	vadd.s32 s16, v60;
	v10 =	vsub.f32 $1.500000000e+00, v18;
	v18 =	vadd.f32 v19, v22;
	v19 =	vld [tilespmem:$0x1FFB0]  }
0x11a: {  	v53 =	vadd.s32 s20, v60;
	v26 =	vmul.f32 v4, v4;
	v3 =	vsub.f32 v3, v23  }
0x11b: {  	vm13 =	vge.f32 v21, $0.0e+00;
	v24 =	vmul.f32 v29, v5;
	v8 =	vadd.f32 v12, v8  }
0x11c: {  	v20 =	vmul.f32 v21, v5;
	vm15 =	vge.f32 v29, $0.0e+00;
	v3 =	vadd.f32 $9.999999740e-06, v3  }
0x11d: {  	v12 =	vsel vm15, v29, v24;
	v8 =	vadd.f32 v42, v8;
	v7 =	vadd.f32 v44, v7  }
0x11e: {  	v4 =	vadd.f32 v4, v13;
	v9 =	vmul.f32 v9, v10;
	v10 =	vshrl.u32 v3, $0x1  }
0x11f: {  	s20 =	simm.s32 $0x3;
	v7 =	vadd.f32 v6, v7;
	v3 =	vmul.f32 $5.000000000e-01, v3;
	v10 =	vsub.s32 $0x5F3759DF, v10  }
0x120: {  	v11 =	vmul.f32 v9, v11;
	v14 =	vsel vm13, v21, v20;
	v20 =	vadd.s32 s20, v62;
	[tilespmem:v25+s4+$0x0] =	vst.idx.msk $0xffff, v44  }
0x121: {  	v7 =	vadd.f32 v12, v7;
	[tilespmem:v19+s4+$0x0] =	vst.idx.msk $0xffff, v16;
	v16 =	vmul.f32 v10, v3  }
0x122: {  	s24 =	simm.s32 $0x2;
	[tilespmem:v17+s4+$0x0] =	vst.idx.msk $0xffff, v6;
	v46 =	vmul.f32 v11, v9;
	v11 =	vadd.f32 v26, v8;
	v8 =	vmul.f32 $1.562500000e-02, v4  }
0x123: {  	s0 =	simm.s32 $0x0;
	s22 =	simm.s32 $0x1;
	[tilespmem:v15+s4+$0x0] =	vst.idx.msk $0xffff, v12;
	v4 =	vadd.s32 s24, v62;
	v12 =	vmul.f32 v12, v12;
	v6 =	vmul.f32 v10, v16  }
0x124: {  	[tilespmem:v53+s4+$0x0] =	vst.idx.msk $0xffff, v14;
	v15 =	vadd.s32 s0, v62;
	v2 =	vsub.f32 $1.500000000e+00, v46;
	v16 =	vadd.s32 s22, v62  }
0x125: {  	v11 =	vmul.f32 $1.562500000e-02, v11;
	v13 =	vmul.f32 v8, v8;
	v17 =	vld.idx.msk [tilespmem:v20+s4+$0x0], $0xffff;
	v6 =	vsub.f32 $1.500000000e+00, v6  }
0x126: {  	s16 =	simm.s32 $0x30;
	v7 =	vadd.f32 v14, v7;
	v12 =	vadd.f32 v12, v18;
	v19 =	vmul.f32 v2, v9  }
0x127: {  	s2 =	sand.u32 $0x3F0, s16;
	v9 =	vsub.f32 v11, v13;
	v47 =	vmul.f32 v10, v6;
	v6 =	vmul.f32 v14, v14  }
0x128: {  	v51 =	vadd.s32 s24, v63;
	v42 =	vld [tilespmem:s2+$0x18800];
	v0 =	vmul.f32 v19, v0  }
0x129: {  	v9 =	vadd.f32 $9.999999740e-06, v9;
	v10 =	vld.idx.msk [tilespmem:v16+s4+$0x0], $0xffff;
	v6 =	vadd.f32 v6, v12;
	v12 =	vmul.f32 $1.562500000e-02, v7  }
0x12a: {  	v11 =	vld.idx.msk [tilespmem:v4+s4+$0x0], $0xffff;
	v23 =	vsub.f32 $0.0e+00, v0;
	v3 =	vmul.f32 v47, v3;
	v7 =	vmul.f32 v17, v19  }
0x12b: {  	s17 =	simm.s32 $0x10;
	v24 =	vadd.s32 s20, v63;
	v13 =	vld [tilespmem:s2+$0x18C00];
	v6 =	vmul.f32 $1.562500000e-02, v6;
	v17 =	vmul.f32 v12, v12  }
0x12c: {  	s25 =	simm.s32 $0x20;
	s10 =	sand.u32 $0x3D0, s17;
	v14 =	vshrl.u32 v9, $0x1;
	v48 =	vmul.f32 v3, v47;
	v3 =	vld.idx.msk [tilespmem:v15+s4+$0x0], $0xffff;
	v7 =	vadd.f32 v7, v23  }
0x12d: {  	s29 =	sand.u32 $0x3E0, s25;
	v22 =	vmul.f32 $5.000000000e-01, v9;
	v18 =	vsub.s32 $0x5F3759DF, v14;
	v14 =	vld [tilespmem:s10+$0x18800];
	v6 =	vsub.f32 v6, v17  }
0x12e: {  	v9 =	vld [tilespmem:s29+$0x18800];
	v0 =	vsub.f32 $1.500000000e+00, v48;
	v10 =	vmul.f32 v10, v19;
	v7 =	vmul.f32 v7, v42  }
0x12f: {  	s30 =	simm.s32 $0x0;
	v26 =	vld [tilespmem:s10+$0x18C00];
	v21 =	vmul.f32 v18, v22;
	v17 =	vmul.f32 v11, v19;
	v6 =	vadd.f32 $9.999999740e-06, v6  }
0x130: {  	s2 =	sand.u32 $0x3C0, s30;
	v25 =	vadd.f32 v10, v23;
	v10 =	vld [tilespmem:s29+$0x18C00];
	v11 =	vmul.f32 v0, v47;
	v50 =	vadd.f32 v7, v13  }
0x131: {  	v49 =	vadd.f32 v17, v23;
	v17 =	vmul.f32 v18, v21;
	v7 =	vld [tilespmem:s2+$0x18800];
	v3 =	vmul.f32 v3, v19  }
0x132: {  	v21 =	vmul.f32 v25, v14;
	v25 =	vadd.s32 s22, v63;
	v27 =	vshrl.u32 v6, $0x1;
	[tilespmem:v20+s4+$0x0] =	vst.idx.msk $0xffff, v50  }
0x133: {  	v0 =	vmul.f32 v49, v9;
	v20 =	vmul.f32 $5.000000000e-01, v6;
	v17 =	vsub.f32 $1.500000000e+00, v17;
	v28 =	vld.idx.msk [tilespmem:v24+s4+$0x0], $0xffff  }
0x134: {  	v6 =	vld [tilespmem:s2+$0x18C00];
	v27 =	vsub.s32 $0x5F3759DF, v27;
	v3 =	vadd.f32 v3, v23;
	v21 =	vadd.f32 v21, v26  }
0x135: {  	v1 =	vmul.f32 v11, v1;
	v29 =	vmul.f32 v27, v20;
	v0 =	vadd.f32 v0, v10  }
0x136: {  	v3 =	vmul.f32 v3, v7;
	[tilespmem:v16+s4+$0x0] =	vst.idx.msk $0xffff, v21;
	v16 =	vmul.f32 v18, v17  }
0x137: {  	v52 =	vmul.f32 v27, v29;
	v17 =	vld.idx.msk [tilespmem:v25+s4+$0x0], $0xffff;
	[tilespmem:v4+s4+$0x0] =	vst.idx.msk $0xffff, v0;
	v4 =	vadd.s32 s0, v63  }
0x138: {  	s15 =	simm.s32 $0x6;
	v21 =	vsub.f32 $0.0e+00, v1;
	v18 =	vld.idx.msk [tilespmem:v51+s4+$0x0], $0xffff;
	v53 =	vmul.f32 v16, v22;
	v22 =	vmul.f32 v28, v11  }
0x139: {  	v37 =	vadd.s32 s15, v62;
	s2 =	simm.s32 $0x4;
	v3 =	vadd.f32 v3, v6;
	v0 =	vsub.f32 $1.500000000e+00, v52  }
0x13a: {  	s16 =	simm.s32 $0x7;
	v29 =	vadd.s32 s2, v62;
	v22 =	vadd.f32 v22, v21  }
0x13b: {  	v31 =	vadd.s32 s16, v62;
	[tilespmem:v15+s4+$0x0] =	vst.idx.msk $0xffff, v3;
	v0 =	vmul.f32 v27, v0  }
0x13c: {  	v30 =	vadd.s32 s20, v59;
	s10 =	simm.s32 $0x5;
	v15 =	vmul.f32 v17, v11;
	v17 =	vld.idx.msk [tilespmem:v4+s4+$0x0], $0xffff;
	v22 =	vmul.f32 v22, v42  }
0x13d: {  	v3 =	vadd.s32 s10, v62;
	v1 =	vmul.f32 v53, v16;
	v18 =	vmul.f32 v18, v11  }
0x13e: {  	v55 =	vld.idx.msk [tilespmem:v37+s4+$0x0], $0xffff;
	v20 =	vmul.f32 v0, v20;
	v15 =	vadd.f32 v15, v21;
	v22 =	vadd.f32 v22, v13  }
0x13f: {  	v38 =	vadd.s32 s22, v59;
	v27 =	vld.idx.msk [tilespmem:v29+s4+$0x0], $0xffff;
	v18 =	vadd.f32 v18, v21  }
0x140: {  	v1 =	vsub.f32 $1.500000000e+00, v1;
	v20 =	vmul.f32 v20, v0;
	v15 =	vmul.f32 v15, v14;
	[tilespmem:v24+s4+$0x0] =	vst.idx.msk $0xffff, v22  }
0x141: {  	v39 =	vadd.s32 s24, v59;
	v18 =	vmul.f32 v18, v9;
	v17 =	vmul.f32 v17, v11;
	v22 =	vld.idx.msk [tilespmem:v30+s4+$0x0], $0xffff  }
0x142: {  	s28 =	simm.s32 $0x50;
	v16 =	vmul.f32 v1, v16;
	v54 =	vsub.f32 $1.500000000e+00, v20;
	v24 =	vld.idx.msk [tilespmem:v31+s4+$0x0], $0xffff;
	v15 =	vadd.f32 v15, v26  }
0x143: {  	s28 =	sand.u32 $0x3D0, s28;
	v28 =	vld.idx.msk [tilespmem:v3+s4+$0x0], $0xffff;
	v18 =	vadd.f32 v18, v10;
	v17 =	vadd.f32 v17, v21  }
0x144: {  	s25 =	simm.s32 $0x70;
	[tilespmem:v25+s4+$0x0] =	vst.idx.msk $0xffff, v15;
	v15 =	vmul.f32 v16, v8;
	v8 =	vmul.f32 v54, v0;
	v25 =	vld [tilespmem:s28+$0x18800]  }
0x145: {  	v40 =	vadd.s32 s15, v63;
	v41 =	vadd.s32 s16, v63;
	s29 =	sand.u32 $0x3F0, s25;
	v56 =	vld.idx.msk [tilespmem:v38+s4+$0x0], $0xffff;
	v57 =	vmul.f32 v17, v7  }
0x146: {  	[tilespmem:v51+s4+$0x0] =	vst.idx.msk $0xffff, v18;
	v18 =	vld [tilespmem:s29+$0x18800];
	v20 =	vsub.f32 $0.0e+00, v15;
	v17 =	vmul.f32 v8, v12;
	v12 =	vmul.f32 v22, v16  }
0x147: {  	v33 =	vadd.s32 s20, v60;
	v34 =	vadd.s32 s22, v60;
	s30 =	simm.s32 $0x40;
	v2 =	vld.idx.msk [tilespmem:v39+s4+$0x0], $0xffff;
	v22 =	vmul.f32 v24, v19  }
0x148: {  	s31 =	simm.s32 $0x60;
	v32 =	vadd.s32 s0, v59;
	s30 =	sand.u32 $0x3C0, s30;
	v24 =	vmul.f32 v28, v19;
	v28 =	vld [tilespmem:s29+$0x18C00];
	v58 =	vadd.f32 v12, v20  }
0x149: {  	s31 =	sand.u32 $0x3E0, s31;
	v43 =	vadd.s32 s10, v63;
	v15 =	vmul.f32 v27, v19;
	v12 =	vld [tilespmem:s30+$0x18800];
	v47 =	vadd.f32 v22, v23  }
0x14a: {  	v27 =	vmul.f32 v55, v19;
	v48 =	vadd.f32 v24, v23;
	v22 =	vld [tilespmem:s31+$0x18800];
	v24 =	vmul.f32 v58, v42  }
0x14b: {  	v1 =	vadd.f32 v57, v6;
	v61 =	vadd.f32 v15, v23;
	v15 =	vld [tilespmem:s30+$0x18C00];
	v49 =	vmul.f32 v47, v18  }
0x14c: {  	v50 =	vadd.f32 v27, v23;
	v27 =	vld [tilespmem:s28+$0x18C00];
	v0 =	vmul.f32 v56, v16;
	v51 =	vadd.f32 v24, v13  }
0x14d: {  	v35 =	vadd.s32 s2, v63;
	[tilespmem:v4+s4+$0x0] =	vst.idx.msk $0xffff, v1;
	v2 =	vmul.f32 v2, v16;
	v24 =	vld [tilespmem:s31+$0x18C00];
	v52 =	vadd.f32 v49, v28  }
0x14e: {  	v53 =	vld.idx.msk [tilespmem:v32+s4+$0x0], $0xffff;
	v0 =	vadd.f32 v0, v20;
	v4 =	vmul.f32 v61, v12;
	[tilespmem:v30+s4+$0x0] =	vst.idx.msk $0xffff, v51  }
0x14f: {  	v2 =	vadd.f32 v2, v20;
	v30 =	vmul.f32 v48, v25;
	[tilespmem:v31+s4+$0x0] =	vst.idx.msk $0xffff, v52;
	v54 =	vld.idx.msk [tilespmem:v33+s4+$0x0], $0xffff  }
0x150: {  	v55 =	vmul.f32 v50, v22;
	v0 =	vmul.f32 v0, v14;
	v4 =	vadd.f32 v4, v15;
	v31 =	vld.idx.msk [tilespmem:v41+s4+$0x0], $0xffff  }
0x151: {  	v17 =	vsub.f32 $0.0e+00, v17;
	v2 =	vmul.f32 v2, v9;
	v30 =	vadd.f32 v30, v27  }
0x152: {  	v36 =	vadd.s32 s0, v60;
	v0 =	vadd.f32 v0, v26;
	[tilespmem:v29+s4+$0x0] =	vst.idx.msk $0xffff, v4;
	v4 =	vadd.f32 v55, v24  }
0x153: {  	v2 =	vadd.f32 v2, v10;
	v56 =	vld.idx.msk [tilespmem:v35+s4+$0x0], $0xffff;
	[tilespmem:v3+s4+$0x0] =	vst.idx.msk $0xffff, v30;
	v3 =	vmul.f32 v53, v16  }
0x154: {  	v29 =	vadd.s32 s15, v59;
	v30 =	vadd.s32 s24, v60;
	v57 =	vld.idx.msk [tilespmem:v43+s4+$0x0], $0xffff;
	[tilespmem:v37+s4+$0x0] =	vst.idx.msk $0xffff, v4;
	v1 =	vmul.f32 v54, v8  }
0x155: {  	s20 =	simm.s32 $0x8;
	s22 =	simm.s32 $0x9;
	[tilespmem:v38+s4+$0x0] =	vst.idx.msk $0xffff, v0;
	v4 =	vmul.f32 v31, v11;
	v3 =	vadd.f32 v3, v20;
	v47 =	vld.idx.msk [tilespmem:v40+s4+$0x0], $0xffff  }
0x156: {  	v38 =	vadd.s32 s22, v62;
	s24 =	simm.s32 $0xA;
	v37 =	vadd.s32 s20, v62;
	v52 =	vld.idx.msk [tilespmem:v34+s4+$0x0], $0xffff;
	v58 =	vadd.f32 v1, v17  }
0x157: {  	[tilespmem:v39+s4+$0x0] =	vst.idx.msk $0xffff, v2;
	v39 =	vadd.s32 s24, v62;
	v61 =	vadd.f32 v4, v21;
	v51 =	vmul.f32 v3, v7  }
0x158: {  	v31 =	vadd.s32 s10, v59;
	v53 =	vmul.f32 v56, v11;
	v54 =	vmul.f32 v58, v42  }
0x159: {  	s26 =	simm.s32 $0xB;
	s28 =	simm.s32 $0xC;
	v50 =	vld.idx.msk [tilespmem:v30+s4+$0x0], $0xffff;
	v48 =	vmul.f32 v57, v11;
	v49 =	vmul.f32 v61, v18;
	v42 =	vadd.s32 s16, v59  }
.LBB2_6:
0x15a: {  	p1 =	slt.u32 s28, $0x3C;
	v0 =	vadd.s32 s26, v62;
	v1 =	vmul.f32 v47, v11;
	v2 =	vadd.f32 v54, v13;
	v13 =	vmovc v28;
	v44 =	vmovc v36  }
0x15b: {  	v36 =	vmul.f32 v52, v8;
	v3 =	vld.idx.msk [tilespmem:v37+s4+$0x0], $0xffff;
	v4 =	vadd.f32 v48, v21;
	v28 =	vadd.f32 v49, v13  }
0x15c: {  	v46 =	vadd.f32 v53, v21;
	v45 =	vld.idx.msk [tilespmem:v38+s4+$0x0], $0xffff;
	v1 =	vadd.f32 v1, v21;
	[tilespmem:v33+s4+$0x0] =	vst.idx.msk $0xffff, v2  }
0x15d: {  	v2 =	vld.idx.msk [tilespmem:v39+s4+$0x0], $0xffff;
	v4 =	vmul.f32 v4, v25;
	[tilespmem:v41+s4+$0x0] =	vst.idx.msk $0xffff, v28;
	v28 =	vadd.f32 v51, v6  }
0x15e: {  	v33 =	vmul.f32 v46, v12;
	v36 =	vadd.f32 v36, v17;
	v1 =	vmul.f32 v1, v22;
	v41 =	vld.idx.msk [tilespmem:v42+s4+$0x0], $0xffff  }
0x15f: {  	v46 =	vld.idx.msk [tilespmem:v0+s4+$0x0], $0xffff;
	v4 =	vadd.f32 v4, v27;
	[tilespmem:v32+s4+$0x0] =	vst.idx.msk $0xffff, v28;
	v28 =	vmul.f32 v50, v8  }
0x160: {  	v36 =	vmul.f32 v36, v14;
	v32 =	vadd.f32 v33, v15;
	v1 =	vadd.f32 v1, v24;
	v33 =	vld.idx.msk [tilespmem:v44+s4+$0x0], $0xffff  }
0x161: {  	v14 =	vmov v25;
	[tilespmem:v43+s4+$0x0] =	vst.idx.msk $0xffff, v4;
	v4 =	vadd.f32 v28, v17  }
0x162: {  	s25 =	sadd.s32 $0x40, s25;
	v3 =	vmul.f32 v3, v19;
	v43 =	vld.idx.msk [tilespmem:v31+s4+$0x0], $0xffff;
	[tilespmem:v40+s4+$0x0] =	vst.idx.msk $0xffff, v1;
	v1 =	vadd.f32 v36, v26  }
0x163: {  	s29 =	sadd.s32 $0xFFFFFFE0, s25;
	s30 =	sadd.s32 $0xFFFFFFF0, s25;
	s31 =	sand.u32 $0x3F0, s25;
	v40 =	vmul.f32 v45, v19;
	[tilespmem:v35+s4+$0x0] =	vst.idx.msk $0xffff, v32;
	v36 =	vld.idx.msk [tilespmem:v29+s4+$0x0], $0xffff;
	v4 =	vmul.f32 v4, v9  }
0x164: {  	s0 =	sadd.s32 $0xFFFFFFD0, s25;
	s29 =	sand.u32 $0x3D0, s29;
	s30 =	sand.u32 $0x3E0, s30;
	v2 =	vmul.f32 v2, v19;
	v32 =	vadd.s32 s2, v59;
	v35 =	vmul.f32 v41, v16;
	v45 =	vld [tilespmem:s31+$0x18800];
	[tilespmem:v34+s4+$0x0] =	vst.idx.msk $0xffff, v1  }
0x165: {  	s0 =	sand.u32 $0x3C0, s0;
	v9 =	vmovc v22;
	v1 =	vadd.f32 v3, v23;
	v3 =	vmul.f32 v46, v19;
	v25 =	vld [tilespmem:s29+$0x18800];
	v4 =	vadd.f32 v4, v10  }
0x166: {  	v26 =	vmovc v27;
	v34 =	vadd.f32 v40, v23;
	v40 =	vadd.f32 v35, v20;
	v46 =	vmul.f32 v33, v8;
	v28 =	vld [tilespmem:s31+$0x18C00]  }
0x167: {  	v2 =	vadd.f32 v2, v23;
	v35 =	vadd.s32 s20, v63;
	v3 =	vadd.f32 v3, v23;
	v48 =	vld [tilespmem:s0+$0x18800];
	[tilespmem:v30+s4+$0x0] =	vst.idx.msk $0xffff, v4  }
0x168: {  	v33 =	vadd.s32 s16, v60;
	v10 =	vmovc v24;
	s16 =	smov.u32 s26;
	v4 =	vmul.f32 v43, v16;
	v30 =	vmul.f32 v40, v18;
	v22 =	vld [tilespmem:s30+$0x18800]  }
0x169: {  	v41 =	vadd.s32 s16, v63;
	v36 =	vmul.f32 v36, v16;
	v55 =	vld [tilespmem:s0+$0x18C00];
	v3 =	vmul.f32 v3, v45  }
0x16a: {  	v4 =	vadd.f32 v4, v20;
	v30 =	vadd.f32 v30, v13;
	v27 =	vld [tilespmem:s29+$0x18C00];
	v34 =	vmul.f32 v34, v25  }
0x16b: {  	v43 =	vadd.s32 s22, v63;
	v36 =	vadd.f32 v36, v20;
	v24 =	vld [tilespmem:s30+$0x18C00];
	v3 =	vadd.f32 v3, v28  }
0x16c: {  	v4 =	vmul.f32 v4, v14;
	v1 =	vmul.f32 v1, v48;
	v47 =	vld.idx.msk [tilespmem:v32+s4+$0x0], $0xffff;
	[tilespmem:v42+s4+$0x0] =	vst.idx.msk $0xffff, v30  }
0x16d: {  	v2 =	vmul.f32 v2, v22;
	[tilespmem:v0+s4+$0x0] =	vst.idx.msk $0xffff, v3;
	v0 =	vmul.f32 v36, v9;
	v3 =	vld.idx.msk [tilespmem:v33+s4+$0x0], $0xffff  }
0x16e: {  	v40 =	vadd.s32 s24, v63;
	v4 =	vadd.f32 v4, v26;
	v1 =	vadd.f32 v1, v55;
	v42 =	vld.idx.msk [tilespmem:v41+s4+$0x0], $0xffff  }
0x16f: {  	v36 =	vadd.f32 v34, v27;
	v34 =	vadd.s32 s10, v60;
	v0 =	vadd.f32 v0, v10;
	s10 =	smov.u32 s22  }
0x170: {  	v30 =	vadd.s32 s15, v60;
	s15 =	smov.u32 s24;
	[tilespmem:v37+s4+$0x0] =	vst.idx.msk $0xffff, v1;
	v1 =	vadd.f32 v2, v24;
	v2 =	vadd.f32 v46, v17  }
0x171: {  	v46 =	vld.idx.msk [tilespmem:v35+s4+$0x0], $0xffff;
	[tilespmem:v38+s4+$0x0] =	vst.idx.msk $0xffff, v36;
	v36 =	vadd.s32 s2, v60;
	s2 =	smov.u32 s20;
	s20 =	smov.u32 s28  }
0x172: {  	v49 =	vld.idx.msk [tilespmem:v43+s4+$0x0], $0xffff;
	[tilespmem:v39+s4+$0x0] =	vst.idx.msk $0xffff, v1;
	v1 =	vmul.f32 v47, v16;
	v2 =	vmul.f32 v2, v7  }
0x173: {  	v37 =	vadd.s32 s28, v62;
	v3 =	vmul.f32 v3, v8;
	v47 =	vld.idx.msk [tilespmem:v40+s4+$0x0], $0xffff;
	[tilespmem:v31+s4+$0x0] =	vst.idx.msk $0xffff, v4;
	v31 =	vadd.s32 s10, v59  }
.Ltmp1:
0x174: {  	v4 =	vmul.f32 v42, v11;
	v1 =	vadd.f32 v1, v20;
	v52 =	vld.idx.msk [tilespmem:v34+s4+$0x0], $0xffff;
	[tilespmem:v29+s4+$0x0] =	vst.idx.msk $0xffff, v0;
	(pc) =	sbr.rel @p1 .LBB2_6-.Ltmp1, $4  }
0x175: {  	s22 =	sadd.s32 $0x1, s28;
	v7 =	vmovc v12;
	v29 =	vadd.s32 s15, v59;
	v0 =	vadd.f32 v3, v17;
	v2 =	vadd.f32 v2, v6;
	v50 =	vld.idx.msk [tilespmem:v30+s4+$0x0], $0xffff  }
0x176: {  	s24 =	sadd.s32 $0x2, s28;
	v38 =	vadd.s32 s22, v62;
	v12 =	vmovc v48;
	v6 =	vmovc v15;
	v3 =	vadd.f32 v4, v21;
	v51 =	vmul.f32 v1, v7  }
0x177: {  	v39 =	vadd.s32 s24, v62;
	v53 =	vmul.f32 v46, v11;
	v54 =	vmul.f32 v0, v18;
	[tilespmem:v44+s4+$0x0] =	vst.idx.msk $0xffff, v2  }
0x178: {  	s28 =	sadd.s32 $0x4, s28;
	s26 =	sadd.s32 $0x3, s20;
	v42 =	vadd.s32 s16, v59;
	v15 =	vmovc v55;
	v18 =	vmovc v45;
	v48 =	vmul.f32 v49, v11;
	v49 =	vmul.f32 v3, v45  }
0x179: {  	_ = 	snop  }
0x17a: {  	v0 =	vadd.s32 s26, v62;
	_ =	sdelay $0x2  }
0x17b: {  	v1 =	vld.idx.msk [tilespmem:v37+s4+$0x0], $0xffff  }
0x17c: {  	v3 =	vld.idx.msk [tilespmem:v38+s4+$0x0], $0xffff  }
0x17d: {  	s0 =	sadd.s32 $0x40, s25;
	v2 =	vld.idx.msk [tilespmem:v0+s4+$0x0], $0xffff  }
0x17e: {  	v4 =	vld.idx.msk [tilespmem:v39+s4+$0x0], $0xffff;
	s25 =	sadd.s32 $0xFFFFFFE0, s0;
	s28 =	sand.u32 $0x3F0, s0  }
0x17f: {  	s29 =	sadd.s32 $0xFFFFFFD0, s0;
	s25 =	sand.u32 $0x3D0, s25;
	v46 =	vld [tilespmem:s28+$0x18800]  }
0x180: {  	v56 =	vmul.f32 v47, v11;
	s29 =	sand.u32 $0x3C0, s29;
	v45 =	vld [tilespmem:s25+$0x18800]  }
0x181: {  	v52 =	vmul.f32 v52, v8;
	v44 =	vld [tilespmem:s29+$0x18800];
	v3 =	vmul.f32 v3, v19  }
0x182: {  	v55 =	vadd.f32 v48, v21;
	v57 =	vadd.f32 v49, v28;
	v49 =	vld [tilespmem:s25+$0x18C00];
	v2 =	vmul.f32 v2, v19  }
0x183: {  	v13 =	vadd.f32 v54, v13;
	s0 =	sadd.s32 $0xFFFFFFF0, s0;
	v48 =	vld [tilespmem:s28+$0x18C00];
	v1 =	vmul.f32 v1, v19;
	v3 =	vadd.f32 v3, v23  }
0x184: {  	v50 =	vmul.f32 v50, v8;
	s0 =	sand.u32 $0x3E0, s0;
	v55 =	vmul.f32 v55, v25;
	v47 =	vld [tilespmem:s29+$0x18C00];
	v2 =	vadd.f32 v2, v23  }
0x185: {  	v4 =	vmul.f32 v4, v19;
	v1 =	vadd.f32 v1, v23;
	v3 =	vmul.f32 v3, v45;
	v19 =	vld [tilespmem:s0+$0x18800]  }
0x186: {  	[tilespmem:v41+s4+$0x0] =	vst.idx.msk $0xffff, v57;
	v55 =	vadd.f32 v55, v27;
	v2 =	vmul.f32 v2, v46  }
0x187: {  	v4 =	vadd.f32 v4, v23;
	v1 =	vmul.f32 v1, v44;
	v3 =	vadd.f32 v3, v49;
	v23 =	vld [tilespmem:s0+$0x18C00]  }
0x188: {  	v58 =	vadd.s32 s26, v63;
	v61 =	vadd.f32 v56, v21;
	[tilespmem:v43+s4+$0x0] =	vst.idx.msk $0xffff, v55;
	v2 =	vadd.f32 v2, v48  }
0x189: {  	v56 =	vld.idx.msk [tilespmem:v42+s4+$0x0], $0xffff;
	v43 =	vadd.s32 s20, v63;
	v1 =	vadd.f32 v1, v47;
	[tilespmem:v38+s4+$0x0] =	vst.idx.msk $0xffff, v3  }
0x18a: {  	v38 =	vld.idx.msk [tilespmem:v31+s4+$0x0], $0xffff;
	v4 =	vmul.f32 v4, v19;
	[tilespmem:v0+s4+$0x0] =	vst.idx.msk $0xffff, v2;
	v2 =	vadd.s32 s22, v63  }
0x18b: {  	v50 =	vadd.f32 v50, v17;
	[tilespmem:v37+s4+$0x0] =	vst.idx.msk $0xffff, v1;
	v1 =	vadd.s32 s24, v63  }
0x18c: {  	[tilespmem:v33+s4+$0x0] =	vst.idx.msk $0xffff, v13;
	v3 =	vadd.f32 v52, v17;
	v4 =	vadd.f32 v4, v23  }
0x18d: {  	v57 =	vadd.f32 v53, v21;
	v41 =	vmul.f32 v61, v22;
	v9 =	vmul.f32 v50, v9;
	v61 =	vld.idx.msk [tilespmem:v58+s4+$0x0], $0xffff  }
0x18e: {  	v3 =	vmul.f32 v3, v14;
	v0 =	vmul.f32 v56, v16;
	[tilespmem:v39+s4+$0x0] =	vst.idx.msk $0xffff, v4;
	v39 =	vld.idx.msk [tilespmem:v43+s4+$0x0], $0xffff  }
0x18f: {  	v55 =	vadd.f32 v41, v24;
	v9 =	vadd.f32 v9, v10;
	v54 =	vmul.f32 v38, v16;
	v14 =	vld.idx.msk [tilespmem:v2+s4+$0x0], $0xffff  }
0x190: {  	v3 =	vadd.f32 v3, v26;
	v4 =	vmul.f32 v57, v12;
	v57 =	vld.idx.msk [tilespmem:v1+s4+$0x0], $0xffff;
	v0 =	vadd.f32 v0, v20  }
0x191: {  	[tilespmem:v40+s4+$0x0] =	vst.idx.msk $0xffff, v55;
	v56 =	vadd.f32 v51, v6;
	v26 =	vadd.f32 v54, v20  }
0x192: {  	v40 =	vld.idx.msk [tilespmem:v29+s4+$0x0], $0xffff;
	v51 =	vadd.s32 s2, v59;
	v4 =	vadd.f32 v4, v15;
	v0 =	vmul.f32 v0, v18  }
0x193: {  	[tilespmem:v32+s4+$0x0] =	vst.idx.msk $0xffff, v56;
	v32 =	vadd.s32 s16, v60;
	v10 =	vmul.f32 v26, v25;
	v61 =	vmul.f32 v61, v11  }
0x194: {  	[tilespmem:v35+s4+$0x0] =	vst.idx.msk $0xffff, v4;
	v4 =	vadd.s32 s26, v59;
	v39 =	vmul.f32 v39, v11;
	v14 =	vmul.f32 v14, v11  }
0x195: {  	v0 =	vadd.f32 v0, v28;
	v55 =	vadd.f32 v61, v21;
	v11 =	vmul.f32 v57, v11  }
0x196: {  	v53 =	vld.idx.msk [tilespmem:v36+s4+$0x0], $0xffff;
	v35 =	vadd.s32 s10, v60;
	v10 =	vadd.f32 v10, v27;
	v14 =	vadd.f32 v14, v21  }
0x197: {  	[tilespmem:v42+s4+$0x0] =	vst.idx.msk $0xffff, v0;
	v0 =	vadd.s32 s22, v59;
	v56 =	vmul.f32 v55, v46;
	v11 =	vadd.f32 v11, v21  }
0x198: {  	v42 =	vadd.f32 v39, v21;
	v39 =	vadd.s32 s24, v59;
	[tilespmem:v31+s4+$0x0] =	vst.idx.msk $0xffff, v10;
	v14 =	vmul.f32 v14, v45  }
0x199: {  	v52 =	vld.idx.msk [tilespmem:v51+s4+$0x0], $0xffff;
	v57 =	vmul.f32 v40, v16;
	v61 =	vadd.f32 v56, v48;
	v11 =	vmul.f32 v11, v19  }
0x19a: {  	v54 =	vld.idx.msk [tilespmem:v32+s4+$0x0], $0xffff;
	v40 =	vadd.s32 s20, v59;
	v21 =	vmul.f32 v42, v44;
	v14 =	vadd.f32 v14, v49  }
0x19b: {  	v31 =	vld.idx.msk [tilespmem:v35+s4+$0x0], $0xffff;
	[tilespmem:v58+s4+$0x0] =	vst.idx.msk $0xffff, v61;
	v11 =	vadd.f32 v11, v23  }
0x19c: {  	v21 =	vadd.f32 v21, v47;
	v56 =	vld.idx.msk [tilespmem:v4+s4+$0x0], $0xffff;
	[tilespmem:v2+s4+$0x0] =	vst.idx.msk $0xffff, v14  }
0x19d: {  	v55 =	vadd.f32 v57, v20;
	[tilespmem:v1+s4+$0x0] =	vst.idx.msk $0xffff, v11;
	v57 =	vld.idx.msk [tilespmem:v0+s4+$0x0], $0xffff  }
0x19e: {  	[tilespmem:v43+s4+$0x0] =	vst.idx.msk $0xffff, v21;
	v11 =	vld.idx.msk [tilespmem:v39+s4+$0x0], $0xffff  }
0x19f: {  	v13 =	vadd.s32 s15, v60;
	v42 =	vmul.f32 v53, v8;
	v61 =	vmul.f32 v52, v16;
	v43 =	vld.idx.msk [tilespmem:v40+s4+$0x0], $0xffff  }
0x1a0: {  	v38 =	vadd.s32 s2, v60;
	v58 =	vmul.f32 v55, v22;
	v50 =	vmul.f32 v54, v8  }
0x1a1: {  	[tilespmem:v34+s4+$0x0] =	vst.idx.msk $0xffff, v3;
	v54 =	vadd.s32 s26, v60;
	v2 =	vadd.f32 v61, v20;
	v14 =	vmul.f32 v56, v16  }
0x1a2: {  	v31 =	vmul.f32 v31, v8;
	v21 =	vadd.f32 v42, v17;
	v10 =	vmul.f32 v57, v16  }
0x1a3: {  	v2 =	vmul.f32 v2, v12;
	v14 =	vadd.f32 v14, v20;
	v11 =	vmul.f32 v11, v16  }
0x1a4: {  	v1 =	vadd.f32 v58, v24;
	v53 =	vmul.f32 v43, v16;
	v10 =	vadd.f32 v10, v20  }
0x1a5: {  	v2 =	vadd.f32 v2, v15;
	v3 =	vmul.f32 v14, v46;
	v11 =	vadd.f32 v11, v20  }
0x1a6: {  	[tilespmem:v29+s4+$0x0] =	vst.idx.msk $0xffff, v1;
	v16 =	vadd.f32 v53, v20;
	v55 =	vmul.f32 v10, v45;
	v10 =	vadd.s32 s22, v60  }
0x1a7: {  	v56 =	vld.idx.msk [tilespmem:v13+s4+$0x0], $0xffff;
	v57 =	vadd.s32 s24, v60;
	v3 =	vadd.f32 v3, v48;
	v11 =	vmul.f32 v11, v19  }
0x1a8: {  	v58 =	vadd.s32 s20, v60;
	[tilespmem:v51+s4+$0x0] =	vst.idx.msk $0xffff, v2;
	v16 =	vmul.f32 v16, v44;
	v1 =	vadd.f32 v55, v49  }
0x1a9: {  	v52 =	vadd.f32 v50, v17;
	v61 =	vld.idx.msk [tilespmem:v38+s4+$0x0], $0xffff;
	[tilespmem:v4+s4+$0x0] =	vst.idx.msk $0xffff, v3;
	v3 =	vadd.f32 v11, v23  }
0x1aa: {  	v4 =	vmul.f32 v21, v7;
	v21 =	vadd.f32 v16, v47;
	v7 =	vld.idx.msk [tilespmem:v54+s4+$0x0], $0xffff;
	[tilespmem:v0+s4+$0x0] =	vst.idx.msk $0xffff, v1  }
0x1ab: {  	v34 =	vmul.f32 v52, v18;
	v11 =	vadd.f32 v31, v17;
	[tilespmem:v39+s4+$0x0] =	vst.idx.msk $0xffff, v3;
	v37 =	vld.idx.msk [tilespmem:v10+s4+$0x0], $0xffff  }
0x1ac: {  	[tilespmem:v40+s4+$0x0] =	vst.idx.msk $0xffff, v21;
	v3 =	vadd.f32 v4, v6;
	v4 =	vmul.f32 v56, v8;
	v6 =	vld.idx.msk [tilespmem:v57+s4+$0x0], $0xffff  }
0x1ad: {  	[tilespmem:v30+s4+$0x0] =	vst.idx.msk $0xffff, v9;
	v40 =	vadd.f32 v34, v28;
	v9 =	vld.idx.msk [tilespmem:v58+s4+$0x0], $0xffff;
	v41 =	vmul.f32 v11, v25  }
0x1ae: {  	[tilespmem:v36+s4+$0x0] =	vst.idx.msk $0xffff, v3;
	v3 =	vadd.f32 v4, v17;
	v4 =	vmul.f32 v61, v8  }
0x1af: {  	[tilespmem:v32+s4+$0x0] =	vst.idx.msk $0xffff, v40;
	v42 =	vadd.f32 v41, v27;
	v43 =	vmul.f32 v7, v8  }
0x1b0: {  	v3 =	vmul.f32 v3, v22;
	v4 =	vadd.f32 v4, v17;
	v7 =	vmul.f32 v37, v8  }
0x1b1: {  	[tilespmem:v35+s4+$0x0] =	vst.idx.msk $0xffff, v42;
	v50 =	vadd.f32 v43, v17;
	v51 =	vmul.f32 v6, v8  }
0x1b2: {  	v4 =	vmul.f32 v4, v12;
	v6 =	vadd.f32 v7, v17;
	v7 =	vmul.f32 v9, v8  }
0x1b3: {  	v3 =	vadd.f32 v3, v24;
	v0 =	vmul.f32 v50, v46;
	v1 =	vadd.f32 v51, v17  }
0x1b4: {  	v4 =	vadd.f32 v4, v15;
	v6 =	vmul.f32 v6, v45;
	v7 =	vadd.f32 v7, v17  }
0x1b5: {  	[tilespmem:v13+s4+$0x0] =	vst.idx.msk $0xffff, v3;
	v0 =	vadd.f32 v0, v48;
	v1 =	vmul.f32 v1, v19  }
0x1b6: {  	[tilespmem:v38+s4+$0x0] =	vst.idx.msk $0xffff, v4;
	v3 =	vadd.f32 v6, v49;
	v4 =	vmul.f32 v7, v44  }
0x1b7: {  	[tilespmem:v54+s4+$0x0] =	vst.idx.msk $0xffff, v0;
	v52 =	vadd.f32 v1, v23  }
0x1b8: {  	[tilespmem:v10+s4+$0x0] =	vst.idx.msk $0xffff, v3;
	v53 =	vadd.f32 v4, v47  }
0x1b9: {  	[tilespmem:v57+s4+$0x0] =	vst.idx.msk $0xffff, v52  }
0x1ba: {  	s15 =	simm.s32 $0x1D484;
	[tilespmem:v58+s4+$0x0] =	vst.idx.msk $0xffff, v53  }
0x1bb: {  	v0 =	vld [tilespmem:s15+$0xC3]  }
0x1bc: {  	v1 =	vld [tilespmem:s15+$0xFFFFFF3D]  }
0x1bd: {  	s10 =	sshll.u32 s14, $0xC;
	v2 =	vld [tilespmem:s15+$0xFFFFFF7E]  }
0x1be: {  	s14 =	sand.u32 $0x3FFFF000, s10;
	v3 =	vld [tilespmem:s15+$0xFFFFFFBF]  }
0x1bf: {  	s2 =	sadd.s32 $0x19300, s14;
	v4 =	vld [tilespmem:s15+$0x0]  }
0x1c0: {  	v6 =	vld [tilespmem:s15+$0x41];
	[tilespmem:s2+$0xC0] =	vst v0  }
0x1c1: {  	v54 =	vld [tilespmem:s15+$0x82];
	[tilespmem:s2+$0xFFFFFF40] =	vst v1  }
0x1c2: {  	v55 =	vld [tilespmem:s15+$0xFFFFFEFC];
	[tilespmem:s2+$0xFFFFFF80] =	vst v2  }
0x1c3: {  	[tilespmem:s2+$0xFFFFFFC0] =	vst v3;
	v0 =	vld [tilespmem:s15+$0xD3]  }
0x1c4: {  	[tilespmem:s2+$0x0] =	vst v4;
	v3 =	vld [tilespmem:s15+$0xFFFFFF4D]  }
0x1c5: {  	[tilespmem:s2+$0x40] =	vst v6;
	v4 =	vld [tilespmem:s15+$0xFFFFFF8E]  }
0x1c6: {  	s10 =	sor.u32 $0x1C0, s10;
	[tilespmem:s2+$0x80] =	vst v54;
	v6 =	vld [tilespmem:s15+$0xFFFFFFCF]  }
0x1c7: {  	s0 =	sor.u32 $0x50, s10;
	s16 =	sadd.s32 $0xFFFFFE80, s10;
	[tilespmem:s2+$0xFFFFFF00] =	vst v55;
	v56 =	vld [tilespmem:s15+$0x10]  }
0x1c8: {  	s17 =	sor.u32 $0x50, s16;
	v2 =	vld [tilespmem:s15+$0xFFFFFF0C];
	[tilespmem:s0+$0x19200] =	vst v0  }
0x1c9: {  	s20 =	sadd.s32 $0xFFFFFF00, s10;
	[tilespmem:s17+$0x19200] =	vst v3;
	v3 =	vld [tilespmem:s15+$0x51]  }
0x1ca: {  	s22 =	sor.u32 $0x50, s20;
	[tilespmem:s2+$0xFFFFFF90] =	vst v4;
	v4 =	vld [tilespmem:s15+$0x92]  }
0x1cb: {  	[tilespmem:s22+$0x19200] =	vst v6;
	v0 =	vld [tilespmem:s15+$0xE3]  }
0x1cc: {  	s25 =	sadd.s32 $0xFFFFFF80, s10;
	[tilespmem:s2+$0x10] =	vst v56;
	v6 =	vld [tilespmem:s15+$0xFFFFFF5D]  }
0x1cd: {  	s26 =	sor.u32 $0x50, s25;
	[tilespmem:s2+$0xFFFFFF10] =	vst v2;
	v57 =	vld [tilespmem:s15+$0xFFFFFF9E]  }
0x1ce: {  	v2 =	vld [tilespmem:s15+$0xFFFFFF1C];
	[tilespmem:s26+$0x19200] =	vst v3  }
0x1cf: {  	s24 =	sor.u32 $0x60, s10;
	v3 =	vld [tilespmem:s15+$0xFFFFFFDF];
	[tilespmem:s2+$0x90] =	vst v4  }
0x1d0: {  	s28 =	sor.u32 $0x60, s16;
	v4 =	vld [tilespmem:s15+$0x20];
	[tilespmem:s24+$0x19200] =	vst v0  }
0x1d1: {  	[tilespmem:s28+$0x19200] =	vst v6;
	v8 =	vld [tilespmem:s15+$0x61]  }
0x1d2: {  	[tilespmem:s2+$0xFFFFFFA0] =	vst v57;
	v58 =	vld [tilespmem:s15+$0xA2]  }
0x1d3: {  	s30 =	sor.u32 $0x60, s20;
	[tilespmem:s2+$0xFFFFFF20] =	vst v2;
	v0 =	vld [tilespmem:s15+$0xF3]  }
0x1d4: {  	v61 =	vld [tilespmem:s15+$0xFFFFFF6D];
	[tilespmem:s30+$0x19200] =	vst v3  }
0x1d5: {  	s31 =	sor.u32 $0x60, s25;
	v2 =	vld [tilespmem:s15+$0xFFFFFF2C];
	[tilespmem:s2+$0x20] =	vst v4  }
0x1d6: {  	v6 =	vld [tilespmem:s15+$0xFFFFFFAE];
	[tilespmem:s31+$0x19200] =	vst v8  }
0x1d7: {  	s29 =	sor.u32 $0x70, s10;
	v7 =	vld [tilespmem:s15+$0xFFFFFFEF];
	[tilespmem:s2+$0xA0] =	vst v58  }
0x1d8: {  	s0 =	sor.u32 $0x70, s16;
	v8 =	vld [tilespmem:s15+$0x30];
	[tilespmem:s29+$0x19200] =	vst v0  }
0x1d9: {  	s14 =	simm.s32 $0x0;
	[tilespmem:s0+$0x19200] =	vst v61;
	v9 =	vld [tilespmem:s15+$0x71]  }
0x1da: {  	s20 =	sor.u32 $0x70, s20;
	s16 =	sor.u32 $0x70, s25;
	[tilespmem:s2+$0xFFFFFF30] =	vst v2;
	v10 =	vld [tilespmem:s15+$0xB2];
	s15 =	simm.s32 $0x1D68C  }
.LBB2_8:
0x1db: {  	v0 =	vld [tilespmem:s15+$0xC3];
	s14 =	sadd.s32 $0x8, s14;
	[tilespmem:s2+$0xFFFFFFB0] =	vst v6  }
0x1dc: {  	v1 =	vld [tilespmem:s15+$0xFFFFFF3D];
	p1 =	slt.u32 s14, $0x38;
	[tilespmem:s20+$0x19200] =	vst v7  }
0x1dd: {  	v2 =	vld [tilespmem:s15+$0xFFFFFF7E];
	[tilespmem:s2+$0x30] =	vst v8  }
0x1de: {  	v3 =	vld [tilespmem:s15+$0xFFFFFFBF];
	[tilespmem:s16+$0x19200] =	vst v9  }
0x1df: {  	v4 =	vld [tilespmem:s15+$0x0];
	[tilespmem:s2+$0xB0] =	vst v10;
	s2 =	sadd.s32 $0x200, s2  }
0x1e0: {  	v6 =	vld [tilespmem:s15+$0x41];
	[tilespmem:s2+$0xC0] =	vst v0  }
0x1e1: {  	[tilespmem:s2+$0xFFFFFF40] =	vst v1;
	v0 =	vld [tilespmem:s15+$0xD3]  }
0x1e2: {  	[tilespmem:s2+$0xFFFFFF80] =	vst v2;
	v1 =	vld [tilespmem:s15+$0x82]  }
0x1e3: {  	v2 =	vld [tilespmem:s15+$0xFFFFFEFC];
	[tilespmem:s2+$0xFFFFFFC0] =	vst v3  }
0x1e4: {  	s10 =	sadd.s32 $0x200, s10;
	v3 =	vld [tilespmem:s15+$0xFFFFFF4D];
	[tilespmem:s2+$0x0] =	vst v4  }
0x1e5: {  	s0 =	sadd.s32 $0xFFFFFE80, s10;
	s20 =	sor.u32 $0x50, s10;
	s16 =	sadd.s32 $0xFFFFFF00, s10;
	v4 =	vld [tilespmem:s15+$0xFFFFFF8E];
	[tilespmem:s2+$0x40] =	vst v6  }
0x1e6: {  	s25 =	sadd.s32 $0xFFFFFF80, s10;
	s22 =	sor.u32 $0x50, s0;
	s24 =	sor.u32 $0x50, s16;
	v6 =	vld [tilespmem:s15+$0xFFFFFFCF];
	[tilespmem:s20+$0x19200] =	vst v0  }
0x1e7: {  	s26 =	sor.u32 $0x60, s0;
	s29 =	sor.u32 $0x50, s25;
	s28 =	sor.u32 $0x60, s16;
	[tilespmem:s2+$0x80] =	vst v1;
	v0 =	vld [tilespmem:s15+$0xE3]  }
0x1e8: {  	s0 =	sor.u32 $0x70, s0;
	s30 =	sor.u32 $0x60, s25;
	s20 =	sor.u32 $0x70, s16;
	[tilespmem:s2+$0xFFFFFF00] =	vst v2;
	v1 =	vld [tilespmem:s15+$0x10]  }
0x1e9: {  	s16 =	sor.u32 $0x70, s25;
	v2 =	vld [tilespmem:s15+$0xFFFFFF0C];
	[tilespmem:s22+$0x19200] =	vst v3  }
0x1ea: {  	[tilespmem:s2+$0xFFFFFF90] =	vst v4;
	v3 =	vld [tilespmem:s15+$0x51]  }
0x1eb: {  	s22 =	sor.u32 $0x60, s10;
	[tilespmem:s24+$0x19200] =	vst v6;
	v4 =	vld [tilespmem:s15+$0x92]  }
0x1ec: {  	v6 =	vld [tilespmem:s15+$0xFFFFFF5D];
	[tilespmem:s22+$0x19200] =	vst v0  }
0x1ed: {  	[tilespmem:s2+$0x10] =	vst v1;
	v0 =	vld [tilespmem:s15+$0xF3]  }
0x1ee: {  	[tilespmem:s2+$0xFFFFFF10] =	vst v2;
	v1 =	vld [tilespmem:s15+$0xFFFFFF9E]  }
0x1ef: {  	v2 =	vld [tilespmem:s15+$0xFFFFFF1C];
	[tilespmem:s29+$0x19200] =	vst v3  }
0x1f0: {  	v3 =	vld [tilespmem:s15+$0xFFFFFFDF];
	[tilespmem:s2+$0x90] =	vst v4  }
0x1f1: {  	s22 =	sor.u32 $0x70, s10;
	[tilespmem:s26+$0x19200] =	vst v6;
	v4 =	vld [tilespmem:s15+$0x20]  }
0x1f2: {  	v8 =	vld [tilespmem:s15+$0x61];
	[tilespmem:s22+$0x19200] =	vst v0  }
0x1f3: {  	[tilespmem:s2+$0xFFFFFFA0] =	vst v1;
	v0 =	vld [tilespmem:s15+$0xA2]  }
0x1f4: {  	[tilespmem:s2+$0xFFFFFF20] =	vst v2;
	v1 =	vld [tilespmem:s15+$0xFFFFFF6D]  }
0x1f5: {  	v2 =	vld [tilespmem:s15+$0xFFFFFF2C];
	[tilespmem:s28+$0x19200] =	vst v3  }
.Ltmp2:
0x1f6: {  	v6 =	vld [tilespmem:s15+$0xFFFFFFAE];
	[tilespmem:s2+$0x20] =	vst v4;
	(pc) =	sbr.rel @p1 .LBB2_8-.Ltmp2, $4  }
0x1f7: {  	v7 =	vld [tilespmem:s15+$0xFFFFFFEF];
	[tilespmem:s30+$0x19200] =	vst v8  }
0x1f8: {  	v8 =	vld [tilespmem:s15+$0x30];
	[tilespmem:s2+$0xA0] =	vst v0  }
0x1f9: {  	[tilespmem:s0+$0x19200] =	vst v1;
	v9 =	vld [tilespmem:s15+$0x71]  }
0x1fa: {  	[tilespmem:s2+$0xFFFFFF30] =	vst v2;
	v10 =	vld [tilespmem:s15+$0xB2];
	s15 =	sadd.s32 $0x208, s15  }
.Ltmp3:
0x1fb: {  	[tilespmem:s2+$0xFFFFFFB0] =	vst v6;
	(pc) =	sbr.rel @p0 .LBB2_3-.Ltmp3, $4  }
0x1fc: {  	[tilespmem:s20+$0x19200] =	vst v7  }
0x1fd: {  	[tilespmem:s2+$0x30] =	vst v8  }
0x1fe: {  	[tilespmem:s16+$0x19200] =	vst v9  }
0x1ff: {  	s14 =	simm.s32 $0x1;
	p1 =	por $0x0, $0x0;
	[tilespmem:s2+$0xB0] =	vst v10  }
0x200: {  	s0 =	sshll.u32 s11, $0x1;
	s12 =	simm.s32 $0x0;
	s2 =	simm.s32 $0x19200  }
0x201: {  	[hbm4b:s13+s12] =	stream.linear.scatter [tilespmem:s2], [sflag:$0x2], $0x2000, $0x38;
	[tilespmem:$0x1E400] =	vst v63  }
0x202: {  	s0 =	smin.u32 s0, $0xC4  }
0x203: {  	s13 =	sshll.u32 s0, $0x7  }
0x204: {  	s0 =	sadd.s32 s13, s18  }
0x205: {  	s0 =	sshrl.u32 s0, $0x3  }
0x206: {  	s10 =	simm.s32 $0x19080;
	s26 =	sadd.s32 s6, s0  }
0x207: {  	[tilespmem:s10], [sflag:$0x1] =	stream.linear.gather [hbm4b:s26+s12], $0x80, $0x38;
	[tilespmem:$0x1E400] =	vst v63  }
0x208: {  	s29 =	simm.s32 $0x19100;
	s28 =	sadd.s32 s7, s0  }
0x209: {  	[tilespmem:s29], [sflag:$0x1] =	stream.linear.gather [hbm4b:s28+s12], $0x80, $0x38;
	[tilespmem:$0x1E400] =	vst v63  }
0x20a: {  	s30 =	simm.s32 $0x19180;
	s0 =	sadd.s32 s8, s0  }
0x20b: {  	[tilespmem:s30], [sflag:$0x1] =	stream.linear.gather [hbm4b:s0+s12], $0x80, $0x38;
	[tilespmem:$0x1E400] =	vst v63  }
0x20c: {  	_ =	swait.ge [sflag:s5], $0x80  }
0x20d: {  	[sflag:s5] =	ssyncset.done $0x0  }
0x20e: {  	[sflag:s5] =	ssyncadd.s32 $0xFFFFFF80  }
0x20f: {  	_ =	swait.ge [sflag:s5], $0x80  }
0x210: {  	[sflag:s5] =	ssyncset.done $0x0  }
0x211: {  	[sflag:s5] =	ssyncadd.s32 $0xFFFFFF80  }
0x212: {  	_ =	swait.ge [sflag:s5], $0x80  }
0x213: {  	[sflag:s5] =	ssyncset.done $0x0  }
0x214: {  	[sflag:s5] =	ssyncadd.s32 $0xFFFFFF80  }
0x215: {  	_ =	swait.ge [sflag:s9], $0x2000  }
0x216: {  	s31 =	sshll.u32 s11, $0xB;
	p1 =	por $0x1, $0x1;
	[sflag:s9] =	ssyncset.done $0x0  }
0x217: {  	s16 =	simm.s32 $0x0;
	s14 =	sadd.s32 s21, s31;
	[sflag:s9] =	ssyncadd.s32 $0xFFFFE000  }
.LBB2_11:
0x218: {  	s20 =	sshll.u32 s16, $0x6  }
0x219: {  	v0 =	vld [tilespmem:s20+$0x1B200]  }
0x21a: {  	v1 =	vld [tilespmem:s20+$0x1B210]  }
0x21b: {  	v2 =	vld [tilespmem:s20+$0x1B220]  }
0x21c: {  	v3 =	vld [tilespmem:s20+$0x1B230]  }
0x21d: {  	v18 =	vld [tilespmem:s20+$0x1B280]  }
0x21e: {  	s0 =	simm.s32 $0x18020;
	v16 =	vld [tilespmem:s20+$0x1B300]  }
0x21f: {  	v33 =	vld [tilespmem:s0+$0x10]  }
0x220: {  	v38 =	vlaneseq.u32;
	v34 =	vld [tilespmem:s0+$0x0];
	v0 =	vshll.u32 v0, $0xA  }
0x221: {  	s25 =	simm.s32 $0x30;
	v35 =	vld [tilespmem:s0+$0xFFFFFFF0];
	v21 =	vor.u32 v38, v0  }
0x222: {  	s2 =	simm.s32 $0x20;
	v31 =	vld [tilespmem:s0+$0xFFFFFFE0];
	s26 =	sand.u32 $0x3F0, s25;
	v0 =	vor.u32 s25, v21  }
0x223: {  	s10 =	simm.s32 $0x10;
	s15 =	sand.u32 $0x3E0, s2;
	v24 =	vld [tilespmem:s26+$0x18400];
	v4 =	vor.u32 s2, v21  }
0x224: {  	s24 =	simm.s32 $0x0;
	s30 =	sand.u32 $0x3D0, s10;
	v23 =	vld [tilespmem:s15+$0x18400];
	v6 =	vor.u32 s10, v21  }
0x225: {  	s17 =	sand.u32 $0x3C0, s24;
	v25 =	vld [tilespmem:s30+$0x18400];
	v7 =	vor.u32 s24, v21  }
0x226: {  	s31 =	simm.s32 $0x3;
	s22 =	simm.s32 $0x2;
	v29 =	vld [tilespmem:s17+$0x18400]  }
0x227: {  	v8 =	vadd.s32 s31, v62;
	v10 =	vadd.s32 s22, v62;
	v49 =	vadd.s32 s22, v60;
	s26 =	simm.s32 $0x1;
	v0 =	vld.idx.msk [tilespmem:v0+s3+$0x0], $0xffff  }
0x228: {  	v50 =	vadd.s32 s31, v60;
	v52 =	vadd.s32 s22, v63;
	v26 =	vadd.s32 s26, v62;
	v4 =	vld.idx.msk [tilespmem:v4+s3+$0x0], $0xffff  }
0x229: {  	v48 =	vadd.s32 s26, v60;
	v51 =	vadd.s32 s26, v63;
	v1 =	vshll.u32 v1, $0xA;
	v44 =	vld.idx.msk [tilespmem:v6+s3+$0x0], $0xffff  }
0x22a: {  	v2 =	vshll.u32 v2, $0xA;
	v43 =	vshll.u32 v3, $0xA;
	v9 =	vmul.f32 v33, v18;
	v7 =	vld.idx.msk [tilespmem:v7+s3+$0x0], $0xffff  }
0x22b: {  	v3 =	vadd.s32 s12, v62;
	v11 =	vmul.f32 v34, v18;
	v12 =	vmul.f32 v35, v18  }
0x22c: {  	v14 =	vmul.f32 v31, v18;
	v45 =	vmul.f32 v24, v16;
	v0 =	vadd.f32 v0, v9  }
0x22d: {  	v15 =	vor.u32 v38, v2;
	v19 =	vmul.f32 v23, v16;
	v4 =	vadd.f32 v4, v11  }
0x22e: {  	v17 =	vld [tilespmem:s20+$0x1B290];
	v2 =	vadd.f32 v44, v12;
	v12 =	vmul.f32 v25, v16;
	v0 =	vadd.f32 v0, v45  }
0x22f: {  	v13 =	vld [tilespmem:s20+$0x1B2A0];
	v46 =	vmul.f32 v29, v16;
	v7 =	vadd.f32 v7, v14;
	v4 =	vadd.f32 v4, v19  }
0x230: {  	v20 =	vor.u32 v38, v1;
	v11 =	vld [tilespmem:s20+$0x1B2B0];
	v2 =	vadd.f32 v2, v12;
	v12 =	vmul.f32 v0, v5  }
0x231: {  	v14 =	vld [tilespmem:s20+$0x1B320];
	v37 =	vadd.f32 v7, v46;
	v7 =	vmul.f32 v4, v5;
	vm0 =	vge.f32 v0, $0.0e+00  }
0x232: {  	v6 =	vor.u32 s25, v20;
	v9 =	vld [tilespmem:s20+$0x1B330];
	vm1 =	vge.f32 v4, $0.0e+00;
	v22 =	vsel vm0, v0, v12  }
0x233: {  	v30 =	vor.u32 s2, v20;
	v19 =	vld [tilespmem:s20+$0x1B310];
	v32 =	vmul.f32 v2, v5;
	v28 =	vsel vm1, v4, v7;
	[tilespmem:v8+s4+$0x0] =	vst.idx.msk $0xffff, v22  }
0x234: {  	v39 =	vmul.f32 v33, v17;
	v41 =	vmul.f32 v34, v17;
	vm0 =	vge.f32 v2, $0.0e+00;
	[tilespmem:v10+s4+$0x0] =	vst.idx.msk $0xffff, v28  }
0x235: {  	v27 =	vor.u32 s10, v20;
	v36 =	vor.u32 s24, v20;
	v32 =	vsel vm0, v2, v32;
	[tilespmem:$0x1FF30] =	vst v48  }
0x236: {  	v40 =	vor.u32 s10, v15;
	v42 =	vor.u32 s2, v15;
	v47 =	vmul.f32 v37, v5;
	[tilespmem:v26+s4+$0x0] =	vst.idx.msk $0xffff, v32  }
0x237: {  	v44 =	vmul.f32 v31, v17;
	v46 =	vmul.f32 v31, v13;
	vm1 =	vge.f32 v37, $0.0e+00;
	v1 =	vld.idx.msk [tilespmem:v6+s3+$0x0], $0xffff;
	[tilespmem:$0x1FF40] =	vst v49  }
0x238: {  	v57 =	vor.u32 s24, v15;
	v31 =	vmul.f32 v31, v11;
	v37 =	vsel vm1, v37, v47;
	v0 =	vld.idx.msk [tilespmem:v30+s3+$0x0], $0xffff;
	[tilespmem:$0x1FF50] =	vst v50  }
0x239: {  	v12 =	vor.u32 v38, v43;
	v43 =	vmul.f32 v35, v17;
	[tilespmem:v3+s4+$0x0] =	vst.idx.msk $0xffff, v37;
	v3 =	vadd.s32 s12, v60  }
0x23a: {  	v4 =	vadd.s32 s12, v63;
	v53 =	vmul.f32 v24, v19;
	v54 =	vmul.f32 v23, v19;
	[tilespmem:$0x1FF60] =	vst v3  }
0x23b: {  	v2 =	vadd.s32 s12, v59;
	v55 =	vmul.f32 v25, v19;
	v56 =	vmul.f32 v29, v19;
	v3 =	vld.idx.msk [tilespmem:v27+s3+$0x0], $0xffff  }
0x23c: {  	v47 =	vor.u32 s2, v12;
	v48 =	vmul.f32 v33, v11;
	v33 =	vmul.f32 v33, v13;
	v30 =	vld.idx.msk [tilespmem:v36+s3+$0x0], $0xffff  }
0x23d: {  	v26 =	vadd.s32 s31, v63;
	v49 =	vmul.f32 v34, v11;
	v1 =	vadd.f32 v1, v39  }
0x23e: {  	v34 =	vmul.f32 v34, v13;
	v50 =	vor.u32 s24, v12;
	v0 =	vadd.f32 v0, v41  }
0x23f: {  	v27 =	vor.u32 s25, v15;
	v36 =	vadd.s32 s31, v59;
	v1 =	vadd.f32 v1, v53  }
0x240: {  	v53 =	vmul.f32 v35, v11;
	v0 =	vadd.f32 v0, v54;
	v3 =	vadd.f32 v3, v43  }
0x241: {  	v35 =	vmul.f32 v35, v13;
	v58 =	vmul.f32 v1, v5;
	v30 =	vadd.f32 v30, v44  }
0x242: {  	vm0 =	vge.f32 v1, $0.0e+00;
	v60 =	vmul.f32 v0, v5;
	v3 =	vadd.f32 v3, v55  }
0x243: {  	vm1 =	vge.f32 v0, $0.0e+00;
	v39 =	vsel vm0, v1, v58;
	v30 =	vadd.f32 v30, v56  }
0x244: {  	v41 =	vor.u32 s10, v12;
	[tilespmem:v26+s4+$0x0] =	vst.idx.msk $0xffff, v39;
	v0 =	vsel vm1, v0, v60;
	v45 =	vmul.f32 v3, v5  }
0x245: {  	v43 =	vadd.s32 s22, v59;
	v8 =	vld.idx.msk [tilespmem:v27+s3+$0x0], $0xffff;
	v61 =	vmul.f32 v30, v5;
	vm0 =	vge.f32 v3, $0.0e+00;
	[tilespmem:v52+s4+$0x0] =	vst.idx.msk $0xffff, v0  }
0x246: {  	s20 =	simm.s32 $0x4;
	v44 =	vadd.s32 s26, v59;
	vm1 =	vge.f32 v30, $0.0e+00;
	v42 =	vld.idx.msk [tilespmem:v42+s3+$0x0], $0xffff;
	v3 =	vsel vm0, v3, v45  }
0x247: {  	v58 =	vmul.f32 v25, v14;
	v26 =	vadd.s32 s20, v62;
	v1 =	vsel vm1, v30, v61;
	[tilespmem:v51+s4+$0x0] =	vst.idx.msk $0xffff, v3  }
0x248: {  	s22 =	simm.s32 $0x70;
	v56 =	vmul.f32 v24, v14;
	v24 =	vmul.f32 v24, v9;
	[tilespmem:v4+s4+$0x0] =	vst.idx.msk $0xffff, v1;
	v4 =	vld.idx.msk [tilespmem:v40+s3+$0x0], $0xffff  }
0x249: {  	s24 =	simm.s32 $0x50;
	v55 =	vor.u32 s22, v21;
	v27 =	vor.u32 s22, v20;
	v60 =	vmul.f32 v29, v14;
	v10 =	vld.idx.msk [tilespmem:v57+s3+$0x0], $0xffff  }
0x24a: {  	v29 =	vmul.f32 v29, v9;
	v52 =	vor.u32 s24, v21;
	v33 =	vadd.f32 v8, v33  }
0x24b: {  	s15 =	simm.s32 $0x7;
	v45 =	vor.u32 s25, v12;
	v57 =	vmul.f32 v23, v14;
	v34 =	vadd.f32 v42, v34  }
0x24c: {  	v30 =	vadd.s32 s15, v62;
	v23 =	vmul.f32 v23, v9;
	v33 =	vadd.f32 v33, v56  }
0x24d: {  	v56 =	vmul.f32 v37, v37;
	v34 =	vadd.f32 v34, v57;
	v4 =	vadd.f32 v4, v35  }
0x24e: {  	v61 =	vmul.f32 v33, v5;
	vm0 =	vge.f32 v33, $0.0e+00;
	v59 =	vadd.f32 v10, v46  }
0x24f: {  	v57 =	vmul.f32 v39, v39;
	v42 =	vmul.f32 v34, v5;
	v4 =	vadd.f32 v4, v58  }
0x250: {  	s10 =	simm.s32 $0x6;
	[tilespmem:$0x1FF70] =	vst v11;
	vm1 =	vge.f32 v34, $0.0e+00;
	v40 =	vsel vm0, v33, v61;
	v38 =	vadd.f32 v59, v60  }
0x251: {  	[tilespmem:v36+s4+$0x0] =	vst.idx.msk $0xffff, v40;
	v36 =	vadd.s32 s10, v62;
	v58 =	vmul.f32 v3, v3;
	v51 =	vmul.f32 v4, v5  }
0x252: {  	v46 =	vsel vm1, v34, v42;
	v34 =	vld.idx.msk [tilespmem:v45+s3+$0x0], $0xffff;
	v8 =	vmul.f32 v38, v5;
	vm0 =	vge.f32 v4, $0.0e+00  }
0x253: {  	v59 =	vmul.f32 v0, v0;
	vm1 =	vge.f32 v38, $0.0e+00;
	[tilespmem:v43+s4+$0x0] =	vst.idx.msk $0xffff, v46;
	v4 =	vsel vm0, v4, v51  }
0x254: {  	v45 =	vmul.f32 v40, v40;
	v10 =	vld.idx.msk [tilespmem:v47+s3+$0x0], $0xffff;
	v42 =	vsel vm1, v38, v8;
	[tilespmem:v44+s4+$0x0] =	vst.idx.msk $0xffff, v4  }
0x255: {  	s25 =	simm.s32 $0x60;
	v43 =	vimm.f32 $0.0e+00;
	v47 =	vmul.f32 v46, v46;
	v8 =	vmul.f32 v1, v1;
	[tilespmem:v2+s4+$0x0] =	vst.idx.msk $0xffff, v42  }
0x256: {  	v51 =	vor.u32 s25, v21;
	v1 =	vadd.f32 v1, v43;
	v2 =	vmul.f32 v25, v9;
	v25 =	vld.idx.msk [tilespmem:v41+s3+$0x0], $0xffff;
	[tilespmem:$0x1FF80] =	vst v9  }
0x257: {  	v38 =	vmul.f32 v32, v32;
	v44 =	vmul.f32 v28, v28;
	v34 =	vadd.f32 v34, v48;
	v11 =	vld.idx.msk [tilespmem:v50+s3+$0x0], $0xffff  }
0x258: {  	s2 =	simm.s32 $0x40;
	v41 =	vmul.f32 v22, v22;
	v9 =	vmul.f32 v4, v4;
	v1 =	vadd.f32 v3, v1  }
0x259: {  	v50 =	vor.u32 s2, v21;
	v33 =	vadd.f32 v10, v49;
	v49 =	vadd.f32 v34, v24  }
0x25a: {  	v10 =	vmul.f32 v42, v42;
	v24 =	vadd.f32 v37, v43;
	v0 =	vadd.f32 v0, v1  }
0x25b: {  	v61 =	vadd.f32 v33, v23;
	vm0 =	vge.f32 v49, $0.0e+00;
	v25 =	vadd.f32 v25, v53  }
0x25c: {  	v54 =	vmul.f32 v49, v5;
	v24 =	vadd.f32 v32, v24;
	v31 =	vadd.f32 v11, v31  }
0x25d: {  	vm1 =	vge.f32 v61, $0.0e+00;
	v2 =	vadd.f32 v25, v2;
	v25 =	vadd.f32 v56, v43  }
0x25e: {  	v11 =	vmul.f32 v61, v5;
	v23 =	vadd.f32 v31, v29;
	v29 =	vadd.f32 v8, v43  }
0x25f: {  	s28 =	simm.s32 $0x18060;
	v24 =	vadd.f32 v28, v24;
	v25 =	vadd.f32 v38, v25;
	vm2 =	vge.f32 v2, $0.0e+00  }
0x260: {  	v35 =	vld [tilespmem:s28+$0xFFFFFFF0];
	v3 =	vadd.f32 v58, v29;
	v29 =	vmul.f32 v2, v5;
	v31 =	vmul.f32 v23, v5  }
0x261: {  	v55 =	vld.idx.msk [tilespmem:v55+s3+$0x0], $0xffff;
	vm3 =	vge.f32 v23, $0.0e+00;
	v58 =	vadd.f32 v10, v43;
	v28 =	vadd.f32 v44, v25  }
0x262: {  	v34 =	vld [tilespmem:s28+$0x0];
	v25 =	vadd.f32 v22, v24;
	v44 =	vadd.f32 v59, v3;
	v38 =	vsel vm3, v23, v31  }
0x263: {  	v33 =	vld [tilespmem:s28+$0x10];
	v23 =	vadd.f32 v39, v0;
	v24 =	vadd.f32 v41, v28;
	v3 =	vmul.f32 v38, v38  }
0x264: {  	s30 =	sand.u32 $0x3E0, s25;
	v32 =	vld [tilespmem:s28+$0xFFFFFFE0];
	v37 =	vsel vm2, v2, v29;
	v59 =	vadd.f32 v38, v43;
	v22 =	vadd.f32 v57, v44  }
0x265: {  	s31 =	sand.u32 $0x3D0, s24;
	v29 =	vld [tilespmem:s30+$0x18400];
	v60 =	vmul.f32 v37, v37;
	v57 =	vadd.f32 v42, v43;
	v3 =	vadd.f32 v3, v43  }
0x266: {  	s26 =	sand.u32 $0x3F0, s22;
	v31 =	vld [tilespmem:s31+$0x18400];
	v39 =	vsel vm1, v61, v11;
	v44 =	vadd.f32 v9, v58;
	v48 =	vadd.f32 v37, v59  }
0x267: {  	p0 =	por p1, p1;
	s29 =	simm.s32 $0x8;
	v28 =	vld [tilespmem:s26+$0x18400];
	v53 =	vmul.f32 v39, v39;
	s26 =	simm.s32 $0x70;
	v41 =	vadd.f32 v4, v57;
	v43 =	vadd.f32 v60, v3  }
.LBB2_12:
0x268: {  	v6 =	vld [tilespmem:$0x1FF60];
	_ =	sdelay $0x4  }
0x269: {  	v2 =	vadd.f32 v47, v44  }
0x26a: {  	s0 =	sand.u32 $0x3C0, s2;
	v57 =	vld.idx.msk [tilespmem:v50+s3+$0x0], $0xffff  }
0x26b: {  	v44 =	vadd.f32 v45, v2;
	v45 =	vld [tilespmem:s0+$0x18400]  }
0x26c: {  	[tilespmem:v6+s4+$0x0] =	vst.idx.msk $0xffff, v38;
	v6 =	vld [tilespmem:$0x1FF30]  }
0x26d: {  	v0 =	vld.idx.msk [tilespmem:v51+s3+$0x0], $0xffff  }
0x26e: {  	v1 =	vadd.f32 v46, v41  }
0x26f: {  	s30 =	sadd.s32 $0x1, s20;
	v3 =	vsel vm0, v49, v54;
	v54 =	vadd.f32 v39, v48;
	v61 =	vmul.f32 v32, v18  }
0x270: {  	v42 =	vadd.f32 v53, v43;
	v49 =	vadd.s32 s30, v62;
	v59 =	vmul.f32 v34, v18  }
0x271: {  	v56 =	vmul.f32 v3, v3;
	v43 =	vadd.f32 v40, v1;
	v53 =	vadd.f32 v57, v61;
	v57 =	vld [tilespmem:$0x1FF50]  }
0x272: {  	v4 =	vld.idx.msk [tilespmem:v52+s3+$0x0], $0xffff;
	v58 =	vmul.f32 v33, v18;
	v51 =	vmul.f32 v29, v16;
	v0 =	vadd.f32 v0, v59  }
0x273: {  	v41 =	vadd.f32 v3, v54;
	v60 =	vmul.f32 v28, v16;
	v54 =	vmul.f32 v45, v16  }
0x274: {  	v46 =	vor.u32 s25, v20;
	v1 =	vadd.f32 v55, v58;
	v0 =	vadd.f32 v0, v51;
	[tilespmem:v6+s4+$0x0] =	vst.idx.msk $0xffff, v37;
	v6 =	vld [tilespmem:$0x1FF40]  }
0x275: {  	v42 =	vadd.f32 v56, v42;
	v10 =	vmul.f32 v35, v18;
	v47 =	vadd.f32 v53, v54  }
0x276: {  	v52 =	vmul.f32 v31, v16;
	v1 =	vadd.f32 v1, v60;
	v7 =	vmul.f32 v0, v5  }
0x277: {  	v4 =	vadd.f32 v4, v10;
	vm1 =	vge.f32 v0, $0.0e+00;
	v58 =	vmul.f32 v47, v5  }
0x278: {  	v56 =	vmul.f32 v1, v5;
	v38 =	vsel vm1, v0, v7;
	vm1 =	vge.f32 v47, $0.0e+00  }
0x279: {  	v4 =	vadd.f32 v4, v52;
	vm0 =	vge.f32 v1, $0.0e+00;
	[tilespmem:v57+s4+$0x0] =	vst.idx.msk $0xffff, v3;
	v3 =	vld [tilespmem:$0x1FFD0];
	v48 =	vsel vm1, v47, v58  }
0x27a: {  	v2 =	vor.u32 s24, v20;
	[tilespmem:v26+s4+$0x0] =	vst.idx.msk $0xffff, v48;
	v37 =	vsel vm0, v1, v56  }
0x27b: {  	v55 =	vor.u32 s2, v20;
	v8 =	vmul.f32 v4, v5;
	[tilespmem:v30+s4+$0x0] =	vst.idx.msk $0xffff, v37  }
0x27c: {  	v9 =	vmul.f32 v33, v17;
	vm0 =	vge.f32 v4, $0.0e+00;
	v60 =	vld.idx.msk [tilespmem:v27+s3+$0x0], $0xffff;
	[tilespmem:v6+s4+$0x0] =	vst.idx.msk $0xffff, v39  }
0x27d: {  	v50 =	vor.u32 s25, v15;
	v11 =	vmul.f32 v35, v17;
	v39 =	vsel vm0, v4, v8;
	[tilespmem:v36+s4+$0x0] =	vst.idx.msk $0xffff, v38  }
0x27e: {  	v10 =	vmul.f32 v34, v17;
	v51 =	vor.u32 s26, v12;
	v4 =	vadd.s32 s10, v3;
	[tilespmem:v49+s4+$0x0] =	vst.idx.msk $0xffff, v39;
	v61 =	vld.idx.msk [tilespmem:v46+s3+$0x0], $0xffff  }
0x27f: {  	v59 =	vadd.s32 s30, v3;
	[tilespmem:$0x1FF40] =	vst v4;
	v4 =	vadd.s32 s15, v3;
	v3 =	vadd.s32 s20, v3;
	v2 =	vld.idx.msk [tilespmem:v2+s3+$0x0], $0xffff  }
0x280: {  	v52 =	vor.u32 s24, v12;
	v57 =	vmul.f32 v32, v17;
	v58 =	vmul.f32 v29, v19;
	[tilespmem:$0x1FF60] =	vst v3;
	v3 =	vld.idx.msk [tilespmem:v55+s3+$0x0], $0xffff  }
0x281: {  	v26 =	vadd.s32 s15, v63;
	v56 =	vmul.f32 v28, v19;
	v0 =	vadd.f32 v60, v9  }
0x282: {  	v25 =	vadd.f32 v48, v25;
	v30 =	vadd.s32 s30, v63;
	v27 =	vor.u32 s22, v15  }
0x283: {  	[tilespmem:$0x1FF30] =	vst v59;
	v59 =	vmul.f32 v31, v19;
	v0 =	vadd.f32 v0, v56;
	v1 =	vadd.f32 v61, v10  }
0x284: {  	v60 =	vmul.f32 v45, v19;
	v36 =	vadd.s32 s10, v63;
	v2 =	vadd.f32 v2, v11  }
0x285: {  	v6 =	vld [tilespmem:$0x1FFC0];
	v3 =	vadd.f32 v3, v57;
	v61 =	vmul.f32 v0, v5;
	v1 =	vadd.f32 v1, v58  }
0x286: {  	v49 =	vor.u32 s2, v15;
	vm0 =	vge.f32 v0, $0.0e+00;
	v2 =	vadd.f32 v2, v59  }
0x287: {  	[tilespmem:$0x1FF50] =	vst v4;
	v3 =	vadd.f32 v3, v60;
	v53 =	vsel vm0, v0, v61;
	v8 =	vmul.f32 v1, v5  }
0x288: {  	v4 =	vadd.s32 s20, v63;
	v46 =	vor.u32 s24, v15;
	[tilespmem:v26+s4+$0x0] =	vst.idx.msk $0xffff, v53;
	vm1 =	vge.f32 v1, $0.0e+00  }
0x289: {  	v9 =	vmul.f32 v2, v5;
	v10 =	vmul.f32 v3, v5;
	v55 =	vsel vm1, v1, v8  }
0x28a: {  	v47 =	vadd.s32 s20, v6;
	vm0 =	vge.f32 v2, $0.0e+00;
	v11 =	vld.idx.msk [tilespmem:v27+s3+$0x0], $0xffff;
	vm1 =	vge.f32 v3, $0.0e+00;
	[tilespmem:v36+s4+$0x0] =	vst.idx.msk $0xffff, v55  }
0x28b: {  	v61 =	vmul.f32 v33, v13;
	v56 =	vsel vm0, v2, v9;
	v0 =	vsel vm1, v3, v10;
	v60 =	vld.idx.msk [tilespmem:v50+s3+$0x0], $0xffff  }
0x28c: {  	v3 =	vadd.s32 s10, v6;
	v36 =	vadd.s32 s15, v6;
	v50 =	vadd.s32 s30, v6;
	v6 =	vld [tilespmem:$0x1FF70]  }
0x28d: {  	v58 =	vor.u32 s2, v12;
	v26 =	vadd.s32 s29, v62;
	v8 =	vmul.f32 v34, v13;
	[tilespmem:v30+s4+$0x0] =	vst.idx.msk $0xffff, v56  }
0x28e: {  	v9 =	vmul.f32 v35, v13;
	s15 =	sadd.s32 $0x3, s29;
	v10 =	vmul.f32 v28, v14;
	[tilespmem:v4+s4+$0x0] =	vst.idx.msk $0xffff, v0;
	v4 =	vld.idx.msk [tilespmem:v46+s3+$0x0], $0xffff  }
0x28f: {  	v7 =	vmul.f32 v56, v56;
	v30 =	vadd.s32 s15, v62;
	v40 =	vld.idx.msk [tilespmem:v49+s3+$0x0], $0xffff;
	v1 =	vadd.f32 v11, v61  }
0x290: {  	v49 =	vor.u32 s25, v12;
	v11 =	vmul.f32 v32, v13;
	v61 =	vmul.f32 v31, v14  }
0x291: {  	v1 =	vadd.f32 v1, v10;
	v54 =	vmul.f32 v33, v6;
	v57 =	vmul.f32 v34, v6  }
0x292: {  	v59 =	vmul.f32 v35, v6;
	v2 =	vadd.f32 v60, v8;
	v60 =	vmul.f32 v29, v14  }
0x293: {  	v4 =	vadd.f32 v4, v9;
	v9 =	vmul.f32 v45, v14;
	v10 =	vmul.f32 v1, v5  }
0x294: {  	v32 =	vmul.f32 v32, v6;
	vm0 =	vge.f32 v1, $0.0e+00;
	v8 =	vadd.f32 v40, v11  }
0x295: {  	v2 =	vadd.f32 v2, v60;
	v4 =	vadd.f32 v4, v61;
	v40 =	vsel vm0, v1, v10  }
0x296: {  	s10 =	sadd.s32 $0x2, s29;
	v6 =	vld [tilespmem:$0x1FF80];
	v61 =	vmul.f32 v39, v39;
	v10 =	vmul.f32 v0, v0;
	v0 =	vadd.f32 v0, v23  }
0x297: {  	v33 =	vadd.f32 v8, v9;
	[tilespmem:v36+s4+$0x0] =	vst.idx.msk $0xffff, v40;
	v36 =	vadd.s32 s10, v62;
	v8 =	vmul.f32 v55, v55  }
0x298: {  	v11 =	vmul.f32 v2, v5;
	v60 =	vmul.f32 v4, v5;
	vm1 =	vge.f32 v2, $0.0e+00  }
0x299: {  	vm0 =	vge.f32 v4, $0.0e+00;
	v9 =	vmovc v62;
	v62 =	vmul.f32 v38, v38;
	v10 =	vadd.f32 v10, v22  }
0x29a: {  	v22 =	vadd.f32 v39, v25;
	v0 =	vadd.f32 v56, v0;
	v34 =	vmul.f32 v33, v5  }
0x29b: {  	v28 =	vmul.f32 v28, v6;
	v31 =	vmul.f32 v31, v6;
	v46 =	vsel vm1, v2, v11  }
0x29c: {  	v29 =	vmul.f32 v29, v6;
	vm1 =	vge.f32 v33, $0.0e+00;
	v2 =	vsel vm0, v4, v60;
	[tilespmem:v3+s4+$0x0] =	vst.idx.msk $0xffff, v46  }
0x29d: {  	v35 =	vmul.f32 v45, v6;
	v3 =	vld.idx.msk [tilespmem:v51+s3+$0x0], $0xffff;
	v1 =	vsel vm1, v33, v34;
	[tilespmem:v50+s4+$0x0] =	vst.idx.msk $0xffff, v2  }
0x29e: {  	s22 =	sadd.s32 $0x40, s22;
	v6 =	vmul.f32 v53, v53;
	v7 =	vadd.f32 v7, v10;
	[tilespmem:v47+s4+$0x0] =	vst.idx.msk $0xffff, v1;
	v33 =	vld.idx.msk [tilespmem:v52+s3+$0x0], $0xffff  }
0x29f: {  	v27 =	vor.u32 s22, v20;
	v45 =	vmul.f32 v40, v40;
	v11 =	vmovc v63;
	v63 =	vmul.f32 v48, v48;
	v34 =	vld.idx.msk [tilespmem:v58+s3+$0x0], $0xffff  }
0x2a0: {  	s25 =	sadd.s32 $0xFFFFFFF0, s22;
	v60 =	vor.u32 s22, v21;
	v22 =	vadd.f32 v38, v22;
	v4 =	vld.idx.msk [tilespmem:v49+s3+$0x0], $0xffff;
	v7 =	vadd.f32 v8, v7  }
0x2a1: {  	s2 =	sadd.s32 $0xFFFFFFD0, s22;
	v0 =	vadd.f32 v55, v0;
	v51 =	vor.u32 s25, v21;
	v24 =	vadd.f32 v63, v24  }
0x2a2: {  	s24 =	sadd.s32 $0xFFFFFFE0, s22;
	v50 =	vor.u32 s2, v21;
	v25 =	vadd.f32 v37, v22;
	v22 =	vadd.f32 v6, v7  }
0x2a3: {  	v52 =	vor.u32 s24, v21;
	v3 =	vadd.f32 v3, v54;
	v23 =	vadd.f32 v61, v24  }
0x2a4: {  	v47 =	vmul.f32 v46, v46;
	v33 =	vadd.f32 v33, v59;
	v32 =	vadd.f32 v34, v32  }
0x2a5: {  	v58 =	vmul.f32 v37, v37;
	v4 =	vadd.f32 v4, v57;
	v59 =	vadd.f32 v1, v43  }
0x2a6: {  	v57 =	vmul.f32 v2, v2;
	v49 =	vadd.f32 v3, v28;
	v28 =	vadd.f32 v32, v35  }
0x2a7: {  	v3 =	vmul.f32 v1, v1;
	v23 =	vadd.f32 v62, v23;
	v31 =	vadd.f32 v33, v31  }
0x2a8: {  	s28 =	sadd.s32 $0x40, s28;
	v55 =	vld.idx.msk [tilespmem:v60+s3+$0x0], $0xffff;
	v4 =	vadd.f32 v4, v29;
	vm0 =	vge.f32 v49, $0.0e+00;
	v24 =	vmul.f32 v28, v5  }
0x2a9: {  	v34 =	vld [tilespmem:s28+$0x0];
	v54 =	vmul.f32 v49, v5;
	v61 =	vadd.f32 v3, v44;
	vm3 =	vge.f32 v28, $0.0e+00  }
0x2aa: {  	p1 =	slt.u32 s29, $0x3C;
	s17 =	sand.u32 $0x3E0, s25;
	v33 =	vld [tilespmem:s28+$0x10];
	vm1 =	vge.f32 v4, $0.0e+00;
	v56 =	vmul.f32 v31, v5;
	v38 =	vsel vm3, v28, v24  }
.Ltmp4:
0x2ab: {  	v29 =	vld [tilespmem:s17+$0x18400];
	vm2 =	vge.f32 v31, $0.0e+00;
	v24 =	vadd.f32 v58, v23;
	v58 =	vmul.f32 v38, v38;
	(pc) =	sbr.rel @p1 .LBB2_12-.Ltmp4, $4  }
0x2ac: {  	v35 =	vld [tilespmem:s28+$0xFFFFFFF0];
	v48 =	vmul.f32 v4, v5;
	v44 =	vadd.f32 v57, v61;
	v37 =	vsel vm2, v31, v56  }
0x2ad: {  	s31 =	sand.u32 $0x3F0, s22;
	v32 =	vld [tilespmem:s28+$0xFFFFFFE0];
	v7 =	vmul.f32 v37, v37;
	v3 =	vadd.f32 v38, v41;
	v6 =	vadd.f32 v58, v42  }
0x2ae: {  	v63 =	vmovc v11;
	v39 =	vsel vm1, v4, v48;
	v23 =	vadd.f32 v53, v0;
	v28 =	vld [tilespmem:s31+$0x18400];
	s31 =	sand.u32 $0x3D0, s24;
	v41 =	vadd.f32 v2, v59  }
0x2af: {  	s26 =	smov.u32 s22;
	s20 =	smov.u32 s29;
	s29 =	sadd.s32 $0x4, s29;
	v62 =	vmovc v9;
	v53 =	vmul.f32 v39, v39;
	v31 =	vld [tilespmem:s31+$0x18400];
	v48 =	vadd.f32 v37, v3;
	v43 =	vadd.f32 v7, v6  }
0x2b0: {  	_ =	sdelay $0x3  }
0x2b1: {  	v0 =	vld.idx.msk [tilespmem:v51+s3+$0x0], $0xffff  }
0x2b2: {  	v1 =	vld.idx.msk [tilespmem:v52+s3+$0x0], $0xffff  }
0x2b3: {  	v2 =	vmul.f32 v33, v18;
	s0 =	sand.u32 $0x3C0, s2;
	v4 =	vld.idx.msk [tilespmem:v50+s3+$0x0], $0xffff  }
0x2b4: {  	s28 =	sadd.s32 $0x1, s20;
	v3 =	vadd.f32 v46, v41;
	v7 =	vmul.f32 v34, v18;
	v57 =	vor.u32 s2, v20;
	v41 =	vld [tilespmem:s0+$0x18400]  }
0x2b5: {  	v59 =	vmul.f32 v34, v17;
	v6 =	vadd.s32 s28, v62;
	v8 =	vmul.f32 v35, v18  }
0x2b6: {  	v2 =	vadd.f32 v55, v2;
	v18 =	vmul.f32 v32, v18;
	v10 =	vmul.f32 v28, v16  }
0x2b7: {  	v0 =	vadd.f32 v0, v7;
	v7 =	vmul.f32 v29, v16;
	v1 =	vadd.f32 v1, v8  }
0x2b8: {  	v8 =	vmul.f32 v31, v16;
	v2 =	vadd.f32 v2, v10;
	v10 =	vor.u32 s24, v20  }
0x2b9: {  	v4 =	vadd.f32 v4, v18;
	v16 =	vmul.f32 v41, v16;
	v0 =	vadd.f32 v0, v7  }
0x2ba: {  	v7 =	vor.u32 s25, v20;
	v1 =	vadd.f32 v1, v8;
	v8 =	vmul.f32 v2, v5  }
0x2bb: {  	vm1 =	vge.f32 v2, $0.0e+00;
	v4 =	vadd.f32 v4, v16;
	v18 =	vmul.f32 v0, v5  }
0x2bc: {  	v21 =	vsel vm1, v2, v8;
	v56 =	vmul.f32 v1, v5;
	vm14 =	vge.f32 v0, $0.0e+00  }
0x2bd: {  	vm15 =	vge.f32 v1, $0.0e+00;
	[tilespmem:v30+s4+$0x0] =	vst.idx.msk $0xffff, v21;
	v20 =	vmul.f32 v4, v5;
	v42 =	vsel vm14, v0, v18  }
0x2be: {  	vm4 =	vge.f32 v4, $0.0e+00;
	v0 =	vsel vm15, v1, v56;
	v58 =	vld.idx.msk [tilespmem:v27+s3+$0x0], $0xffff;
	[tilespmem:v36+s4+$0x0] =	vst.idx.msk $0xffff, v42  }
0x2bf: {  	v18 =	vadd.f32 v40, v3;
	[tilespmem:v6+s4+$0x0] =	vst.idx.msk $0xffff, v0;
	v3 =	vsel vm4, v4, v20;
	v6 =	vld.idx.msk [tilespmem:v7+s3+$0x0], $0xffff  }
0x2c0: {  	v52 =	vor.u32 s2, v15;
	v60 =	vmul.f32 v35, v17;
	v10 =	vld.idx.msk [tilespmem:v10+s3+$0x0], $0xffff;
	[tilespmem:v26+s4+$0x0] =	vst.idx.msk $0xffff, v3  }
0x2c1: {  	v61 =	vadd.s32 s28, v63;
	v16 =	vsel vm0, v49, v54;
	v26 =	vmul.f32 v33, v17;
	v1 =	vld.idx.msk [tilespmem:v57+s3+$0x0], $0xffff  }
0x2c2: {  	v49 =	vmul.f32 v31, v19;
	v8 =	vadd.f32 v47, v44;
	v47 =	vmul.f32 v29, v19  }
0x2c3: {  	v30 =	vor.u32 s22, v15;
	v2 =	vadd.f32 v58, v26;
	v26 =	vmul.f32 v28, v19  }
0x2c4: {  	v4 =	vadd.s32 s20, v63;
	v7 =	vadd.f32 v39, v48;
	v17 =	vmul.f32 v32, v17  }
0x2c5: {  	v20 =	vadd.s32 s15, v63;
	v6 =	vadd.f32 v6, v59;
	v2 =	vadd.f32 v2, v26  }
0x2c6: {  	v48 =	vadd.s32 s10, v63;
	v10 =	vadd.f32 v10, v60;
	v1 =	vadd.f32 v1, v17  }
0x2c7: {  	v17 =	vmul.f32 v41, v19;
	v6 =	vadd.f32 v6, v47;
	v19 =	vmul.f32 v2, v5  }
0x2c8: {  	v26 =	vor.u32 s25, v15;
	v10 =	vadd.f32 v10, v49;
	vm5 =	vge.f32 v2, $0.0e+00  }
0x2c9: {  	v1 =	vadd.f32 v1, v17;
	v50 =	vmul.f32 v6, v5;
	v2 =	vsel vm5, v2, v19  }
0x2ca: {  	v19 =	vor.u32 s24, v15;
	vm6 =	vge.f32 v6, $0.0e+00;
	v17 =	vmul.f32 v10, v5  }
0x2cb: {  	vm7 =	vge.f32 v10, $0.0e+00;
	[tilespmem:v20+s4+$0x0] =	vst.idx.msk $0xffff, v2;
	v15 =	vmul.f32 v1, v5;
	v6 =	vsel vm6, v6, v50  }
0x2cc: {  	vm8 =	vge.f32 v1, $0.0e+00;
	v10 =	vsel vm7, v10, v17;
	v20 =	vld.idx.msk [tilespmem:v30+s3+$0x0], $0xffff;
	[tilespmem:v48+s4+$0x0] =	vst.idx.msk $0xffff, v6  }
0x2cd: {  	[tilespmem:v61+s4+$0x0] =	vst.idx.msk $0xffff, v10;
	v1 =	vsel vm8, v1, v15;
	v26 =	vld.idx.msk [tilespmem:v26+s3+$0x0], $0xffff  }
0x2ce: {  	v60 =	vld [tilespmem:$0x1FFD0];
	[tilespmem:v4+s4+$0x0] =	vst.idx.msk $0xffff, v1  }
0x2cf: {  	v51 =	vmul.f32 v16, v16;
	v27 =	vadd.f32 v53, v43;
	v59 =	vld [tilespmem:$0x1FFC0]  }
0x2d0: {  	v55 =	vmul.f32 v34, v13;
	v4 =	vmul.f32 v33, v13;
	v54 =	vld.idx.msk [tilespmem:v52+s3+$0x0], $0xffff  }
0x2d1: {  	v56 =	vmul.f32 v35, v13;
	v27 =	vadd.f32 v51, v27;
	v58 =	vmul.f32 v29, v14  }
0x2d2: {  	v61 =	vmul.f32 v31, v14;
	v4 =	vadd.f32 v20, v4;
	v20 =	vmul.f32 v28, v14  }
0x2d3: {  	v13 =	vmul.f32 v32, v13;
	v14 =	vmul.f32 v41, v14;
	v26 =	vadd.f32 v26, v55  }
0x2d4: {  	v9 =	vld [tilespmem:$0x1FF70];
	v4 =	vadd.f32 v4, v20;
	v20 =	vor.u32 s26, v12;
	v53 =	vadd.s32 s15, v59  }
0x2d5: {  	v30 =	vadd.s32 s10, v59;
	v13 =	vadd.f32 v54, v13;
	v26 =	vadd.f32 v26, v58  }
0x2d6: {  	v51 =	vor.u32 s24, v12;
	v48 =	vor.u32 s25, v12;
	v50 =	vmul.f32 v4, v5  }
0x2d7: {  	vm9 =	vge.f32 v4, $0.0e+00;
	v13 =	vadd.f32 v13, v14;
	v14 =	vmul.f32 v26, v5  }
0x2d8: {  	v19 =	vld.idx.msk [tilespmem:v19+s3+$0x0], $0xffff;
	v12 =	vor.u32 s2, v12;
	v4 =	vsel vm9, v4, v50;
	vm10 =	vge.f32 v26, $0.0e+00  }
0x2d9: {  	v33 =	vmul.f32 v33, v9;
	v14 =	vsel vm10, v26, v14;
	v26 =	vadd.s32 s20, v59;
	[tilespmem:v53+s4+$0x0] =	vst.idx.msk $0xffff, v4  }
0x2da: {  	v34 =	vmul.f32 v34, v9;
	v49 =	vmul.f32 v35, v9;
	[tilespmem:v30+s4+$0x0] =	vst.idx.msk $0xffff, v14;
	v20 =	vld.idx.msk [tilespmem:v20+s3+$0x0], $0xffff  }
0x2db: {  	v11 =	vmul.f32 v32, v9;
	v52 =	vmul.f32 v13, v5;
	v9 =	vld [tilespmem:$0x1FF80]  }
0x2dc: {  	vm12 =	vge.f32 v13, $0.0e+00  }
0x2dd: {  	v19 =	vadd.f32 v19, v56;
	v13 =	vsel vm12, v13, v52  }
0x2de: {  	[tilespmem:v26+s4+$0x0] =	vst.idx.msk $0xffff, v13  }
0x2df: {  	v19 =	vadd.f32 v19, v61;
	v12 =	vld.idx.msk [tilespmem:v12+s3+$0x0], $0xffff  }
0x2e0: {  	v57 =	vadd.s32 s28, v59;
	v20 =	vadd.f32 v20, v33;
	v28 =	vmul.f32 v28, v9  }
0x2e1: {  	v8 =	vadd.f32 v45, v8;
	v40 =	vmul.f32 v19, v5  }
0x2e2: {  	vm11 =	vge.f32 v19, $0.0e+00;
	v20 =	vadd.f32 v20, v28;
	v28 =	vmul.f32 v13, v13  }
0x2e3: {  	v19 =	vsel vm11, v19, v40  }
0x2e4: {  	v11 =	vadd.f32 v12, v11;
	v12 =	vmul.f32 v19, v19;
	v8 =	vadd.f32 v28, v8  }
0x2e5: {  	[tilespmem:v57+s4+$0x0] =	vst.idx.msk $0xffff, v19  }
0x2e6: {  	v8 =	vadd.f32 v12, v8;
	v12 =	vld [tilespmem:$0x1FF60];
	_ =	sdelay $0x4  }
0x2e7: {  	v13 =	vadd.f32 v13, v18;
	_ =	sdelay $0x1  }
0x2e8: {  	v13 =	vadd.f32 v19, v13  }
0x2e9: {  	v55 =	vmul.f32 v3, v3;
	[tilespmem:v12+s4+$0x0] =	vst.idx.msk $0xffff, v38  }
0x2ea: {  	v3 =	vadd.f32 v3, v25;
	v45 =	vmul.f32 v14, v14;
	v13 =	vadd.f32 v14, v13;
	v14 =	vld [tilespmem:$0x1FF30]  }
0x2eb: {  	v7 =	vadd.f32 v16, v7;
	v17 =	vadd.s32 s28, v60;
	v15 =	vadd.s32 s10, v60  }
0x2ec: {  	v24 =	vadd.f32 v55, v24;
	v26 =	vmul.f32 v0, v0;
	v0 =	vadd.f32 v0, v3  }
0x2ed: {  	v25 =	vadd.s32 s20, v60;
	v61 =	vmul.f32 v1, v1;
	v1 =	vadd.f32 v1, v23  }
0x2ee: {  	v56 =	vmul.f32 v42, v42;
	v24 =	vadd.f32 v26, v24;
	v0 =	vadd.f32 v42, v0  }
0x2ef: {  	v54 =	vmul.f32 v21, v21;
	v22 =	vadd.f32 v61, v22;
	v1 =	vadd.f32 v10, v1  }
0x2f0: {  	v58 =	vmul.f32 v6, v6;
	v32 =	vld.idx.msk [tilespmem:v51+s3+$0x0], $0xffff;
	v24 =	vadd.f32 v56, v24;
	v0 =	vadd.f32 v21, v0  }
0x2f1: {  	v1 =	vadd.f32 v6, v1;
	v30 =	vmul.f32 v31, v9;
	v29 =	vmul.f32 v29, v9  }
0x2f2: {  	v9 =	vmul.f32 v41, v9;
	v24 =	vadd.f32 v54, v24;
	v0 =	vmul.f32 $1.562500000e-02, v0;
	[tilespmem:v14+s4+$0x0] =	vst.idx.msk $0xffff, v37  }
0x2f3: {  	v53 =	vadd.s32 s15, v60;
	v1 =	vadd.f32 v2, v1;
	v3 =	vmul.f32 v10, v10;
	v14 =	vld [tilespmem:$0x1FF40]  }
0x2f4: {  	v31 =	vld.idx.msk [tilespmem:v48+s3+$0x0], $0xffff;
	v9 =	vadd.f32 v11, v9;
	v11 =	vmul.f32 $1.562500000e-02, v24;
	v23 =	vmul.f32 v0, v0  }
0x2f5: {  	v57 =	vmul.f32 v2, v2;
	v3 =	vadd.f32 v3, v22;
	v32 =	vadd.f32 v32, v49  }
0x2f6: {  	v1 =	vmul.f32 $1.562500000e-02, v1;
	v26 =	vmul.f32 v4, v4;
	v11 =	vsub.f32 v11, v23  }
0x2f7: {  	v3 =	vadd.f32 v58, v3;
	v21 =	vadd.f32 v32, v30;
	vm13 =	vge.f32 v20, $0.0e+00  }
0x2f8: {  	v10 =	vmul.f32 v20, v5;
	v22 =	vmul.f32 v9, v5;
	v11 =	vadd.f32 $9.999999740e-06, v11  }
0x2f9: {  	v3 =	vadd.f32 v57, v3;
	v31 =	vadd.f32 v31, v34;
	vm2 =	vge.f32 v9, $0.0e+00  }
0x2fa: {  	v46 =	vsel vm2, v9, v22;
	v9 =	vshrl.u32 v11, $0x1;
	v11 =	vmul.f32 $5.000000000e-01, v11  }
0x2fb: {  	vm14 =	vge.f32 v21, $0.0e+00;
	v6 =	vmul.f32 v21, v5;
	v9 =	vsub.s32 $0x5F3759DF, v9;
	[tilespmem:v14+s4+$0x0] =	vst.idx.msk $0xffff, v39  }
0x2fc: {  	v3 =	vmul.f32 $1.562500000e-02, v3;
	v10 =	vsel vm13, v20, v10;
	v18 =	vmul.f32 v9, v11;
	v14 =	vld [tilespmem:$0x1FF50]  }
0x2fd: {  	v29 =	vadd.f32 v31, v29;
	v23 =	vmul.f32 v1, v1;
	v8 =	vadd.f32 v45, v8  }
0x2fe: {  	v4 =	vadd.f32 v4, v13;
	v22 =	vmul.f32 v46, v46;
	v18 =	vmul.f32 v9, v18  }
0x2ff: {  	v6 =	vsel vm14, v21, v6;
	v3 =	vsub.f32 v3, v23;
	v7 =	vadd.f32 v46, v7  }
0x300: {  	v19 =	vmul.f32 v6, v6;
	v21 =	vadd.f32 v22, v27;
	v12 =	vsub.f32 $1.500000000e+00, v18  }
0x301: {  	v24 =	vmul.f32 v29, v5;
	vm15 =	vge.f32 v29, $0.0e+00;
	v3 =	vadd.f32 $9.999999740e-06, v3  }
0x302: {  	v7 =	vadd.f32 v6, v7;
	v19 =	vadd.f32 v19, v21;
	v9 =	vmul.f32 v9, v12  }
0x303: {  	s28 =	simm.s32 $0x3;
	v18 =	vsel vm15, v29, v24;
	v12 =	vshrl.u32 v3, $0x1;
	v3 =	vmul.f32 $5.000000000e-01, v3  }
0x304: {  	v12 =	vsub.s32 $0x5F3759DF, v12;
	v11 =	vmul.f32 v9, v11;
	[tilespmem:v14+s4+$0x0] =	vst.idx.msk $0xffff, v16;
	v16 =	vadd.s32 s28, v62  }
0x305: {  	v13 =	vmul.f32 v18, v18;
	[tilespmem:v25+s4+$0x0] =	vst.idx.msk $0xffff, v46;
	v14 =	vmul.f32 v12, v3  }
0x306: {  	s22 =	simm.s32 $0x1;
	s24 =	simm.s32 $0x2;
	v47 =	vmul.f32 v11, v9;
	v11 =	vadd.f32 v26, v8;
	v8 =	vmul.f32 $1.562500000e-02, v4;
	[tilespmem:v17+s4+$0x0] =	vst.idx.msk $0xffff, v6  }
0x307: {  	v4 =	vadd.s32 s24, v62;
	v17 =	vadd.s32 s22, v62;
	[tilespmem:v15+s4+$0x0] =	vst.idx.msk $0xffff, v18;
	v6 =	vmul.f32 v12, v14  }
0x308: {  	v2 =	vsub.f32 $1.500000000e+00, v47;
	v11 =	vmul.f32 $1.562500000e-02, v11;
	[tilespmem:v53+s4+$0x0] =	vst.idx.msk $0xffff, v10;
	v14 =	vmul.f32 v8, v8  }
0x309: {  	s15 =	simm.s32 $0x30;
	v7 =	vadd.f32 v18, v7;
	v6 =	vsub.f32 $1.500000000e+00, v6;
	v18 =	vld.idx.msk [tilespmem:v16+s4+$0x0], $0xffff  }
0x30a: {  	s0 =	sand.u32 $0x3F0, s15;
	v13 =	vadd.f32 v13, v19;
	v19 =	vmul.f32 v2, v9;
	v9 =	vsub.f32 v11, v14  }
0x30b: {  	s25 =	simm.s32 $0x0;
	v7 =	vadd.f32 v10, v7;
	v42 =	vld [tilespmem:s0+$0x18800];
	v48 =	vmul.f32 v12, v6;
	v6 =	vmul.f32 v10, v10  }
0x30c: {  	v0 =	vmul.f32 v19, v0;
	v15 =	vadd.s32 s25, v62;
	v10 =	vld.idx.msk [tilespmem:v17+s4+$0x0], $0xffff;
	v9 =	vadd.f32 $9.999999740e-06, v9  }
0x30d: {  	s20 =	simm.s32 $0x20;
	v11 =	vld.idx.msk [tilespmem:v4+s4+$0x0], $0xffff;
	v12 =	vmul.f32 $1.562500000e-02, v7;
	v3 =	vmul.f32 v48, v3;
	v6 =	vadd.f32 v6, v13  }
0x30e: {  	s17 =	simm.s32 $0x10;
	s26 =	sand.u32 $0x3E0, s20;
	v23 =	vsub.f32 $0.0e+00, v0;
	v13 =	vld [tilespmem:s0+$0x18C00];
	v22 =	vmul.f32 $5.000000000e-01, v9;
	v7 =	vmul.f32 v18, v19  }
0x30f: {  	s2 =	sand.u32 $0x3D0, s17;
	v14 =	vshrl.u32 v9, $0x1;
	v9 =	vld [tilespmem:s26+$0x18800];
	v6 =	vmul.f32 $1.562500000e-02, v6;
	v18 =	vmul.f32 v12, v12  }
0x310: {  	v24 =	vadd.s32 s28, v63;
	v20 =	vsub.s32 $0x5F3759DF, v14;
	v14 =	vld [tilespmem:s2+$0x18800];
	v49 =	vmul.f32 v3, v48  }
0x311: {  	v3 =	vld.idx.msk [tilespmem:v15+s4+$0x0], $0xffff;
	v10 =	vmul.f32 v10, v19;
	v7 =	vadd.f32 v7, v23;
	v6 =	vsub.f32 v6, v18  }
0x312: {  	v26 =	vld [tilespmem:s2+$0x18C00];
	v21 =	vmul.f32 v20, v22;
	v0 =	vsub.f32 $1.500000000e+00, v49;
	v18 =	vmul.f32 v11, v19  }
0x313: {  	v25 =	vadd.f32 v10, v23;
	v10 =	vld [tilespmem:s26+$0x18C00];
	v7 =	vmul.f32 v7, v42;
	v6 =	vadd.f32 $9.999999740e-06, v6  }
0x314: {  	s30 =	simm.s32 $0x0;
	v11 =	vmul.f32 v0, v48;
	v50 =	vadd.f32 v18, v23;
	v18 =	vmul.f32 v20, v21  }
0x315: {  	s0 =	sand.u32 $0x3C0, s30;
	v21 =	vmul.f32 v25, v14;
	v25 =	vadd.s32 s22, v63;
	v51 =	vadd.f32 v7, v13  }
0x316: {  	v52 =	vadd.s32 s24, v63;
	v3 =	vmul.f32 v3, v19;
	v7 =	vld [tilespmem:s0+$0x18800];
	v0 =	vmul.f32 v50, v9  }
0x317: {  	v27 =	vshrl.u32 v6, $0x1;
	v21 =	vadd.f32 v21, v26;
	[tilespmem:v16+s4+$0x0] =	vst.idx.msk $0xffff, v51;
	v16 =	vmul.f32 $5.000000000e-01, v6;
	v6 =	vld [tilespmem:s0+$0x18C00]  }
0x318: {  	v18 =	vsub.f32 $1.500000000e+00, v18;
	v0 =	vadd.f32 v0, v10;
	v28 =	vld.idx.msk [tilespmem:v24+s4+$0x0], $0xffff  }
0x319: {  	v1 =	vmul.f32 v11, v1;
	v27 =	vsub.s32 $0x5F3759DF, v27;
	v3 =	vadd.f32 v3, v23;
	[tilespmem:v17+s4+$0x0] =	vst.idx.msk $0xffff, v21  }
0x31a: {  	v17 =	vmul.f32 v20, v18;
	v29 =	vmul.f32 v27, v16;
	v18 =	vld.idx.msk [tilespmem:v25+s4+$0x0], $0xffff;
	[tilespmem:v4+s4+$0x0] =	vst.idx.msk $0xffff, v0  }
0x31b: {  	v30 =	vadd.s32 s28, v59;
	v3 =	vmul.f32 v3, v7;
	v20 =	vld.idx.msk [tilespmem:v52+s4+$0x0], $0xffff  }
0x31c: {  	v21 =	vsub.f32 $0.0e+00, v1;
	v4 =	vadd.s32 s25, v63;
	v53 =	vmul.f32 v27, v29  }
0x31d: {  	s20 =	simm.s32 $0x7;
	s2 =	simm.s32 $0x4;
	v54 =	vmul.f32 v17, v22;
	v3 =	vadd.f32 v3, v6;
	v22 =	vmul.f32 v28, v11  }
0x31e: {  	s10 =	simm.s32 $0x5;
	v31 =	vadd.s32 s20, v62;
	v29 =	vadd.s32 s2, v62;
	v0 =	vsub.f32 $1.500000000e+00, v53  }
0x31f: {  	[tilespmem:v15+s4+$0x0] =	vst.idx.msk $0xffff, v3;
	v3 =	vadd.s32 s10, v62;
	v15 =	vmul.f32 v18, v11;
	v22 =	vadd.f32 v22, v21  }
0x320: {  	v38 =	vadd.s32 s22, v59;
	v0 =	vmul.f32 v27, v0;
	v20 =	vmul.f32 v20, v11  }
0x321: {  	s15 =	simm.s32 $0x6;
	v1 =	vmul.f32 v54, v17;
	v18 =	vld.idx.msk [tilespmem:v4+s4+$0x0], $0xffff;
	v15 =	vadd.f32 v15, v21;
	v22 =	vmul.f32 v22, v42  }
0x322: {  	v37 =	vadd.s32 s15, v62;
	v16 =	vmul.f32 v0, v16;
	v20 =	vadd.f32 v20, v21  }
0x323: {  	v1 =	vsub.f32 $1.500000000e+00, v1;
	v28 =	vld.idx.msk [tilespmem:v29+s4+$0x0], $0xffff;
	v15 =	vmul.f32 v15, v14;
	v22 =	vadd.f32 v22, v13  }
0x324: {  	v39 =	vadd.s32 s24, v59;
	v27 =	vmul.f32 v16, v0;
	v55 =	vld.idx.msk [tilespmem:v3+s4+$0x0], $0xffff;
	v20 =	vmul.f32 v20, v9  }
0x325: {  	v16 =	vmul.f32 v1, v17;
	v17 =	vld.idx.msk [tilespmem:v31+s4+$0x0], $0xffff;
	v15 =	vadd.f32 v15, v26;
	[tilespmem:v24+s4+$0x0] =	vst.idx.msk $0xffff, v22  }
0x326: {  	v18 =	vmul.f32 v18, v11;
	v20 =	vadd.f32 v20, v10;
	v22 =	vld.idx.msk [tilespmem:v30+s4+$0x0], $0xffff  }
0x327: {  	v56 =	vsub.f32 $1.500000000e+00, v27;
	v24 =	vld.idx.msk [tilespmem:v37+s4+$0x0], $0xffff;
	[tilespmem:v25+s4+$0x0] =	vst.idx.msk $0xffff, v15  }
0x328: {  	v43 =	vadd.s32 s10, v63;
	v40 =	vadd.s32 s15, v63;
	v18 =	vadd.f32 v18, v21;
	v57 =	vld.idx.msk [tilespmem:v38+s4+$0x0], $0xffff;
	[tilespmem:v52+s4+$0x0] =	vst.idx.msk $0xffff, v20  }
0x329: {  	v33 =	vadd.s32 s28, v60;
	s26 =	simm.s32 $0x70;
	v15 =	vmul.f32 v16, v8;
	v8 =	vmul.f32 v56, v0;
	v2 =	vld.idx.msk [tilespmem:v39+s4+$0x0], $0xffff  }
0x32a: {  	s31 =	simm.s32 $0x50;
	v41 =	vadd.s32 s20, v63;
	v32 =	vadd.s32 s25, v59;
	s29 =	sand.u32 $0x3F0, s26;
	v58 =	vmul.f32 v18, v7  }
0x32b: {  	s0 =	sand.u32 $0x3D0, s31;
	v20 =	vsub.f32 $0.0e+00, v15;
	v18 =	vld [tilespmem:s29+$0x18800];
	v61 =	vmul.f32 v8, v12;
	v12 =	vmul.f32 v22, v16  }
0x32c: {  	s30 =	simm.s32 $0x40;
	v25 =	vld [tilespmem:s0+$0x18800];
	v15 =	vmul.f32 v28, v19;
	v17 =	vmul.f32 v17, v19;
	v1 =	vadd.f32 v58, v6  }
0x32d: {  	s30 =	sand.u32 $0x3C0, s30;
	v28 =	vld [tilespmem:s29+$0x18C00];
	v24 =	vmul.f32 v24, v19;
	v0 =	vmul.f32 v57, v16;
	v27 =	vadd.f32 v12, v20  }
0x32e: {  	s31 =	simm.s32 $0x60;
	v17 =	vadd.f32 v17, v23;
	v22 =	vmul.f32 v55, v19;
	v12 =	vld [tilespmem:s30+$0x18800];
	v2 =	vmul.f32 v2, v16  }
0x32f: {  	s29 =	sand.u32 $0x3E0, s31;
	v48 =	vadd.f32 v15, v23;
	v15 =	vld [tilespmem:s30+$0x18C00];
	v0 =	vadd.f32 v0, v20;
	v50 =	vmul.f32 v27, v42  }
0x330: {  	v49 =	vadd.f32 v22, v23;
	v22 =	vld [tilespmem:s29+$0x18800];
	v17 =	vmul.f32 v17, v18;
	v2 =	vadd.f32 v2, v20  }
0x331: {  	v51 =	vadd.f32 v24, v23;
	v27 =	vld [tilespmem:s0+$0x18C00];
	v0 =	vmul.f32 v0, v14;
	v52 =	vadd.f32 v50, v13  }
0x332: {  	v35 =	vadd.s32 s2, v63;
	[tilespmem:v4+s4+$0x0] =	vst.idx.msk $0xffff, v1;
	v24 =	vld [tilespmem:s29+$0x18C00];
	v53 =	vadd.f32 v17, v28;
	v2 =	vmul.f32 v2, v9  }
0x333: {  	v54 =	vld.idx.msk [tilespmem:v32+s4+$0x0], $0xffff;
	v4 =	vmul.f32 v48, v12;
	v0 =	vadd.f32 v0, v26;
	[tilespmem:v30+s4+$0x0] =	vst.idx.msk $0xffff, v52  }
0x334: {  	[tilespmem:v31+s4+$0x0] =	vst.idx.msk $0xffff, v53;
	v30 =	vmul.f32 v49, v25;
	v2 =	vadd.f32 v2, v10;
	v55 =	vld.idx.msk [tilespmem:v33+s4+$0x0], $0xffff  }
0x335: {  	v31 =	vld.idx.msk [tilespmem:v41+s4+$0x0], $0xffff;
	v44 =	vmul.f32 v51, v22;
	v4 =	vadd.f32 v4, v15;
	[tilespmem:v38+s4+$0x0] =	vst.idx.msk $0xffff, v0  }
0x336: {  	v34 =	vadd.s32 s22, v60;
	v30 =	vadd.f32 v30, v27;
	[tilespmem:v39+s4+$0x0] =	vst.idx.msk $0xffff, v2  }
0x337: {  	[tilespmem:v29+s4+$0x0] =	vst.idx.msk $0xffff, v4;
	v4 =	vadd.f32 v44, v24  }
0x338: {  	v36 =	vadd.s32 s25, v60;
	v56 =	vld.idx.msk [tilespmem:v35+s4+$0x0], $0xffff;
	[tilespmem:v3+s4+$0x0] =	vst.idx.msk $0xffff, v30;
	v3 =	vmul.f32 v54, v16  }
0x339: {  	s25 =	simm.s32 $0xA;
	v17 =	vsub.f32 $0.0e+00, v61;
	v30 =	vadd.s32 s24, v60;
	v57 =	vld.idx.msk [tilespmem:v43+s4+$0x0], $0xffff;
	[tilespmem:v37+s4+$0x0] =	vst.idx.msk $0xffff, v4;
	v1 =	vmul.f32 v55, v8  }
0x33a: {  	s22 =	simm.s32 $0x8;
	v39 =	vadd.s32 s25, v62;
	v4 =	vmul.f32 v31, v11;
	v3 =	vadd.f32 v3, v20;
	v47 =	vld.idx.msk [tilespmem:v40+s4+$0x0], $0xffff  }
0x33b: {  	v52 =	vld.idx.msk [tilespmem:v34+s4+$0x0], $0xffff;
	v29 =	vadd.s32 s15, v59;
	s24 =	simm.s32 $0x9;
	v37 =	vadd.s32 s22, v62;
	v58 =	vadd.f32 v1, v17  }
0x33c: {  	v38 =	vadd.s32 s24, v62;
	v61 =	vadd.f32 v4, v21;
	v51 =	vmul.f32 v3, v7  }
0x33d: {  	v31 =	vadd.s32 s10, v59;
	v53 =	vmul.f32 v56, v11;
	v54 =	vmul.f32 v58, v42  }
0x33e: {  	s28 =	simm.s32 $0xB;
	s29 =	simm.s32 $0xC;
	v50 =	vld.idx.msk [tilespmem:v30+s4+$0x0], $0xffff;
	v49 =	vmul.f32 v61, v18;
	v48 =	vmul.f32 v57, v11;
	v42 =	vadd.s32 s20, v59  }
.LBB2_14:
0x33f: {  	p1 =	slt.u32 s29, $0x3C;
	v0 =	vadd.s32 s28, v62;
	v1 =	vmul.f32 v47, v11;
	v2 =	vadd.f32 v54, v13;
	v13 =	vmovc v28;
	v44 =	vmovc v36  }
0x340: {  	v36 =	vmul.f32 v52, v8;
	v3 =	vld.idx.msk [tilespmem:v37+s4+$0x0], $0xffff;
	v4 =	vadd.f32 v48, v21;
	v28 =	vadd.f32 v49, v13  }
0x341: {  	v46 =	vadd.f32 v53, v21;
	v45 =	vld.idx.msk [tilespmem:v38+s4+$0x0], $0xffff;
	v1 =	vadd.f32 v1, v21;
	[tilespmem:v33+s4+$0x0] =	vst.idx.msk $0xffff, v2  }
0x342: {  	v2 =	vld.idx.msk [tilespmem:v39+s4+$0x0], $0xffff;
	v4 =	vmul.f32 v4, v25;
	[tilespmem:v41+s4+$0x0] =	vst.idx.msk $0xffff, v28;
	v28 =	vadd.f32 v51, v6  }
0x343: {  	v33 =	vmul.f32 v46, v12;
	v36 =	vadd.f32 v36, v17;
	v1 =	vmul.f32 v1, v22;
	v41 =	vld.idx.msk [tilespmem:v42+s4+$0x0], $0xffff  }
0x344: {  	v46 =	vld.idx.msk [tilespmem:v0+s4+$0x0], $0xffff;
	v4 =	vadd.f32 v4, v27;
	[tilespmem:v32+s4+$0x0] =	vst.idx.msk $0xffff, v28;
	v28 =	vmul.f32 v50, v8  }
0x345: {  	v36 =	vmul.f32 v36, v14;
	v32 =	vadd.f32 v33, v15;
	v1 =	vadd.f32 v1, v24;
	v33 =	vld.idx.msk [tilespmem:v44+s4+$0x0], $0xffff  }
0x346: {  	v14 =	vmov v25;
	[tilespmem:v43+s4+$0x0] =	vst.idx.msk $0xffff, v4;
	v4 =	vadd.f32 v28, v17  }
0x347: {  	s26 =	sadd.s32 $0x40, s26;
	v3 =	vmul.f32 v3, v19;
	v43 =	vld.idx.msk [tilespmem:v31+s4+$0x0], $0xffff;
	[tilespmem:v40+s4+$0x0] =	vst.idx.msk $0xffff, v1;
	v1 =	vadd.f32 v36, v26  }
0x348: {  	s0 =	sadd.s32 $0xFFFFFFE0, s26;
	s30 =	sadd.s32 $0xFFFFFFF0, s26;
	s31 =	sand.u32 $0x3F0, s26;
	v40 =	vmul.f32 v45, v19;
	[tilespmem:v35+s4+$0x0] =	vst.idx.msk $0xffff, v32;
	v36 =	vld.idx.msk [tilespmem:v29+s4+$0x0], $0xffff;
	v4 =	vmul.f32 v4, v9  }
0x349: {  	s17 =	sadd.s32 $0xFFFFFFD0, s26;
	s0 =	sand.u32 $0x3D0, s0;
	s30 =	sand.u32 $0x3E0, s30;
	v2 =	vmul.f32 v2, v19;
	v32 =	vadd.s32 s2, v59;
	v35 =	vmul.f32 v41, v16;
	v45 =	vld [tilespmem:s31+$0x18800];
	[tilespmem:v34+s4+$0x0] =	vst.idx.msk $0xffff, v1  }
0x34a: {  	s17 =	sand.u32 $0x3C0, s17;
	v9 =	vmovc v22;
	v1 =	vadd.f32 v3, v23;
	v3 =	vmul.f32 v46, v19;
	v25 =	vld [tilespmem:s0+$0x18800];
	v4 =	vadd.f32 v4, v10  }
0x34b: {  	v26 =	vmovc v27;
	v34 =	vadd.f32 v40, v23;
	v40 =	vadd.f32 v35, v20;
	v46 =	vmul.f32 v33, v8;
	v28 =	vld [tilespmem:s31+$0x18C00]  }
0x34c: {  	v2 =	vadd.f32 v2, v23;
	v35 =	vadd.s32 s22, v63;
	v3 =	vadd.f32 v3, v23;
	v48 =	vld [tilespmem:s17+$0x18800];
	[tilespmem:v30+s4+$0x0] =	vst.idx.msk $0xffff, v4  }
0x34d: {  	v33 =	vadd.s32 s20, v60;
	v10 =	vmovc v24;
	s20 =	smov.u32 s28;
	v4 =	vmul.f32 v43, v16;
	v30 =	vmul.f32 v40, v18;
	v22 =	vld [tilespmem:s30+$0x18800]  }
0x34e: {  	v41 =	vadd.s32 s20, v63;
	v36 =	vmul.f32 v36, v16;
	v55 =	vld [tilespmem:s17+$0x18C00];
	v3 =	vmul.f32 v3, v45  }
0x34f: {  	v4 =	vadd.f32 v4, v20;
	v30 =	vadd.f32 v30, v13;
	v27 =	vld [tilespmem:s0+$0x18C00];
	v34 =	vmul.f32 v34, v25  }
0x350: {  	v43 =	vadd.s32 s24, v63;
	v36 =	vadd.f32 v36, v20;
	v24 =	vld [tilespmem:s30+$0x18C00];
	v3 =	vadd.f32 v3, v28  }
0x351: {  	v4 =	vmul.f32 v4, v14;
	v1 =	vmul.f32 v1, v48;
	v47 =	vld.idx.msk [tilespmem:v32+s4+$0x0], $0xffff;
	[tilespmem:v42+s4+$0x0] =	vst.idx.msk $0xffff, v30  }
0x352: {  	v2 =	vmul.f32 v2, v22;
	[tilespmem:v0+s4+$0x0] =	vst.idx.msk $0xffff, v3;
	v0 =	vmul.f32 v36, v9;
	v3 =	vld.idx.msk [tilespmem:v33+s4+$0x0], $0xffff  }
0x353: {  	v40 =	vadd.s32 s25, v63;
	v4 =	vadd.f32 v4, v26;
	v1 =	vadd.f32 v1, v55;
	v42 =	vld.idx.msk [tilespmem:v41+s4+$0x0], $0xffff  }
0x354: {  	v36 =	vadd.f32 v34, v27;
	v34 =	vadd.s32 s10, v60;
	v0 =	vadd.f32 v0, v10;
	s10 =	smov.u32 s24  }
0x355: {  	v30 =	vadd.s32 s15, v60;
	s15 =	smov.u32 s25;
	[tilespmem:v37+s4+$0x0] =	vst.idx.msk $0xffff, v1;
	v1 =	vadd.f32 v2, v24;
	v2 =	vadd.f32 v46, v17  }
0x356: {  	v46 =	vld.idx.msk [tilespmem:v35+s4+$0x0], $0xffff;
	[tilespmem:v38+s4+$0x0] =	vst.idx.msk $0xffff, v36;
	v36 =	vadd.s32 s2, v60;
	s2 =	smov.u32 s22;
	s22 =	smov.u32 s29  }
0x357: {  	v49 =	vld.idx.msk [tilespmem:v43+s4+$0x0], $0xffff;
	[tilespmem:v39+s4+$0x0] =	vst.idx.msk $0xffff, v1;
	v1 =	vmul.f32 v47, v16;
	v2 =	vmul.f32 v2, v7  }
0x358: {  	v37 =	vadd.s32 s29, v62;
	v3 =	vmul.f32 v3, v8;
	v47 =	vld.idx.msk [tilespmem:v40+s4+$0x0], $0xffff;
	[tilespmem:v31+s4+$0x0] =	vst.idx.msk $0xffff, v4;
	v31 =	vadd.s32 s10, v59  }
.Ltmp5:
0x359: {  	v4 =	vmul.f32 v42, v11;
	v1 =	vadd.f32 v1, v20;
	v52 =	vld.idx.msk [tilespmem:v34+s4+$0x0], $0xffff;
	[tilespmem:v29+s4+$0x0] =	vst.idx.msk $0xffff, v0;
	(pc) =	sbr.rel @p1 .LBB2_14-.Ltmp5, $4  }
0x35a: {  	s24 =	sadd.s32 $0x1, s29;
	v7 =	vmovc v12;
	v29 =	vadd.s32 s15, v59;
	v0 =	vadd.f32 v3, v17;
	v2 =	vadd.f32 v2, v6;
	v50 =	vld.idx.msk [tilespmem:v30+s4+$0x0], $0xffff  }
0x35b: {  	s25 =	sadd.s32 $0x2, s29;
	v38 =	vadd.s32 s24, v62;
	v12 =	vmovc v48;
	v6 =	vmovc v15;
	v3 =	vadd.f32 v4, v21;
	v51 =	vmul.f32 v1, v7  }
0x35c: {  	v39 =	vadd.s32 s25, v62;
	v53 =	vmul.f32 v46, v11;
	v54 =	vmul.f32 v0, v18;
	[tilespmem:v44+s4+$0x0] =	vst.idx.msk $0xffff, v2  }
0x35d: {  	s29 =	sadd.s32 $0x4, s29;
	s28 =	sadd.s32 $0x3, s22;
	v42 =	vadd.s32 s20, v59;
	v15 =	vmovc v55;
	v18 =	vmovc v45;
	v48 =	vmul.f32 v49, v11;
	v49 =	vmul.f32 v3, v45  }
0x35e: {  	_ = 	snop  }
0x35f: {  	v0 =	vadd.s32 s28, v62;
	_ =	sdelay $0x2  }
0x360: {  	v1 =	vld.idx.msk [tilespmem:v37+s4+$0x0], $0xffff  }
0x361: {  	v3 =	vld.idx.msk [tilespmem:v38+s4+$0x0], $0xffff  }
0x362: {  	s0 =	sadd.s32 $0x40, s26;
	v2 =	vld.idx.msk [tilespmem:v0+s4+$0x0], $0xffff  }
0x363: {  	v4 =	vld.idx.msk [tilespmem:v39+s4+$0x0], $0xffff;
	s17 =	sadd.s32 $0xFFFFFFE0, s0;
	s26 =	sand.u32 $0x3F0, s0  }
0x364: {  	s29 =	sadd.s32 $0xFFFFFFD0, s0;
	s17 =	sand.u32 $0x3D0, s17;
	v46 =	vld [tilespmem:s26+$0x18800]  }
0x365: {  	v56 =	vmul.f32 v47, v11;
	s29 =	sand.u32 $0x3C0, s29;
	v45 =	vld [tilespmem:s17+$0x18800]  }
0x366: {  	v52 =	vmul.f32 v52, v8;
	v44 =	vld [tilespmem:s29+$0x18800];
	v3 =	vmul.f32 v3, v19  }
0x367: {  	v55 =	vadd.f32 v48, v21;
	v57 =	vadd.f32 v49, v28;
	v49 =	vld [tilespmem:s17+$0x18C00];
	v2 =	vmul.f32 v2, v19  }
0x368: {  	v13 =	vadd.f32 v54, v13;
	s0 =	sadd.s32 $0xFFFFFFF0, s0;
	v48 =	vld [tilespmem:s26+$0x18C00];
	v1 =	vmul.f32 v1, v19;
	v3 =	vadd.f32 v3, v23  }
0x369: {  	v50 =	vmul.f32 v50, v8;
	s0 =	sand.u32 $0x3E0, s0;
	v55 =	vmul.f32 v55, v25;
	v47 =	vld [tilespmem:s29+$0x18C00];
	v2 =	vadd.f32 v2, v23  }
0x36a: {  	v4 =	vmul.f32 v4, v19;
	v1 =	vadd.f32 v1, v23;
	v3 =	vmul.f32 v3, v45;
	v19 =	vld [tilespmem:s0+$0x18800]  }
0x36b: {  	[tilespmem:v41+s4+$0x0] =	vst.idx.msk $0xffff, v57;
	v55 =	vadd.f32 v55, v27;
	v2 =	vmul.f32 v2, v46  }
0x36c: {  	v4 =	vadd.f32 v4, v23;
	v1 =	vmul.f32 v1, v44;
	v3 =	vadd.f32 v3, v49;
	v23 =	vld [tilespmem:s0+$0x18C00]  }
0x36d: {  	v58 =	vadd.s32 s28, v63;
	v61 =	vadd.f32 v56, v21;
	[tilespmem:v43+s4+$0x0] =	vst.idx.msk $0xffff, v55;
	v2 =	vadd.f32 v2, v48  }
0x36e: {  	v56 =	vld.idx.msk [tilespmem:v42+s4+$0x0], $0xffff;
	v43 =	vadd.s32 s22, v63;
	v1 =	vadd.f32 v1, v47;
	[tilespmem:v38+s4+$0x0] =	vst.idx.msk $0xffff, v3  }
0x36f: {  	v38 =	vld.idx.msk [tilespmem:v31+s4+$0x0], $0xffff;
	v4 =	vmul.f32 v4, v19;
	[tilespmem:v0+s4+$0x0] =	vst.idx.msk $0xffff, v2;
	v2 =	vadd.s32 s24, v63  }
0x370: {  	v50 =	vadd.f32 v50, v17;
	[tilespmem:v37+s4+$0x0] =	vst.idx.msk $0xffff, v1;
	v1 =	vadd.s32 s25, v63  }
0x371: {  	[tilespmem:v33+s4+$0x0] =	vst.idx.msk $0xffff, v13;
	v3 =	vadd.f32 v52, v17;
	v4 =	vadd.f32 v4, v23  }
0x372: {  	v57 =	vadd.f32 v53, v21;
	v41 =	vmul.f32 v61, v22;
	v9 =	vmul.f32 v50, v9;
	v61 =	vld.idx.msk [tilespmem:v58+s4+$0x0], $0xffff  }
0x373: {  	v3 =	vmul.f32 v3, v14;
	v0 =	vmul.f32 v56, v16;
	[tilespmem:v39+s4+$0x0] =	vst.idx.msk $0xffff, v4;
	v39 =	vld.idx.msk [tilespmem:v43+s4+$0x0], $0xffff  }
0x374: {  	v55 =	vadd.f32 v41, v24;
	v9 =	vadd.f32 v9, v10;
	v54 =	vmul.f32 v38, v16;
	v14 =	vld.idx.msk [tilespmem:v2+s4+$0x0], $0xffff  }
0x375: {  	v3 =	vadd.f32 v3, v26;
	v4 =	vmul.f32 v57, v12;
	v57 =	vld.idx.msk [tilespmem:v1+s4+$0x0], $0xffff;
	v0 =	vadd.f32 v0, v20  }
0x376: {  	[tilespmem:v40+s4+$0x0] =	vst.idx.msk $0xffff, v55;
	v56 =	vadd.f32 v51, v6;
	v26 =	vadd.f32 v54, v20  }
0x377: {  	v40 =	vld.idx.msk [tilespmem:v29+s4+$0x0], $0xffff;
	v51 =	vadd.s32 s2, v59;
	v4 =	vadd.f32 v4, v15;
	v0 =	vmul.f32 v0, v18  }
0x378: {  	[tilespmem:v32+s4+$0x0] =	vst.idx.msk $0xffff, v56;
	v32 =	vadd.s32 s20, v60;
	v10 =	vmul.f32 v26, v25;
	v61 =	vmul.f32 v61, v11  }
0x379: {  	[tilespmem:v35+s4+$0x0] =	vst.idx.msk $0xffff, v4;
	v4 =	vadd.s32 s28, v59;
	v39 =	vmul.f32 v39, v11;
	v14 =	vmul.f32 v14, v11  }
0x37a: {  	v0 =	vadd.f32 v0, v28;
	v55 =	vadd.f32 v61, v21;
	v11 =	vmul.f32 v57, v11  }
0x37b: {  	v53 =	vld.idx.msk [tilespmem:v36+s4+$0x0], $0xffff;
	v35 =	vadd.s32 s10, v60;
	v10 =	vadd.f32 v10, v27;
	v14 =	vadd.f32 v14, v21  }
0x37c: {  	[tilespmem:v42+s4+$0x0] =	vst.idx.msk $0xffff, v0;
	v0 =	vadd.s32 s24, v59;
	v56 =	vmul.f32 v55, v46;
	v11 =	vadd.f32 v11, v21  }
0x37d: {  	v42 =	vadd.f32 v39, v21;
	v39 =	vadd.s32 s25, v59;
	[tilespmem:v31+s4+$0x0] =	vst.idx.msk $0xffff, v10;
	v14 =	vmul.f32 v14, v45  }
0x37e: {  	v52 =	vld.idx.msk [tilespmem:v51+s4+$0x0], $0xffff;
	v57 =	vmul.f32 v40, v16;
	v61 =	vadd.f32 v56, v48;
	v11 =	vmul.f32 v11, v19  }
0x37f: {  	v54 =	vld.idx.msk [tilespmem:v32+s4+$0x0], $0xffff;
	v40 =	vadd.s32 s22, v59;
	v21 =	vmul.f32 v42, v44;
	v14 =	vadd.f32 v14, v49  }
0x380: {  	v31 =	vld.idx.msk [tilespmem:v35+s4+$0x0], $0xffff;
	[tilespmem:v58+s4+$0x0] =	vst.idx.msk $0xffff, v61;
	v11 =	vadd.f32 v11, v23  }
0x381: {  	v21 =	vadd.f32 v21, v47;
	v56 =	vld.idx.msk [tilespmem:v4+s4+$0x0], $0xffff;
	[tilespmem:v2+s4+$0x0] =	vst.idx.msk $0xffff, v14  }
0x382: {  	v55 =	vadd.f32 v57, v20;
	[tilespmem:v1+s4+$0x0] =	vst.idx.msk $0xffff, v11;
	v57 =	vld.idx.msk [tilespmem:v0+s4+$0x0], $0xffff  }
0x383: {  	[tilespmem:v43+s4+$0x0] =	vst.idx.msk $0xffff, v21;
	v11 =	vld.idx.msk [tilespmem:v39+s4+$0x0], $0xffff  }
0x384: {  	v13 =	vadd.s32 s15, v60;
	v42 =	vmul.f32 v53, v8;
	v61 =	vmul.f32 v52, v16;
	v43 =	vld.idx.msk [tilespmem:v40+s4+$0x0], $0xffff  }
0x385: {  	v38 =	vadd.s32 s2, v60;
	v58 =	vmul.f32 v55, v22;
	v50 =	vmul.f32 v54, v8  }
0x386: {  	[tilespmem:v34+s4+$0x0] =	vst.idx.msk $0xffff, v3;
	v54 =	vadd.s32 s28, v60;
	v2 =	vadd.f32 v61, v20;
	v14 =	vmul.f32 v56, v16  }
0x387: {  	v31 =	vmul.f32 v31, v8;
	v21 =	vadd.f32 v42, v17;
	v10 =	vmul.f32 v57, v16  }
0x388: {  	v2 =	vmul.f32 v2, v12;
	v14 =	vadd.f32 v14, v20;
	v11 =	vmul.f32 v11, v16  }
0x389: {  	v1 =	vadd.f32 v58, v24;
	v53 =	vmul.f32 v43, v16;
	v10 =	vadd.f32 v10, v20  }
0x38a: {  	v2 =	vadd.f32 v2, v15;
	v3 =	vmul.f32 v14, v46;
	v11 =	vadd.f32 v11, v20  }
0x38b: {  	[tilespmem:v29+s4+$0x0] =	vst.idx.msk $0xffff, v1;
	v16 =	vadd.f32 v53, v20;
	v55 =	vmul.f32 v10, v45;
	v10 =	vadd.s32 s24, v60  }
0x38c: {  	v56 =	vld.idx.msk [tilespmem:v13+s4+$0x0], $0xffff;
	v57 =	vadd.s32 s25, v60;
	v3 =	vadd.f32 v3, v48;
	v11 =	vmul.f32 v11, v19  }
0x38d: {  	v58 =	vadd.s32 s22, v60;
	[tilespmem:v51+s4+$0x0] =	vst.idx.msk $0xffff, v2;
	v16 =	vmul.f32 v16, v44;
	v1 =	vadd.f32 v55, v49  }
0x38e: {  	v52 =	vadd.f32 v50, v17;
	v61 =	vld.idx.msk [tilespmem:v38+s4+$0x0], $0xffff;
	[tilespmem:v4+s4+$0x0] =	vst.idx.msk $0xffff, v3;
	v3 =	vadd.f32 v11, v23  }
0x38f: {  	v4 =	vmul.f32 v21, v7;
	v21 =	vadd.f32 v16, v47;
	v7 =	vld.idx.msk [tilespmem:v54+s4+$0x0], $0xffff;
	[tilespmem:v0+s4+$0x0] =	vst.idx.msk $0xffff, v1  }
0x390: {  	v34 =	vmul.f32 v52, v18;
	v11 =	vadd.f32 v31, v17;
	[tilespmem:v39+s4+$0x0] =	vst.idx.msk $0xffff, v3;
	v37 =	vld.idx.msk [tilespmem:v10+s4+$0x0], $0xffff  }
0x391: {  	[tilespmem:v40+s4+$0x0] =	vst.idx.msk $0xffff, v21;
	v3 =	vadd.f32 v4, v6;
	v4 =	vmul.f32 v56, v8;
	v6 =	vld.idx.msk [tilespmem:v57+s4+$0x0], $0xffff  }
0x392: {  	[tilespmem:v30+s4+$0x0] =	vst.idx.msk $0xffff, v9;
	v40 =	vadd.f32 v34, v28;
	v9 =	vld.idx.msk [tilespmem:v58+s4+$0x0], $0xffff;
	v41 =	vmul.f32 v11, v25  }
0x393: {  	[tilespmem:v36+s4+$0x0] =	vst.idx.msk $0xffff, v3;
	v3 =	vadd.f32 v4, v17;
	v4 =	vmul.f32 v61, v8  }
0x394: {  	[tilespmem:v32+s4+$0x0] =	vst.idx.msk $0xffff, v40;
	v42 =	vadd.f32 v41, v27;
	v43 =	vmul.f32 v7, v8  }
0x395: {  	v3 =	vmul.f32 v3, v22;
	v4 =	vadd.f32 v4, v17;
	v7 =	vmul.f32 v37, v8  }
0x396: {  	[tilespmem:v35+s4+$0x0] =	vst.idx.msk $0xffff, v42;
	v50 =	vadd.f32 v43, v17;
	v51 =	vmul.f32 v6, v8  }
0x397: {  	v4 =	vmul.f32 v4, v12;
	v6 =	vadd.f32 v7, v17;
	v7 =	vmul.f32 v9, v8  }
0x398: {  	v3 =	vadd.f32 v3, v24;
	v0 =	vmul.f32 v50, v46;
	v1 =	vadd.f32 v51, v17  }
0x399: {  	v4 =	vadd.f32 v4, v15;
	v6 =	vmul.f32 v6, v45;
	v7 =	vadd.f32 v7, v17  }
0x39a: {  	[tilespmem:v13+s4+$0x0] =	vst.idx.msk $0xffff, v3;
	v0 =	vadd.f32 v0, v48;
	v1 =	vmul.f32 v1, v19  }
0x39b: {  	[tilespmem:v38+s4+$0x0] =	vst.idx.msk $0xffff, v4;
	v3 =	vadd.f32 v6, v49;
	v4 =	vmul.f32 v7, v44  }
0x39c: {  	[tilespmem:v54+s4+$0x0] =	vst.idx.msk $0xffff, v0;
	v52 =	vadd.f32 v1, v23  }
0x39d: {  	[tilespmem:v10+s4+$0x0] =	vst.idx.msk $0xffff, v3;
	v53 =	vadd.f32 v4, v47  }
0x39e: {  	[tilespmem:v57+s4+$0x0] =	vst.idx.msk $0xffff, v52  }
0x39f: {  	s20 =	simm.s32 $0x1D484;
	[tilespmem:v58+s4+$0x0] =	vst.idx.msk $0xffff, v53  }
0x3a0: {  	v0 =	vld [tilespmem:s20+$0xC3]  }
0x3a1: {  	v2 =	vld [tilespmem:s20+$0xFFFFFF7E]  }
0x3a2: {  	s10 =	sshll.u32 s16, $0xC;
	v3 =	vld [tilespmem:s20+$0xFFFFFFBF]  }
0x3a3: {  	s15 =	sand.u32 $0x3FFFF000, s10;
	v4 =	vld [tilespmem:s20+$0x0]  }
0x3a4: {  	s2 =	sadd.s32 $0x1B480, s15;
	v6 =	vld [tilespmem:s20+$0x41]  }
0x3a5: {  	v55 =	vld [tilespmem:s20+$0xFFFFFEFC];
	[tilespmem:s2+$0xC0] =	vst v0  }
0x3a6: {  	v1 =	vld [tilespmem:s20+$0xFFFFFF3D];
	[tilespmem:s2+$0xFFFFFF80] =	vst v2  }
0x3a7: {  	v54 =	vld [tilespmem:s20+$0x82];
	[tilespmem:s2+$0xFFFFFFC0] =	vst v3  }
0x3a8: {  	[tilespmem:s2+$0x0] =	vst v4;
	v0 =	vld [tilespmem:s20+$0xD3]  }
0x3a9: {  	[tilespmem:s2+$0x40] =	vst v6;
	v4 =	vld [tilespmem:s20+$0xFFFFFF8E]  }
0x3aa: {  	[tilespmem:s2+$0xFFFFFF00] =	vst v55;
	v6 =	vld [tilespmem:s20+$0xFFFFFFCF]  }
0x3ab: {  	s10 =	sor.u32 $0x1C0, s10;
	[tilespmem:s2+$0xFFFFFF40] =	vst v1;
	v2 =	vld [tilespmem:s20+$0xFFFFFF0C]  }
0x3ac: {  	s0 =	sor.u32 $0x50, s10;
	[tilespmem:s2+$0x80] =	vst v54;
	v3 =	vld [tilespmem:s20+$0xFFFFFF4D]  }
0x3ad: {  	s17 =	sadd.s32 $0xFFFFFF00, s10;
	v56 =	vld [tilespmem:s20+$0x10];
	[tilespmem:s0+$0x1B380] =	vst v0  }
0x3ae: {  	s22 =	sor.u32 $0x50, s17;
	[tilespmem:s2+$0xFFFFFF90] =	vst v4;
	v4 =	vld [tilespmem:s20+$0x92]  }
0x3af: {  	s0 =	sadd.s32 $0xFFFFFE80, s10;
	[tilespmem:s22+$0x1B380] =	vst v6;
	v0 =	vld [tilespmem:s20+$0xE3]  }
0x3b0: {  	[tilespmem:s2+$0xFFFFFF10] =	vst v2;
	s16 =	sor.u32 $0x50, s0;
	v57 =	vld [tilespmem:s20+$0xFFFFFF9E]  }
0x3b1: {  	[tilespmem:s16+$0x1B380] =	vst v3;
	v3 =	vld [tilespmem:s20+$0x51]  }
0x3b2: {  	[tilespmem:s2+$0x10] =	vst v56;
	v2 =	vld [tilespmem:s20+$0xFFFFFF1C]  }
0x3b3: {  	s24 =	sor.u32 $0x60, s10;
	v6 =	vld [tilespmem:s20+$0xFFFFFF5D];
	[tilespmem:s2+$0x90] =	vst v4  }
0x3b4: {  	s25 =	sadd.s32 $0xFFFFFF80, s10;
	v4 =	vld [tilespmem:s20+$0x20];
	[tilespmem:s24+$0x1B380] =	vst v0  }
0x3b5: {  	s26 =	sor.u32 $0x50, s25;
	[tilespmem:s2+$0xFFFFFFA0] =	vst v57;
	v58 =	vld [tilespmem:s20+$0xA2]  }
0x3b6: {  	[tilespmem:s26+$0x1B380] =	vst v3;
	v3 =	vld [tilespmem:s20+$0xFFFFFFDF]  }
0x3b7: {  	s28 =	sor.u32 $0x60, s0;
	[tilespmem:s2+$0xFFFFFF20] =	vst v2;
	v0 =	vld [tilespmem:s20+$0xF3]  }
0x3b8: {  	[tilespmem:s28+$0x1B380] =	vst v6;
	v8 =	vld [tilespmem:s20+$0x61]  }
0x3b9: {  	v2 =	vld [tilespmem:s20+$0xFFFFFF2C];
	[tilespmem:s2+$0x20] =	vst v4  }
0x3ba: {  	s30 =	sor.u32 $0x60, s17;
	v61 =	vld [tilespmem:s20+$0xFFFFFF6D];
	[tilespmem:s2+$0xA0] =	vst v58  }
0x3bb: {  	s29 =	sor.u32 $0x70, s10;
	v6 =	vld [tilespmem:s20+$0xFFFFFFAE];
	[tilespmem:s30+$0x1B380] =	vst v3  }
0x3bc: {  	s31 =	sor.u32 $0x60, s25;
	[tilespmem:s29+$0x1B380] =	vst v0;
	v7 =	vld [tilespmem:s20+$0xFFFFFFEF]  }
0x3bd: {  	[tilespmem:s31+$0x1B380] =	vst v8;
	v8 =	vld [tilespmem:s20+$0x30]  }
0x3be: {  	s15 =	simm.s32 $0x0;
	s0 =	sor.u32 $0x70, s0;
	[tilespmem:s2+$0xFFFFFF30] =	vst v2;
	v9 =	vld [tilespmem:s20+$0x71]  }
0x3bf: {  	s22 =	sor.u32 $0x70, s25;
	s16 =	simm.s32 $0x1D68C;
	s24 =	sor.u32 $0x70, s17;
	v10 =	vld [tilespmem:s20+$0xB2];
	[tilespmem:s0+$0x1B380] =	vst v61  }
.LBB2_16:
0x3c0: {  	v0 =	vld [tilespmem:s16+$0xC3];
	s15 =	sadd.s32 $0x8, s15;
	[tilespmem:s2+$0xFFFFFFB0] =	vst v6  }
0x3c1: {  	v1 =	vld [tilespmem:s16+$0xFFFFFF3D];
	p1 =	slt.u32 s15, $0x38;
	[tilespmem:s24+$0x1B380] =	vst v7  }
0x3c2: {  	v2 =	vld [tilespmem:s16+$0xFFFFFF7E];
	[tilespmem:s2+$0x30] =	vst v8  }
0x3c3: {  	v3 =	vld [tilespmem:s16+$0xFFFFFFBF];
	[tilespmem:s22+$0x1B380] =	vst v9  }
0x3c4: {  	v4 =	vld [tilespmem:s16+$0x0];
	[tilespmem:s2+$0xB0] =	vst v10;
	s2 =	sadd.s32 $0x200, s2  }
0x3c5: {  	v6 =	vld [tilespmem:s16+$0x41];
	[tilespmem:s2+$0xC0] =	vst v0  }
0x3c6: {  	[tilespmem:s2+$0xFFFFFF40] =	vst v1;
	v0 =	vld [tilespmem:s16+$0xD3]  }
0x3c7: {  	[tilespmem:s2+$0xFFFFFF80] =	vst v2;
	v1 =	vld [tilespmem:s16+$0x82]  }
0x3c8: {  	v2 =	vld [tilespmem:s16+$0xFFFFFEFC];
	[tilespmem:s2+$0xFFFFFFC0] =	vst v3  }
0x3c9: {  	s10 =	sadd.s32 $0x200, s10;
	v3 =	vld [tilespmem:s16+$0xFFFFFF4D];
	[tilespmem:s2+$0x0] =	vst v4  }
0x3ca: {  	s0 =	sadd.s32 $0xFFFFFE80, s10;
	s17 =	sadd.s32 $0xFFFFFF00, s10;
	s20 =	sor.u32 $0x50, s10;
	v4 =	vld [tilespmem:s16+$0xFFFFFF8E];
	[tilespmem:s2+$0x40] =	vst v6  }
0x3cb: {  	s26 =	sadd.s32 $0xFFFFFF80, s10;
	s25 =	sor.u32 $0x50, s17;
	s22 =	sor.u32 $0x50, s0;
	v6 =	vld [tilespmem:s16+$0xFFFFFFCF];
	[tilespmem:s20+$0x1B380] =	vst v0  }
0x3cc: {  	s28 =	sor.u32 $0x60, s17;
	s29 =	sor.u32 $0x50, s26;
	s20 =	sor.u32 $0x60, s0;
	[tilespmem:s2+$0x80] =	vst v1;
	v0 =	vld [tilespmem:s16+$0xE3]  }
0x3cd: {  	s24 =	sor.u32 $0x70, s17;
	s17 =	sor.u32 $0x60, s26;
	s0 =	sor.u32 $0x70, s0;
	[tilespmem:s2+$0xFFFFFF00] =	vst v2;
	v1 =	vld [tilespmem:s16+$0x10]  }
0x3ce: {  	v2 =	vld [tilespmem:s16+$0xFFFFFF0C];
	[tilespmem:s22+$0x1B380] =	vst v3;
	s22 =	sor.u32 $0x70, s26  }
0x3cf: {  	[tilespmem:s2+$0xFFFFFF90] =	vst v4;
	v3 =	vld [tilespmem:s16+$0x51]  }
0x3d0: {  	[tilespmem:s25+$0x1B380] =	vst v6;
	v4 =	vld [tilespmem:s16+$0x92];
	s25 =	sor.u32 $0x60, s10  }
0x3d1: {  	v6 =	vld [tilespmem:s16+$0xFFFFFF5D];
	[tilespmem:s25+$0x1B380] =	vst v0  }
0x3d2: {  	[tilespmem:s2+$0x10] =	vst v1;
	v0 =	vld [tilespmem:s16+$0xF3]  }
0x3d3: {  	[tilespmem:s2+$0xFFFFFF10] =	vst v2;
	v1 =	vld [tilespmem:s16+$0xFFFFFF9E]  }
0x3d4: {  	v2 =	vld [tilespmem:s16+$0xFFFFFF1C];
	[tilespmem:s29+$0x1B380] =	vst v3  }
0x3d5: {  	v3 =	vld [tilespmem:s16+$0xFFFFFFDF];
	[tilespmem:s2+$0x90] =	vst v4  }
0x3d6: {  	[tilespmem:s20+$0x1B380] =	vst v6;
	v4 =	vld [tilespmem:s16+$0x20];
	s20 =	sor.u32 $0x70, s10  }
0x3d7: {  	v8 =	vld [tilespmem:s16+$0x61];
	[tilespmem:s20+$0x1B380] =	vst v0  }
0x3d8: {  	[tilespmem:s2+$0xFFFFFFA0] =	vst v1;
	v0 =	vld [tilespmem:s16+$0xA2]  }
0x3d9: {  	[tilespmem:s2+$0xFFFFFF20] =	vst v2;
	v1 =	vld [tilespmem:s16+$0xFFFFFF6D]  }
0x3da: {  	v2 =	vld [tilespmem:s16+$0xFFFFFF2C];
	[tilespmem:s28+$0x1B380] =	vst v3  }
.Ltmp6:
0x3db: {  	v6 =	vld [tilespmem:s16+$0xFFFFFFAE];
	[tilespmem:s2+$0x20] =	vst v4;
	(pc) =	sbr.rel @p1 .LBB2_16-.Ltmp6, $4  }
0x3dc: {  	v7 =	vld [tilespmem:s16+$0xFFFFFFEF];
	[tilespmem:s17+$0x1B380] =	vst v8  }
0x3dd: {  	v8 =	vld [tilespmem:s16+$0x30];
	[tilespmem:s2+$0xA0] =	vst v0  }
0x3de: {  	[tilespmem:s0+$0x1B380] =	vst v1;
	v9 =	vld [tilespmem:s16+$0x71]  }
0x3df: {  	[tilespmem:s2+$0xFFFFFF30] =	vst v2;
	v10 =	vld [tilespmem:s16+$0xB2];
	s16 =	sadd.s32 $0x208, s16  }
.Ltmp7:
0x3e0: {  	[tilespmem:s2+$0xFFFFFFB0] =	vst v6;
	(pc) =	sbr.rel @p0 .LBB2_11-.Ltmp7, $4  }
0x3e1: {  	[tilespmem:s24+$0x1B380] =	vst v7  }
0x3e2: {  	[tilespmem:s2+$0x30] =	vst v8  }
0x3e3: {  	[tilespmem:s22+$0x1B380] =	vst v9  }
0x3e4: {  	s16 =	simm.s32 $0x1;
	p1 =	por $0x0, $0x0;
	[tilespmem:s2+$0xB0] =	vst v10  }
0x3e5: {  	s0 =	simm.s32 $0x1B380;
	s28 =	sadd.s32 s13, s19  }
0x3e6: {  	[hbm4b:s14+s3] =	stream.linear.scatter [tilespmem:s0], [sflag:$0x4], $0x2000, $0x38;
	[tilespmem:$0x1E400] =	vst v63  }
0x3e7: {  	s11 =	sadd.s32 $0x1, s11;
	s0 =	sshrl.u32 s28, $0x3  }
0x3e8: {  	s10 =	simm.s32 $0x1B200;
	p0 =	sne.s32 s11, $0x64;
	s2 =	sadd.s32 s6, s0  }
0x3e9: {  	[tilespmem:s10], [sflag:$0x3] =	stream.linear.gather [hbm4b:s2+s3], $0x80, $0x38;
	[tilespmem:$0x1E400] =	vst v63  }
.Ltmp8:
0x3ea: {  	_ = 	snop;
	(pc) =	sbr.rel @p0 .LBB2_2-.Ltmp8, $4  }
0x3eb: {  	s30 =	simm.s32 $0x1B280;
	s29 =	sadd.s32 s7, s0  }
0x3ec: {  	[tilespmem:s30], [sflag:$0x3] =	stream.linear.gather [hbm4b:s29+s3], $0x80, $0x38;
	[tilespmem:$0x1E400] =	vst v63  }
0x3ed: {  	s31 =	simm.s32 $0x1B300;
	s0 =	sadd.s32 s8, s0  }
0x3ee: {  	[tilespmem:s31], [sflag:$0x3] =	stream.linear.gather [hbm4b:s0+s3], $0x80, $0x38;
	[tilespmem:$0x1E400] =	vst v63  }
0x3ef: {  	_ =	swait.ge [sflag:s1], $0x80  }
0x3f0: {  	[sflag:s1] =	ssyncset.done $0x0  }
0x3f1: {  	[sflag:s1] =	ssyncadd.s32 $0xFFFFFF80  }
0x3f2: {  	_ =	swait.ge [sflag:s1], $0x80  }
0x3f3: {  	[sflag:s1] =	ssyncset.done $0x0  }
0x3f4: {  	[sflag:s1] =	ssyncadd.s32 $0xFFFFFF80  }
0x3f5: {  	_ =	swait.ge [sflag:s1], $0x80  }
0x3f6: {  	[sflag:s1] =	ssyncset.done $0x0  }
0x3f7: {  	[sflag:s1] =	ssyncadd.s32 $0xFFFFFF80  }
0x3f8: {  	_ =	swait.ge [sflag:s5], $0x80  }
0x3f9: {  	[sflag:s5] =	ssyncset.done $0x0  }
0x3fa: {  	[sflag:s5] =	ssyncadd.s32 $0xFFFFFF80  }
0x3fb: {  	_ =	swait.ge [sflag:s5], $0x80  }
0x3fc: {  	[sflag:s5] =	ssyncset.done $0x0  }
0x3fd: {  	[sflag:s5] =	ssyncadd.s32 $0xFFFFFF80  }
0x3fe: {  	_ =	swait.ge [sflag:s5], $0x80  }
0x3ff: {  	[sflag:s5] =	ssyncset.done $0x0  }
0x400: {  	[sflag:s5] =	ssyncadd.s32 $0xFFFFFF80  }
0x401: {  	_ =	swait.ge [sflag:s23], $0x2000  }
0x402: {  	[sflag:s23] =	ssyncset.done $0x0  }
0x403: {  	[sflag:s23] =	ssyncadd.s32 $0xFFFFE000  }
0x404: {  	_ =	swait.ge [sflag:s9], $0x2000  }
0x405: {  	s2 =	rddreg [dreg:$0xf]  }
0x406: {  	s0 =	rddreg [dreg:$0xe];
	s2 =	sadd.s32 $0x1, s2  }
0x407: {  	p0 =	sne.s32 s2, s0  }
.Ltmp9:
0x408: {  	_ = 	snop;
	(pc) =	sbr.rel @p0 .LBB2_1-.Ltmp9, $3  }
0x409: {  	_ =	sdelay $0x1  }
0x40a: {  	[sflag:s9] =	ssyncset.done $0x0  }
0x40b: {  	[sflag:s9] =	ssyncadd.s32 $0xFFFFE000  }
0x40c: {  	_ =	sfence.sel $0x180000  }
0x40d: {  	[bflag:$0x0] =	sbarrier.arrive $0xFFFF  }
0x40e: {  	_ =	strace $0x90000047  }
0x40f: {  	s0 =	stileid.u32;
	[bflag:$0x2] =	sbarrier.arrive $0xFFFF  }
0x410: {  	p0 =	sne.s32 s0, $0x0;
	s0 =	rddreg [dreg:$0x2]  }
0x411: {  	s0 =	sadd.s32 @!p0 $0x100000, s0  }
0x412: {  	[sflag:s0] =	ssyncadd.tile.s32 @!p0 $0x1;
	_ =	shalt  }
.Lfunc_end2:
_tile_overlayer_lowered:
.L_overlay_start_2:
0x413: {  	(tag) =	ssettag $0x2  }
0x414: {  	s0 =	rddreg [dreg:$0x0];
	s2 =	stileid.u32  }
0x415: {  	s1 =	rddreg [dreg:$0x1];
	p0 =	sne.s32 s2, $0x0  }
0x416: {  	s3 =	rddreg [dreg:$0x2];
	[bflag:$0x3] =	sbarrier.arrive $0xFFFF;
	s2 =	simm.s32 @!p0 $0x1C05  }
0x417: {  	[timem:s3], [sflag:s2] =	dma.local @!p0 [hbm:s0], s1  }
0x418: {  	s0 =	simm.s32 @!p0 $0x5  }
0x419: {  	_ =	swait.ge @!p0 [sflag:s0], s1  }
0x41a: {  	s1 =	ssub.s32 @!p0 $0x0, s1;
	[sflag:s0] =	ssyncset.done @!p0 $0x0  }
0x41b: {  	[sflag:s0] =	ssyncadd.s32 @!p0 s1  }
0x41c: {  	[bflag:$0x3] =	sbarrier.arrive $0xFFFF  }
0x41d: {  	_ =	shalt  }

// kernel: sparse-core-data-format-call.cloned.1.call-start
scs
called_computation_lowered:
.L_overlay_start_0:
0x0: {  	s2 =	sld [smem:$0x3FD9]  }
0x1: {  	s3 =	sld [smem:$0x3FFE];
	_ =	sdelay $0x1  }
0x2: {  	s1 =	srdreg.scid  }
0x3: {  	s0 =	sand.u32 $0x1, s1  }
0x4: {  	s18 =	sshll.u32 s0, $0xA;
	s2 =	sadd.s32 s3, s2  }
0x5: {  	s2 =	sadd.s32 s2, s18  }
0x6: {  	[smem:$0x3FBB] =	sst s2  }
0x7: {  	_ = 	snop  }
0x8: {  	s2 =	sld [smem:$0x3FD0];
	(tm) =	ssettm $0x1  }
0x9: {  	s19 =	sld [smem:$0x3FFB];
	_ =	sdelay $0x3  }
0xa: {  	_ =	strace s19  }
0xb: {  	s3 =	sld [smem:$0x3FFC];
	_ =	sdelay $0x3  }
0xc: {  	_ =	strace s3  }
0xd: {  	s3 =	sld [smem:$0x3FFD];
	_ =	sdelay $0x3  }
0xe: {  	_ =	strace s3  }
0xf: {  	_ =	strace $0x8FFFFFFF  }
0x10: {  	s20 =	sld [smem:$0x3FDB];
	_ =	sdelay $0x1  }
0x11: {  	s4 =	simm.s32 $_scs_section_size  }
0x12: {  	s5 =	simm.s32 $_size__tile_overlayer_lowered;
	s6 =	simm.s32 $_tile_overlayer_lowered  }
0x13: {  	s23 =	simm.s32 $0x1BFF;
	s22 =	sshll.u32 s6, $0x1;
	s3 =	sadd.s32 s4, s20  }
0x14: {  	s7 =	simm.s32 $0x0;
	s21 =	sshll.u32 s5, $0x1;
	s5 =	sadd.s32 s22, s3  }
0x15: {  	[timem:s7], [sflag:s23] =	dma.local [hbm:s5], s21  }
0x16: {  	_ =	swait.ge [sflag:s23], s21  }
0x17: {  	s4 =	ssub.s32 $0x0, s21;
	[sflag:s23] =	ssyncset.done $0x0  }
0x18: {  	[sflag:s23] =	ssyncadd.s32 s4;
	_ =	sdelay $0x1  }
0x19: {  	s24 =	simm.s32 $0x1B8B  }
0x1a: {  	_ =	swait.ge [sflag:s24], $0x1  }
0x1b: {  	[sflag:s24] =	ssyncset.done $0x0  }
0x1c: {  	s26 =	simm.s32 $0x1B8E;
	s25 =	sld [smem:$0x3FFE];
	[sflag:s24] =	ssyncadd.s32 $0xFFFFFFFF  }
0x1d: {  	s27 =	simm.s32 $execute0_lowered;
	[smem:$0x3FD2] =	sst s26  }
0x1e: {  	s5 =	sshll.u32 s27, $0x1;
	_ =	strace $0x80000049;
	[dreg:$0x1] =	wrdreg $0xFFFFFFFF  }
0x1f: {  	s28 =	simm.s32 $_size_execute0_lowered;
	s3 =	sadd.s32 s3, s5;
	[dreg:$0x0] =	wrdreg $0x0  }
0x20: {  	s5 =	sshll.u32 s28, $0x1;
	[dreg:$0x2] =	wrdreg s3  }
0x21: {  	[dreg:$0x3] =	wrdreg s5  }
0x22: {  	[dreg:$0x4] =	wrdreg $0xC0  }
0x23: {  	_ =	task [dreg:s7], $0x5FFFF  }
0x24: {  	[dreg:$0x1] =	wrdreg $0xFFFFFFFF  }
0x25: {  	[dreg:$0x0] =	wrdreg $0x60  }
0x26: {  	[dreg:$0x2] =	wrdreg s25  }
0x27: {  	[dreg:$0x3] =	wrdreg s2  }
0x28: {  	[dreg:$0x4] =	wrdreg $0x9  }
0x29: {  	_ =	task.clear_ibuf [dreg:s7], $0x5FFFF;
	_ =	strace $0x90000049  }
0x2a: {  	s29 =	simm.s32 $0x9;
	_ =	strace $0x8000004B  }
0x2b: {  	_ =	swait.ge [sflag:s29], $0x1  }
0x2c: {  	[sflag:s29] =	ssyncadd.s32 $0xFFFFFFFF  }
0x2d: {  	_ =	strace $0x9000004B  }
0x2e: {  	_ =	sfence  }
0x2f: {  	s30 =	sld [smem:$0x0];
	_ =	sdelay $0x2  }
0x30: {  	s31 =	sshll.u32 s1, $0xD;
	s1 =	sshrl.u32 s1, $0x2  }
0x31: {  	s3 =	sand.u32 $0x4000, s31;
	s1 =	sadd.s32 s1, s30  }
0x32: {  	s0 =	sor.u32 s3, s0;
	s1 =	sshll.u32 s1, $0x11  }
0x33: {  	s0 =	sor.u32 s1, s0  }
0x34: {  	s0 =	sadd.s32 $0x8F2B, s0  }
0x35: {  	[sflag:s0] =	ssyncadd.remote.s32 $0x1  }
0x36: {  	_ =	sfence.sel $0xFFFF  }
0x37: {  	[dreg:$0x0] =	wrdreg $0xFFFFFFFF;
	(pc) =	sbr.abs _section_cstart, $3  }
0x38: {  	[dreg:$0x1] =	wrdreg $0xFFFFFFFF  }
0x39: {  	_ =	task.clear_ibuf [dreg:s7], $0x2FFFF;
	_ =	strace $0x9FFFFFFF  }
0x3a: {  	(tm) =	ssettm $0x7FFFFFFF  }
0x3b: {  	_ =	shalt  }
tec
execute0_lowered:
.L_overlay_start_1:
0x0: {  	(tag) =	ssettag $0x1  }
0x1: {  	s0 =	srdreg.scid  }
0x2: {  	s1 =	sshll.u32 s0, $0x4  }
0x3: {  	s0 =	stileid.u32;
	s1 =	sand.u32 $0x10, s1  }
0x4: {  	s1 =	sor.u32 s0, s1  }
0x5: {  	s6 =	rddreg [dreg:$0x0];
	s4 =	simm.s32 $0x1;
	s2 =	sshll.u32 s1, $0x7  }
0x6: {  	s7 =	simm.s32 $0x2;
	s12 =	simm.s32 $0x0;
	s1 =	ssub.s32 $0x1000, s2  }
0x7: {  	s8 =	simm.s32 $0x8000;
	s13 =	simm.s32 $0x0;
	s3 =	sand.u32 $0xF80, s1  }
0x8: {  	s9 =	simm.s32 $0x0;
	s5 =	sshrl.u32 s1, $0xC;
	p0 =	sne.s32 s3, $0x0  }
.Ltmp0:
0x9: {  	s1 =	rddreg [dreg:$0x2];
	s4 =	simm.s32 @!p0 $0x0;
	(pc) =	sbr.rel .LBB1_1-.Ltmp0, $4  }
0xa: {  	s11 =	simm.s32 $0x0;
	s3 =	rddreg [dreg:$0x1];
	s5 =	sadd.s32 s4, s5  }
0xb: {  	_ =	strace $0x8000004A;
	s4 =	simm.s32 $0x1;
	s5 =	smul.u32 $0xC8, s5  }
0xc: {  	s6 =	sadd.s32 $0x1800, s6;
	s10 =	smov.u32 s2;
	[sflag:s4] =	ssyncpa.u1 $0x0  }
0xd: {  	p0 =	por $0x0, $0x0;
	[sflag:s7] =	ssyncpa.u1 $0x0;
	s7 =	sor.u32 $0x1, s5  }
.LBB1_4:
0xe: {  	s16 =	sshll.u32 s13, $0x3;
	s17 =	sand.u32 $0x78, s13  }
0xf: {  	s30 =	sand.u32 $0x7E00, s13;
	s12 =	sshll.u32 s12, $0xF;
	s16 =	sand.u32 $0xC00, s16  }
0x10: {  	[tilespmem:s15+$0x810 ss:$0x81] =	vst.msk $0xffff, v2;
	s31 =	sand.u32 $0x7, s13;
	s16 =	sor.u32 s17, s16;
	s17 =	sadd.s32 s3, s30  }
0x11: {  	[tilespmem:s15+$0x1020 ss:$0x81] =	vst.msk $0xffff, v0;
	s13 =	sshll.u32 s31, $0x12;
	s12 =	sadd.s32 s12, s17;
	s16 =	sshrl.u32 s16, $0x3  }
0x12: {  	[tilespmem:s15+$0x0 ss:$0x81] =	vst.msk $0xffff, v1;
	s13 =	sor.u32 $0x400, s13;
	s12 =	sadd.s32 s16, s12  }
0x13: {  	[hbm4b:s12+s13] =	stream.strided.scatter [tilespmem:s14], [sflag:$0x2], $0x2000, s8, s13, $0x20;
	[tilespmem:$0x8080] =	vst v63  }
.LBB1_5:
0x14: {  	s14 =	sadd.s32 $0x1, s9  }
0x15: {  	s12 =	sadd.s32 $0x1000, s10;
	s16 =	smov.u32 s10;
	p2 =	sgt.s32 s14, $0xC7  }
0x16: {  	s16 =	smov.u32 @p2 s12  }
0x17: {  	s14 =	simm.s32 @p2 $0x0;
	p2 =	sgt.s32 s16, $0xFFF  }
0x18: {  	s16 =	smov.u32 @p2 s2;
	p2 =	sne.s32 s11, s7  }
.Ltmp1:
0x19: {  	p1 =	slt.u32 s11, $0x2;
	(pc) =	sbr.rel @!p2 .LBB1_6-.Ltmp1, $4  }
0x1a: {  	s15 =	simm.s32 @!p1 $0x2  }
0x1b: {  	s13 =	smov.u32 s10;
	p0 =	por !p0, !p0;
	_ =	swait.ge @!p1 [sflag:s15], $0x2000  }
0x1c: {  	s12 =	smov.u32 s9;
	[sflag:s15] =	ssyncset.done @!p1 $0x0;
	s9 =	smov.u32 s14  }
0x1d: {  	s11 =	sadd.s32 $0x1, s11;
	[sflag:s15] =	ssyncadd.s32 @!p1 $0xFFFFE000;
	s10 =	smov.u32 s16  }
.LBB1_1:
0x1e: {  	p1 =	sge.u32 s11, s5  }
0x1f: {  	s14 =	sand.u32 @!p1 $0x1FFFFFF, s9  }
0x20: {  	s15 =	smulhi.u32 @!p1 $0x147AE15, s14;
	_ =	sdelay $0x1  }
0x21: {  	s15 =	smul.u32 @!p1 $0xC8, s15  }
0x22: {  	s16 =	sxor.u32 @!p1 $0xFFFFFFFF, s11;
	s17 =	smul.u32 @!p1 $0xC80, s10  }
0x23: {  	s31 =	sadd.s32 $0xFFFFFFFF, s11;
	s16 =	sshll.u32 @!p1 s16, $0xD;
	s14 =	ssub.s32 @!p1 s14, s15  }
0x24: {  	s15 =	sand.u32 @!p1 $0x2000, s16;
	s16 =	sadd.s32 @!p1 s6, s17;
	s14 =	sshll.u32 @!p1 s14, $0x4  }
0x25: {  	s17 =	simm.s32 @!p1 $0x6400;
	s14 =	sadd.s32 @!p1 s14, s16;
	s16 =	simm.s32 @!p1 $0x40  }
0x26: {  	[tilespmem:s15], [sflag:$0x1] =	stream.strided.gather @!p1 [hbm4b:s14+s16], $0x2000, s17, s16, $0x38;
	[tilespmem:$0x8080] =	vst v63  }
0x27: {  	p1 =	sge.u32 s31, s5  }
.Ltmp2:
0x28: {  	_ = 	snop;
	(pc) =	sbr.rel @p1 .LBB1_5-.Ltmp2, $1  }
0x29: {  	_ =	sdelay $0x3  }
0x2a: {  	s14 =	simm.s32 $0x1  }
0x2b: {  	_ =	swait.ge [sflag:s4], $0x2000;
	s14 =	simm.s32 @!p0 $0x0  }
0x2c: {  	[sflag:s4] =	ssyncset.done $0x0;
	s15 =	sshll.u32 s14, $0xD  }
0x2d: {  	[sflag:s4] =	ssyncadd.s32 $0xFFFFE000;
	s18 =	sor.u32 $0x20, s15  }
0x2e: {  	s14 =	smul.u32 $0x8100, s14;
	v3 =	vld [tilespmem:s18+$0x10]  }
0x2f: {  	s30 =	sand.u32 $0x1, s11;
	v2 =	vld [tilespmem:s18+$0xFFFFFFF0]  }
0x30: {  	s15 =	smul.u32 $0x8100, s30;
	s14 =	sshrl.u32 s14, $0x2;
	v0 =	vld [tilespmem:s18+$0x0]  }
0x31: {  	v1 =	vld [tilespmem:s18+$0xFFFFFFE0];
	s16 =	sor.u32 $0x4000, s14  }
0x32: {  	s31 =	sshrl.u32 s15, $0x2;
	s15 =	sadd.s32 $0x0, s16  }
0x33: {  	s17 =	simm.s32 $0x4;
	s18 =	sadd.s32 $0x40, s18;
	s14 =	sor.u32 $0x4000, s31;
	[tilespmem:s15+$0x1830 ss:$0x81] =	vst.msk $0xffff, v3  }
.LBB1_3:
0x34: {  	v3 =	vld [tilespmem:s18+$0x10];
	p1 =	sne.s32 s17, $0x1FC;
	[tilespmem:s15+$0x810 ss:$0x81] =	vst.msk $0xffff, v2;
	s19 =	smov.u32 s17;
	s17 =	sadd.s32 $0x4, s17  }
.Ltmp3:
0x35: {  	v2 =	vld [tilespmem:s18+$0xFFFFFFF0];
	[tilespmem:s15+$0x1020 ss:$0x81] =	vst.msk $0xffff, v0;
	(pc) =	sbr.rel @p1 .LBB1_3-.Ltmp3, $4  }
0x36: {  	v0 =	vld [tilespmem:s18+$0x0];
	[tilespmem:s15+$0x0 ss:$0x81] =	vst.msk $0xffff, v1  }
0x37: {  	s15 =	sshra.s32 s19, $0x2;
	v1 =	vld [tilespmem:s18+$0xFFFFFFE0]  }
0x38: {  	s15 =	sadd.s32 s15, s16  }
0x39: {  	s18 =	sadd.s32 $0x40, s18;
	[tilespmem:s15+$0x1830 ss:$0x81] =	vst.msk $0xffff, v3  }
.Ltmp4:
0x3a: {  	_ = 	snop;
	(pc) =	sbr.rel .LBB1_4-.Ltmp4, $1  }
0x3b: {  	_ =	sdelay $0x3  }
.LBB1_6:
0x3c: {  	_ =	sfence.sel $0x180000  }
0x3d: {  	s2 =	simm.s32 $0x1;
	[bflag:$0x0] =	sbarrier.arrive $0xFFFF  }
0x3e: {  	s31 =	simm.s32 $0x2;
	[sflag:s2] =	ssyncpa.u1 $0x1  }
0x3f: {  	[sflag:s31] =	ssyncpa.u1 $0x1  }
0x40: {  	p0 =	sne.s32 s0, $0x0;
	_ =	strace $0x9000004A  }
0x41: {  	s0 =	sadd.s32 @!p0 $0x100000, s1;
	[bflag:$0x2] =	sbarrier.arrive $0xFFFF  }
0x42: {  	[sflag:s0] =	ssyncadd.tile.s32 @!p0 $0x1;
	_ =	shalt  }
.Lfunc_end1:
_tile_overlayer_lowered:
.L_overlay_start_2:
0x43: {  	(tag) =	ssettag $0x2  }
0x44: {  	s0 =	rddreg [dreg:$0x0];
	s2 =	stileid.u32  }
0x45: {  	s1 =	rddreg [dreg:$0x1];
	p0 =	sne.s32 s2, $0x0  }
0x46: {  	s3 =	rddreg [dreg:$0x2];
	[bflag:$0x3] =	sbarrier.arrive $0xFFFF;
	s2 =	simm.s32 @!p0 $0x1C01  }
0x47: {  	[timem:s3], [sflag:s2] =	dma.local @!p0 [hbm:s0], s1  }
0x48: {  	s0 =	simm.s32 @!p0 $0x1  }
0x49: {  	_ =	swait.ge @!p0 [sflag:s0], s1  }
0x4a: {  	s1 =	ssub.s32 @!p0 $0x0, s1;
	[sflag:s0] =	ssyncset.done @!p0 $0x0  }
0x4b: {  	[sflag:s0] =	ssyncadd.s32 @!p0 s1  }
0x4c: {  	[bflag:$0x3] =	sbarrier.arrive $0xFFFF  }
0x4d: {  	_ =	shalt  }

</sc_bundles>
